<compile_context>
chip_gen: v7x
topology: tpu7x:2x2x1
jax: 0.10.2.dev20260603
libtpu: 0.0.44.dev20260713+nightly
codegen_flags: <defaults>
</compile_context>

<pallas_src>
import jax
import jax.numpy as jnp
from jax import lax
from jax.experimental import pallas as pl
from jax.experimental.pallas import tpu as pltpu
from jax.experimental.pallas import tpu_sc as plsc

BATCH = 16384
HIST = 50
D = 64
NC, NS = 2, 16
NW = NC * NS
BPW = BATCH // NW
K = 4
NSS = BPW // K


def _body(lut_hbm, x_hbm, out_hbm, idx_a, idx_b, g_a, g_b,
          gsem_a, gsem_b, osem_a, osem_b, isem_a, isem_b):
    wid = lax.axis_index("s") * NC + lax.axis_index("c")
    base = wid * BPW
    idx = (idx_a, idx_b)
    g = (g_a, g_b)
    gsem = (gsem_a, gsem_b)
    osem = (osem_a, osem_b)
    isem = (isem_a, isem_b)

    def fire_idx(ss, p):
        for k in range(K):
            pltpu.async_copy(x_hbm.at[base + ss * K + k], idx[p].at[k],
                             isem[p])

    def drain_idx(p):
        for k in range(K):
            pltpu.make_async_copy(x_hbm.at[0], idx[p].at[k], isem[p]).wait()

    def fire_gather(ss, p):
        for k in range(K):
            pltpu.async_copy(lut_hbm.at[idx[p].at[k]], g[p].at[k], gsem[p])

    def drain_gather(p):
        for k in range(K):
            pltpu.make_async_copy(lut_hbm.at[idx[p].at[0]], g[p].at[k],
                                  gsem[p]).wait()

    def fire_write(ss, p):
        for k in range(K):
            pltpu.async_copy(g[p].at[k], out_hbm.at[base + ss * K + k],
                             osem[p])

    def drain_write(p):
        for k in range(K):
            pltpu.make_async_copy(g[p].at[k], out_hbm.at[0], osem[p]).wait()

    fire_idx(0, 0)
    drain_idx(0)
    fire_gather(0, 0)
    fire_idx(1, 1)
    drain_idx(1)
    drain_gather(0)
    fire_write(0, 0)
    fire_gather(1, 1)
    fire_idx(2, 0)

    @pl.loop(0, NSS - 2, step=2)
    def _(i):
        for q in (0, 1):
            ss = i + 1 + q
            p = (1 + q) % 2
            drain_idx(1 - p)
            drain_gather(p)
            fire_write(ss, p)
            drain_write(1 - p)
            fire_gather(ss + 1, 1 - p)

            @pl.when(ss + 2 < NSS)
            def _():
                fire_idx(ss + 2, p)

    drain_gather(1)
    fire_write(NSS - 1, 1)
    drain_write(0)
    drain_write(1)


@jax.jit
def _call(lut, x):
    mesh = plsc.VectorSubcoreMesh(core_axis_name="c", subcore_axis_name="s",
                                  num_cores=NC, num_subcores=NS)
    return pl.kernel(
        _body,
        out_type=jax.ShapeDtypeStruct((BATCH, HIST, D), jnp.float32),
        mesh=mesh,
        scratch_types=[
            pltpu.VMEM((K, HIST), jnp.int32),
            pltpu.VMEM((K, HIST), jnp.int32),
            pltpu.VMEM((K, HIST, D), jnp.float32),
            pltpu.VMEM((K, HIST, D), jnp.float32),
            pltpu.SemaphoreType.DMA,
            pltpu.SemaphoreType.DMA,
            pltpu.SemaphoreType.DMA,
            pltpu.SemaphoreType.DMA,
            pltpu.SemaphoreType.DMA,
            pltpu.SemaphoreType.DMA,
        ],
        compiler_params=pltpu.CompilerParams(use_tc_tiling_on_sc=False),
    )(lut, x)


def kernel(x, lut):
    return _call(lut, x)

# --- scband reference (transcript-rebuilt; emitter-appended) ---
"""Pipeline reference for scband-pretrained-embeddings-47691316855338 (READ-ONLY COPY).

The authoritative reference and input builder live on the scoring server;
editing this copy changes nothing except your own understanding.
"""

import jax, jax.numpy as jnp
import numpy as np

VOCAB = 1000000
EMBED_DIM = 64
BATCH = 16384
HIST = 50
PADDING_IDX = 1

def setup_inputs(seed: int = 0) -> dict:
    key = jax.random.key(seed)
    k1, k2 = jax.random.split(key)
    x = jax.random.randint(k1, (BATCH, HIST), 0, VOCAB, dtype=jnp.int64 if jax.config.jax_enable_x64 else jnp.int32)
    lut = jax.random.normal(k2, (VOCAB, EMBED_DIM), dtype=jnp.float32)
    # nn.Embedding with padding_idx zeros that row of the table
    lut = lut.at[PADDING_IDX].set(0.0)
    return {"x": x, "lut": lut}

def reference(x, lut):
    # Embeddings.forward with scale=False: plain table lookup
    return jnp.take(lut, x, axis=0)

if __name__ == "__main__":
    import jax
    _d = setup_inputs()
    print(jax.jit(kernel)(*tuple(_d.values())))

</pallas_src>

<mosaic_0001>
#map = affine_map<(d0, d1) -> (0, 0)>
#map1 = affine_map<(d0, d1) -> (0, 0, 0)>
module attributes {stable_mosaic.version = 14 : i64} {
  func.func @_body(%arg0: i32, %arg1: i32, %arg2: memref<1000000x64xf32, #tpu.memory_space<hbm>>, %arg3: memref<16384x50xi32, #tpu.memory_space<hbm>>, %arg4: memref<16384x50x64xf32, #tpu.memory_space<hbm>>, %arg5: memref<4x50xi32, #tpu.memory_space<vmem>>, %arg6: memref<4x50xi32, #tpu.memory_space<vmem>>, %arg7: memref<4x50x64xf32, #tpu.memory_space<vmem>>, %arg8: memref<4x50x64xf32, #tpu.memory_space<vmem>>, %arg9: memref<!tpu.dma_semaphore, #tpu.memory_space<semaphore_mem>>, %arg10: memref<!tpu.dma_semaphore, #tpu.memory_space<semaphore_mem>>, %arg11: memref<!tpu.dma_semaphore, #tpu.memory_space<semaphore_mem>>, %arg12: memref<!tpu.dma_semaphore, #tpu.memory_space<semaphore_mem>>, %arg13: memref<!tpu.dma_semaphore, #tpu.memory_space<semaphore_mem>>, %arg14: memref<!tpu.dma_semaphore, #tpu.memory_space<semaphore_mem>>) attributes {dimension_semantics = [#tpu.dimension_semantics<core_parallel>, #tpu.dimension_semantics<subcore_parallel>], iteration_bounds = array<i64: 2, 16>, scalar_prefetch = 0 : i64, scratch_operands = 10 : i64, tpu.core_type = #tpu.core_type<sc_vector_subcore>, window_params = [{transform_indices = #map}, {transform_indices = #map}, {transform_indices = #map1}]} {
    %mul3A = arith.constant 2 : i32
    %mul3A_0 = arith.muli %arg1, %mul3A : i32
    %add3A = arith.addi %mul3A_0, %arg0 : i32
    %mul3A_1 = arith.constant 512 : i32
    %mul3A_2 = arith.muli %add3A, %mul3A_1 : i32
    %add3A_3 = arith.constant 0 : i32
    %add3A_4 = arith.addi %mul3A_2, %add3A_3 : i32
    %add3A_5 = arith.constant 0 : i32
    %add3A_6 = arith.addi %add3A_4, %add3A_5 : i32
    %dma_start3A = arith.constant 0 : i32
    %dma_start3A_7 = arith.constant 0 : i32
    %dma_start3A_8 = tpu.memref_slice %arg5[%dma_start3A, %dma_start3A_7] : memref<4x50xi32, #tpu.memory_space<vmem>> -> memref<1x50xi32, #tpu.memory_space<vmem>>
    %dma_start3A_9 = tpu.memref_squeeze %dma_start3A_8 : memref<1x50xi32, #tpu.memory_space<vmem>> -> memref<50xi32, #tpu.memory_space<vmem>>
    %dma_start3A_10 = arith.constant 0 : i32
    %dma_start3A_11 = tpu.memref_slice %arg3[%add3A_6, %dma_start3A_10] : memref<16384x50xi32, #tpu.memory_space<hbm>> -> memref<1x50xi32, #tpu.memory_space<hbm>>
    %dma_start3A_12 = tpu.memref_squeeze %dma_start3A_11 : memref<1x50xi32, #tpu.memory_space<hbm>> -> memref<50xi32, #tpu.memory_space<hbm>>
    %dma_start3A_13 = arith.constant 0 : i32
    %dma_start3A_14 = tpu.memref_slice %arg5[%dma_start3A, %dma_start3A_13] : memref<4x50xi32, #tpu.memory_space<vmem>> -> memref<1x50xi32, #tpu.memory_space<vmem>>
    %dma_start3A_15 = tpu.memref_squeeze %dma_start3A_14 : memref<1x50xi32, #tpu.memory_space<vmem>> -> memref<50xi32, #tpu.memory_space<vmem>>
    %dma_start3A_16 = arith.constant 0 : i32
    %dma_start3A_17 = tpu.memref_slice %arg3[%add3A_6, %dma_start3A_16] : memref<16384x50xi32, #tpu.memory_space<hbm>> -> memref<1x50xi32, #tpu.memory_space<hbm>>
    %dma_start3A_18 = tpu.memref_squeeze %dma_start3A_17 : memref<1x50xi32, #tpu.memory_space<hbm>> -> memref<50xi32, #tpu.memory_space<hbm>>
    tpu.enqueue_dma source(%dma_start3A_18 : memref<50xi32, #tpu.memory_space<hbm>>) target(%dma_start3A_15 : memref<50xi32, #tpu.memory_space<vmem>>) target_semaphore(%arg13 : memref<!tpu.dma_semaphore, #tpu.memory_space<semaphore_mem>>)
    %add3A_19 = arith.constant 0 : i32
    %add3A_20 = arith.addi %mul3A_2, %add3A_19 : i32
    %add3A_21 = arith.constant 1 : i32
    %add3A_22 = arith.addi %add3A_20, %add3A_21 : i32
    %dma_start3A_23 = arith.constant 1 : i32
    %dma_start3A_24 = arith.constant 0 : i32
    %dma_start3A_25 = tpu.memref_slice %arg5[%dma_start3A_23, %dma_start3A_24] : memref<4x50xi32, #tpu.memory_space<vmem>> -> memref<1x50xi32, #tpu.memory_space<vmem>>
    %dma_start3A_26 = tpu.memref_squeeze %dma_start3A_25 : memref<1x50xi32, #tpu.memory_space<vmem>> -> memref<50xi32, #tpu.memory_space<vmem>>
    %dma_start3A_27 = arith.constant 0 : i32
    %dma_start3A_28 = tpu.memref_slice %arg3[%add3A_22, %dma_start3A_27] : memref<16384x50xi32, #tpu.memory_space<hbm>> -> memref<1x50xi32, #tpu.memory_space<hbm>>
    %dma_start3A_29 = tpu.memref_squeeze %dma_start3A_28 : memref<1x50xi32, #tpu.memory_space<hbm>> -> memref<50xi32, #tpu.memory_space<hbm>>
    %dma_start3A_30 = arith.constant 0 : i32
    %dma_start3A_31 = tpu.memref_slice %arg5[%dma_start3A_23, %dma_start3A_30] : memref<4x50xi32, #tpu.memory_space<vmem>> -> memref<1x50xi32, #tpu.memory_space<vmem>>
    %dma_start3A_32 = tpu.memref_squeeze %dma_start3A_31 : memref<1x50xi32, #tpu.memory_space<vmem>> -> memref<50xi32, #tpu.memory_space<vmem>>
    %dma_start3A_33 = arith.constant 0 : i32
    %dma_start3A_34 = tpu.memref_slice %arg3[%add3A_22, %dma_start3A_33] : memref<16384x50xi32, #tpu.memory_space<hbm>> -> memref<1x50xi32, #tpu.memory_space<hbm>>
    %dma_start3A_35 = tpu.memref_squeeze %dma_start3A_34 : memref<1x50xi32, #tpu.memory_space<hbm>> -> memref<50xi32, #tpu.memory_space<hbm>>
    tpu.enqueue_dma source(%dma_start3A_35 : memref<50xi32, #tpu.memory_space<hbm>>) target(%dma_start3A_32 : memref<50xi32, #tpu.memory_space<vmem>>) target_semaphore(%arg13 : memref<!tpu.dma_semaphore, #tpu.memory_space<semaphore_mem>>)
    %add3A_36 = arith.constant 0 : i32
    %add3A_37 = arith.addi %mul3A_2, %add3A_36 : i32
    %add3A_38 = arith.constant 2 : i32
    %add3A_39 = arith.addi %add3A_37, %add3A_38 : i32
    %dma_start3A_40 = arith.constant 2 : i32
    %dma_start3A_41 = arith.constant 0 : i32
    %dma_start3A_42 = tpu.memref_slice %arg5[%dma_start3A_40, %dma_start3A_41] : memref<4x50xi32, #tpu.memory_space<vmem>> -> memref<1x50xi32, #tpu.memory_space<vmem>>
    %dma_start3A_43 = tpu.memref_squeeze %dma_start3A_42 : memref<1x50xi32, #tpu.memory_space<vmem>> -> memref<50xi32, #tpu.memory_space<vmem>>
    %dma_start3A_44 = arith.constant 0 : i32
    %dma_start3A_45 = tpu.memref_slice %arg3[%add3A_39, %dma_start3A_44] : memref<16384x50xi32, #tpu.memory_space<hbm>> -> memref<1x50xi32, #tpu.memory_space<hbm>>
    %dma_start3A_46 = tpu.memref_squeeze %dma_start3A_45 : memref<1x50xi32, #tpu.memory_space<hbm>> -> memref<50xi32, #tpu.memory_space<hbm>>
    %dma_start3A_47 = arith.constant 0 : i32
    %dma_start3A_48 = tpu.memref_slice %arg5[%dma_start3A_40, %dma_start3A_47] : memref<4x50xi32, #tpu.memory_space<vmem>> -> memref<1x50xi32, #tpu.memory_space<vmem>>
    %dma_start3A_49 = tpu.memref_squeeze %dma_start3A_48 : memref<1x50xi32, #tpu.memory_space<vmem>> -> memref<50xi32, #tpu.memory_space<vmem>>
    %dma_start3A_50 = arith.constant 0 : i32
    %dma_start3A_51 = tpu.memref_slice %arg3[%add3A_39, %dma_start3A_50] : memref<16384x50xi32, #tpu.memory_space<hbm>> -> memref<1x50xi32, #tpu.memory_space<hbm>>
    %dma_start3A_52 = tpu.memref_squeeze %dma_start3A_51 : memref<1x50xi32, #tpu.memory_space<hbm>> -> memref<50xi32, #tpu.memory_space<hbm>>
    tpu.enqueue_dma source(%dma_start3A_52 : memref<50xi32, #tpu.memory_space<hbm>>) target(%dma_start3A_49 : memref<50xi32, #tpu.memory_space<vmem>>) target_semaphore(%arg13 : memref<!tpu.dma_semaphore, #tpu.memory_space<semaphore_mem>>)
    %add3A_53 = arith.constant 0 : i32
    %add3A_54 = arith.addi %mul3A_2, %add3A_53 : i32
    %add3A_55 = arith.constant 3 : i32
    %add3A_56 = arith.addi %add3A_54, %add3A_55 : i32
    %dma_start3A_57 = arith.constant 3 : i32
    %dma_start3A_58 = arith.constant 0 : i32
    %dma_start3A_59 = tpu.memref_slice %arg5[%dma_start3A_57, %dma_start3A_58] : memref<4x50xi32, #tpu.memory_space<vmem>> -> memref<1x50xi32, #tpu.memory_space<vmem>>
    %dma_start3A_60 = tpu.memref_squeeze %dma_start3A_59 : memref<1x50xi32, #tpu.memory_space<vmem>> -> memref<50xi32, #tpu.memory_space<vmem>>
    %dma_start3A_61 = arith.constant 0 : i32
    %dma_start3A_62 = tpu.memref_slice %arg3[%add3A_56, %dma_start3A_61] : memref<16384x50xi32, #tpu.memory_space<hbm>> -> memref<1x50xi32, #tpu.memory_space<hbm>>
    %dma_start3A_63 = tpu.memref_squeeze %dma_start3A_62 : memref<1x50xi32, #tpu.memory_space<hbm>> -> memref<50xi32, #tpu.memory_space<hbm>>
    %dma_start3A_64 = arith.constant 0 : i32
    %dma_start3A_65 = tpu.memref_slice %arg5[%dma_start3A_57, %dma_start3A_64] : memref<4x50xi32, #tpu.memory_space<vmem>> -> memref<1x50xi32, #tpu.memory_space<vmem>>
    %dma_start3A_66 = tpu.memref_squeeze %dma_start3A_65 : memref<1x50xi32, #tpu.memory_space<vmem>> -> memref<50xi32, #tpu.memory_space<vmem>>
    %dma_start3A_67 = arith.constant 0 : i32
    %dma_start3A_68 = tpu.memref_slice %arg3[%add3A_56, %dma_start3A_67] : memref<16384x50xi32, #tpu.memory_space<hbm>> -> memref<1x50xi32, #tpu.memory_space<hbm>>
    %dma_start3A_69 = tpu.memref_squeeze %dma_start3A_68 : memref<1x50xi32, #tpu.memory_space<hbm>> -> memref<50xi32, #tpu.memory_space<hbm>>
    tpu.enqueue_dma source(%dma_start3A_69 : memref<50xi32, #tpu.memory_space<hbm>>) target(%dma_start3A_66 : memref<50xi32, #tpu.memory_space<vmem>>) target_semaphore(%arg13 : memref<!tpu.dma_semaphore, #tpu.memory_space<semaphore_mem>>)
    %dma_wait3A = arith.constant 0 : i32
    %dma_wait3A_70 = arith.constant 0 : i32
    %dma_wait3A_71 = arith.constant 0 : i32
    %dma_wait3A_72 = tpu.memref_slice %arg5[%dma_wait3A_70, %dma_wait3A_71] : memref<4x50xi32, #tpu.memory_space<vmem>> -> memref<1x50xi32, #tpu.memory_space<vmem>>
    %dma_wait3A_73 = tpu.memref_squeeze %dma_wait3A_72 : memref<1x50xi32, #tpu.memory_space<vmem>> -> memref<50xi32, #tpu.memory_space<vmem>>
    %dma_wait3A_74 = arith.constant 0 : i32
    %dma_wait3A_75 = tpu.memref_slice %arg3[%dma_wait3A, %dma_wait3A_74] : memref<16384x50xi32, #tpu.memory_space<hbm>> -> memref<1x50xi32, #tpu.memory_space<hbm>>
    %dma_wait3A_76 = tpu.memref_squeeze %dma_wait3A_75 : memref<1x50xi32, #tpu.memory_space<hbm>> -> memref<50xi32, #tpu.memory_space<hbm>>
    %dma_wait3A_77 = arith.constant 0 : i32
    %dma_wait3A_78 = tpu.memref_slice %arg5[%dma_wait3A_70, %dma_wait3A_77] : memref<4x50xi32, #tpu.memory_space<vmem>> -> memref<1x50xi32, #tpu.memory_space<vmem>>
    %dma_wait3A_79 = tpu.memref_squeeze %dma_wait3A_78 : memref<1x50xi32, #tpu.memory_space<vmem>> -> memref<50xi32, #tpu.memory_space<vmem>>
    %dma_wait3A_80 = arith.constant 0 : i32
    %dma_wait3A_81 = tpu.memref_slice %arg3[%dma_wait3A, %dma_wait3A_80] : memref<16384x50xi32, #tpu.memory_space<hbm>> -> memref<1x50xi32, #tpu.memory_space<hbm>>
    %dma_wait3A_82 = tpu.memref_squeeze %dma_wait3A_81 : memref<1x50xi32, #tpu.memory_space<hbm>> -> memref<50xi32, #tpu.memory_space<hbm>>
    tpu.wait_dma2 semaphore(%arg13 : memref<!tpu.dma_semaphore, #tpu.memory_space<semaphore_mem>>) src(%dma_wait3A_82 : memref<50xi32, #tpu.memory_space<hbm>>) dst(%dma_wait3A_79 : memref<50xi32, #tpu.memory_space<vmem>>)
    %dma_wait3A_83 = arith.constant 0 : i32
    %dma_wait3A_84 = arith.constant 1 : i32
    %dma_wait3A_85 = arith.constant 0 : i32
    %dma_wait3A_86 = tpu.memref_slice %arg5[%dma_wait3A_84, %dma_wait3A_85] : memref<4x50xi32, #tpu.memory_space<vmem>> -> memref<1x50xi32, #tpu.memory_space<vmem>>
    %dma_wait3A_87 = tpu.memref_squeeze %dma_wait3A_86 : memref<1x50xi32, #tpu.memory_space<vmem>> -> memref<50xi32, #tpu.memory_space<vmem>>
    %dma_wait3A_88 = arith.constant 0 : i32
    %dma_wait3A_89 = tpu.memref_slice %arg3[%dma_wait3A_83, %dma_wait3A_88] : memref<16384x50xi32, #tpu.memory_space<hbm>> -> memref<1x50xi32, #tpu.memory_space<hbm>>
    %dma_wait3A_90 = tpu.memref_squeeze %dma_wait3A_89 : memref<1x50xi32, #tpu.memory_space<hbm>> -> memref<50xi32, #tpu.memory_space<hbm>>
    %dma_wait3A_91 = arith.constant 0 : i32
    %dma_wait3A_92 = tpu.memref_slice %arg5[%dma_wait3A_84, %dma_wait3A_91] : memref<4x50xi32, #tpu.memory_space<vmem>> -> memref<1x50xi32, #tpu.memory_space<vmem>>
    %dma_wait3A_93 = tpu.memref_squeeze %dma_wait3A_92 : memref<1x50xi32, #tpu.memory_space<vmem>> -> memref<50xi32, #tpu.memory_space<vmem>>
    %dma_wait3A_94 = arith.constant 0 : i32
    %dma_wait3A_95 = tpu.memref_slice %arg3[%dma_wait3A_83, %dma_wait3A_94] : memref<16384x50xi32, #tpu.memory_space<hbm>> -> memref<1x50xi32, #tpu.memory_space<hbm>>
    %dma_wait3A_96 = tpu.memref_squeeze %dma_wait3A_95 : memref<1x50xi32, #tpu.memory_space<hbm>> -> memref<50xi32, #tpu.memory_space<hbm>>
    tpu.wait_dma2 semaphore(%arg13 : memref<!tpu.dma_semaphore, #tpu.memory_space<semaphore_mem>>) src(%dma_wait3A_96 : memref<50xi32, #tpu.memory_space<hbm>>) dst(%dma_wait3A_93 : memref<50xi32, #tpu.memory_space<vmem>>)
    %dma_wait3A_97 = arith.constant 0 : i32
    %dma_wait3A_98 = arith.constant 2 : i32
    %dma_wait3A_99 = arith.constant 0 : i32
    %dma_wait3A_100 = tpu.memref_slice %arg5[%dma_wait3A_98, %dma_wait3A_99] : memref<4x50xi32, #tpu.memory_space<vmem>> -> memref<1x50xi32, #tpu.memory_space<vmem>>
    %dma_wait3A_101 = tpu.memref_squeeze %dma_wait3A_100 : memref<1x50xi32, #tpu.memory_space<vmem>> -> memref<50xi32, #tpu.memory_space<vmem>>
    %dma_wait3A_102 = arith.constant 0 : i32
    %dma_wait3A_103 = tpu.memref_slice %arg3[%dma_wait3A_97, %dma_wait3A_102] : memref<16384x50xi32, #tpu.memory_space<hbm>> -> memref<1x50xi32, #tpu.memory_space<hbm>>
    %dma_wait3A_104 = tpu.memref_squeeze %dma_wait3A_103 : memref<1x50xi32, #tpu.memory_space<hbm>> -> memref<50xi32, #tpu.memory_space<hbm>>
    %dma_wait3A_105 = arith.constant 0 : i32
    %dma_wait3A_106 = tpu.memref_slice %arg5[%dma_wait3A_98, %dma_wait3A_105] : memref<4x50xi32, #tpu.memory_space<vmem>> -> memref<1x50xi32, #tpu.memory_space<vmem>>
    %dma_wait3A_107 = tpu.memref_squeeze %dma_wait3A_106 : memref<1x50xi32, #tpu.memory_space<vmem>> -> memref<50xi32, #tpu.memory_space<vmem>>
    %dma_wait3A_108 = arith.constant 0 : i32
    %dma_wait3A_109 = tpu.memref_slice %arg3[%dma_wait3A_97, %dma_wait3A_108] : memref<16384x50xi32, #tpu.memory_space<hbm>> -> memref<1x50xi32, #tpu.memory_space<hbm>>
    %dma_wait3A_110 = tpu.memref_squeeze %dma_wait3A_109 : memref<1x50xi32, #tpu.memory_space<hbm>> -> memref<50xi32, #tpu.memory_space<hbm>>
    tpu.wait_dma2 semaphore(%arg13 : memref<!tpu.dma_semaphore, #tpu.memory_space<semaphore_mem>>) src(%dma_wait3A_110 : memref<50xi32, #tpu.memory_space<hbm>>) dst(%dma_wait3A_107 : memref<50xi32, #tpu.memory_space<vmem>>)
    %dma_wait3A_111 = arith.constant 0 : i32
    %dma_wait3A_112 = arith.constant 3 : i32
    %dma_wait3A_113 = arith.constant 0 : i32
    %dma_wait3A_114 = tpu.memref_slice %arg5[%dma_wait3A_112, %dma_wait3A_113] : memref<4x50xi32, #tpu.memory_space<vmem>> -> memref<1x50xi32, #tpu.memory_space<vmem>>
    %dma_wait3A_115 = tpu.memref_squeeze %dma_wait3A_114 : memref<1x50xi32, #tpu.memory_space<vmem>> -> memref<50xi32, #tpu.memory_space<vmem>>
    %dma_wait3A_116 = arith.constant 0 : i32
    %dma_wait3A_117 = tpu.memref_slice %arg3[%dma_wait3A_111, %dma_wait3A_116] : memref<16384x50xi32, #tpu.memory_space<hbm>> -> memref<1x50xi32, #tpu.memory_space<hbm>>
    %dma_wait3A_118 = tpu.memref_squeeze %dma_wait3A_117 : memref<1x50xi32, #tpu.memory_space<hbm>> -> memref<50xi32, #tpu.memory_space<hbm>>
    %dma_wait3A_119 = arith.constant 0 : i32
    %dma_wait3A_120 = tpu.memref_slice %arg5[%dma_wait3A_112, %dma_wait3A_119] : memref<4x50xi32, #tpu.memory_space<vmem>> -> memref<1x50xi32, #tpu.memory_space<vmem>>
    %dma_wait3A_121 = tpu.memref_squeeze %dma_wait3A_120 : memref<1x50xi32, #tpu.memory_space<vmem>> -> memref<50xi32, #tpu.memory_space<vmem>>
    %dma_wait3A_122 = arith.constant 0 : i32
    %dma_wait3A_123 = tpu.memref_slice %arg3[%dma_wait3A_111, %dma_wait3A_122] : memref<16384x50xi32, #tpu.memory_space<hbm>> -> memref<1x50xi32, #tpu.memory_space<hbm>>
    %dma_wait3A_124 = tpu.memref_squeeze %dma_wait3A_123 : memref<1x50xi32, #tpu.memory_space<hbm>> -> memref<50xi32, #tpu.memory_space<hbm>>
    tpu.wait_dma2 semaphore(%arg13 : memref<!tpu.dma_semaphore, #tpu.memory_space<semaphore_mem>>) src(%dma_wait3A_124 : memref<50xi32, #tpu.memory_space<hbm>>) dst(%dma_wait3A_121 : memref<50xi32, #tpu.memory_space<vmem>>)
    %dma_start3A_125 = arith.constant 0 : i32
    %dma_start3A_126 = arith.constant 0 : i32
    %dma_start3A_127 = arith.constant 0 : i32
    %dma_start3A_128 = arith.constant 0 : i32
    %dma_start3A_129 = tpu.memref_slice %arg7[%dma_start3A_126, %dma_start3A_127, %dma_start3A_128] : memref<4x50x64xf32, #tpu.memory_space<vmem>> -> memref<1x50x64xf32, #tpu.memory_space<vmem>>
    %dma_start3A_130 = tpu.memref_squeeze %dma_start3A_129 : memref<1x50x64xf32, #tpu.memory_space<vmem>> -> memref<50x64xf32, #tpu.memory_space<vmem>>
    %dma_start3A_131 = arith.constant 0 : i32
    %dma_start3A_132 = tpu.memref_slice %arg5[%dma_start3A_125, %dma_start3A_131] : memref<4x50xi32, #tpu.memory_space<vmem>> -> memref<1x50xi32, #tpu.memory_space<vmem>>
    %dma_start3A_133 = tpu.memref_squeeze %dma_start3A_132 : memref<1x50xi32, #tpu.memory_space<vmem>> -> memref<50xi32, #tpu.memory_space<vmem>>
    %dma_start3A_134 = arith.constant 0 : i32
    %dma_start3A_135 = arith.constant 0 : i32
    %dma_start3A_136 = tpu.memref_slice %arg2[%dma_start3A_134, %dma_start3A_135] : memref<1000000x64xf32, #tpu.memory_space<hbm>> -> memref<1000000x64xf32, #tpu.memory_space<hbm>>
    tpu.enqueue_indirect_dma source(%dma_start3A_136 : memref<1000000x64xf32, #tpu.memory_space<hbm>>) target(%dma_start3A_130 : memref<50x64xf32, #tpu.memory_space<vmem>>) offsets(%dma_start3A_133 : memref<50xi32, #tpu.memory_space<vmem>>) semaphore(%arg9 : memref<!tpu.dma_semaphore, #tpu.memory_space<semaphore_mem>>)
    %dma_start3A_137 = arith.constant 1 : i32
    %dma_start3A_138 = arith.constant 1 : i32
    %dma_start3A_139 = arith.constant 0 : i32
    %dma_start3A_140 = arith.constant 0 : i32
    %dma_start3A_141 = tpu.memref_slice %arg7[%dma_start3A_138, %dma_start3A_139, %dma_start3A_140] : memref<4x50x64xf32, #tpu.memory_space<vmem>> -> memref<1x50x64xf32, #tpu.memory_space<vmem>>
    %dma_start3A_142 = tpu.memref_squeeze %dma_start3A_141 : memref<1x50x64xf32, #tpu.memory_space<vmem>> -> memref<50x64xf32, #tpu.memory_space<vmem>>
    %dma_start3A_143 = arith.constant 0 : i32
    %dma_start3A_144 = tpu.memref_slice %arg5[%dma_start3A_137, %dma_start3A_143] : memref<4x50xi32, #tpu.memory_space<vmem>> -> memref<1x50xi32, #tpu.memory_space<vmem>>
    %dma_start3A_145 = tpu.memref_squeeze %dma_start3A_144 : memref<1x50xi32, #tpu.memory_space<vmem>> -> memref<50xi32, #tpu.memory_space<vmem>>
    %dma_start3A_146 = arith.constant 0 : i32
    %dma_start3A_147 = arith.constant 0 : i32
    %dma_start3A_148 = tpu.memref_slice %arg2[%dma_start3A_146, %dma_start3A_147] : memref<1000000x64xf32, #tpu.memory_space<hbm>> -> memref<1000000x64xf32, #tpu.memory_space<hbm>>
    tpu.enqueue_indirect_dma source(%dma_start3A_148 : memref<1000000x64xf32, #tpu.memory_space<hbm>>) target(%dma_start3A_142 : memref<50x64xf32, #tpu.memory_space<vmem>>) offsets(%dma_start3A_145 : memref<50xi32, #tpu.memory_space<vmem>>) semaphore(%arg9 : memref<!tpu.dma_semaphore, #tpu.memory_space<semaphore_mem>>)
    %dma_start3A_149 = arith.constant 2 : i32
    %dma_start3A_150 = arith.constant 2 : i32
    %dma_start3A_151 = arith.constant 0 : i32
    %dma_start3A_152 = arith.constant 0 : i32
    %dma_start3A_153 = tpu.memref_slice %arg7[%dma_start3A_150, %dma_start3A_151, %dma_start3A_152] : memref<4x50x64xf32, #tpu.memory_space<vmem>> -> memref<1x50x64xf32, #tpu.memory_space<vmem>>
    %dma_start3A_154 = tpu.memref_squeeze %dma_start3A_153 : memref<1x50x64xf32, #tpu.memory_space<vmem>> -> memref<50x64xf32, #tpu.memory_space<vmem>>
    %dma_start3A_155 = arith.constant 0 : i32
    %dma_start3A_156 = tpu.memref_slice %arg5[%dma_start3A_149, %dma_start3A_155] : memref<4x50xi32, #tpu.memory_space<vmem>> -> memref<1x50xi32, #tpu.memory_space<vmem>>
    %dma_start3A_157 = tpu.memref_squeeze %dma_start3A_156 : memref<1x50xi32, #tpu.memory_space<vmem>> -> memref<50xi32, #tpu.memory_space<vmem>>
    %dma_start3A_158 = arith.constant 0 : i32
    %dma_start3A_159 = arith.constant 0 : i32
    %dma_start3A_160 = tpu.memref_slice %arg2[%dma_start3A_158, %dma_start3A_159] : memref<1000000x64xf32, #tpu.memory_space<hbm>> -> memref<1000000x64xf32, #tpu.memory_space<hbm>>
    tpu.enqueue_indirect_dma source(%dma_start3A_160 : memref<1000000x64xf32, #tpu.memory_space<hbm>>) target(%dma_start3A_154 : memref<50x64xf32, #tpu.memory_space<vmem>>) offsets(%dma_start3A_157 : memref<50xi32, #tpu.memory_space<vmem>>) semaphore(%arg9 : memref<!tpu.dma_semaphore, #tpu.memory_space<semaphore_mem>>)
    %dma_start3A_161 = arith.constant 3 : i32
    %dma_start3A_162 = arith.constant 3 : i32
    %dma_start3A_163 = arith.constant 0 : i32
    %dma_start3A_164 = arith.constant 0 : i32
    %dma_start3A_165 = tpu.memref_slice %arg7[%dma_start3A_162, %dma_start3A_163, %dma_start3A_164] : memref<4x50x64xf32, #tpu.memory_space<vmem>> -> memref<1x50x64xf32, #tpu.memory_space<vmem>>
    %dma_start3A_166 = tpu.memref_squeeze %dma_start3A_165 : memref<1x50x64xf32, #tpu.memory_space<vmem>> -> memref<50x64xf32, #tpu.memory_space<vmem>>
    %dma_start3A_167 = arith.constant 0 : i32
    %dma_start3A_168 = tpu.memref_slice %arg5[%dma_start3A_161, %dma_start3A_167] : memref<4x50xi32, #tpu.memory_space<vmem>> -> memref<1x50xi32, #tpu.memory_space<vmem>>
    %dma_start3A_169 = tpu.memref_squeeze %dma_start3A_168 : memref<1x50xi32, #tpu.memory_space<vmem>> -> memref<50xi32, #tpu.memory_space<vmem>>
    %dma_start3A_170 = arith.constant 0 : i32
    %dma_start3A_171 = arith.constant 0 : i32
    %dma_start3A_172 = tpu.memref_slice %arg2[%dma_start3A_170, %dma_start3A_171] : memref<1000000x64xf32, #tpu.memory_space<hbm>> -> memref<1000000x64xf32, #tpu.memory_space<hbm>>
    tpu.enqueue_indirect_dma source(%dma_start3A_172 : memref<1000000x64xf32, #tpu.memory_space<hbm>>) target(%dma_start3A_166 : memref<50x64xf32, #tpu.memory_space<vmem>>) offsets(%dma_start3A_169 : memref<50xi32, #tpu.memory_space<vmem>>) semaphore(%arg9 : memref<!tpu.dma_semaphore, #tpu.memory_space<semaphore_mem>>)
    %add3A_173 = arith.constant 4 : i32
    %add3A_174 = arith.addi %mul3A_2, %add3A_173 : i32
    %add3A_175 = arith.constant 0 : i32
    %add3A_176 = arith.addi %add3A_174, %add3A_175 : i32
    %dma_start3A_177 = arith.constant 0 : i32
    %dma_start3A_178 = arith.constant 0 : i32
    %dma_start3A_179 = tpu.memref_slice %arg6[%dma_start3A_177, %dma_start3A_178] : memref<4x50xi32, #tpu.memory_space<vmem>> -> memref<1x50xi32, #tpu.memory_space<vmem>>
    %dma_start3A_180 = tpu.memref_squeeze %dma_start3A_179 : memref<1x50xi32, #tpu.memory_space<vmem>> -> memref<50xi32, #tpu.memory_space<vmem>>
    %dma_start3A_181 = arith.constant 0 : i32
    %dma_start3A_182 = tpu.memref_slice %arg3[%add3A_176, %dma_start3A_181] : memref<16384x50xi32, #tpu.memory_space<hbm>> -> memref<1x50xi32, #tpu.memory_space<hbm>>
    %dma_start3A_183 = tpu.memref_squeeze %dma_start3A_182 : memref<1x50xi32, #tpu.memory_space<hbm>> -> memref<50xi32, #tpu.memory_space<hbm>>
    %dma_start3A_184 = arith.constant 0 : i32
    %dma_start3A_185 = tpu.memref_slice %arg6[%dma_start3A_177, %dma_start3A_184] : memref<4x50xi32, #tpu.memory_space<vmem>> -> memref<1x50xi32, #tpu.memory_space<vmem>>
    %dma_start3A_186 = tpu.memref_squeeze %dma_start3A_185 : memref<1x50xi32, #tpu.memory_space<vmem>> -> memref<50xi32, #tpu.memory_space<vmem>>
    %dma_start3A_187 = arith.constant 0 : i32
    %dma_start3A_188 = tpu.memref_slice %arg3[%add3A_176, %dma_start3A_187] : memref<16384x50xi32, #tpu.memory_space<hbm>> -> memref<1x50xi32, #tpu.memory_space<hbm>>
    %dma_start3A_189 = tpu.memref_squeeze %dma_start3A_188 : memref<1x50xi32, #tpu.memory_space<hbm>> -> memref<50xi32, #tpu.memory_space<hbm>>
    tpu.enqueue_dma source(%dma_start3A_189 : memref<50xi32, #tpu.memory_space<hbm>>) target(%dma_start3A_186 : memref<50xi32, #tpu.memory_space<vmem>>) target_semaphore(%arg14 : memref<!tpu.dma_semaphore, #tpu.memory_space<semaphore_mem>>)
    %add3A_190 = arith.constant 4 : i32
    %add3A_191 = arith.addi %mul3A_2, %add3A_190 : i32
    %add3A_192 = arith.constant 1 : i32
    %add3A_193 = arith.addi %add3A_191, %add3A_192 : i32
    %dma_start3A_194 = arith.constant 1 : i32
    %dma_start3A_195 = arith.constant 0 : i32
    %dma_start3A_196 = tpu.memref_slice %arg6[%dma_start3A_194, %dma_start3A_195] : memref<4x50xi32, #tpu.memory_space<vmem>> -> memref<1x50xi32, #tpu.memory_space<vmem>>
    %dma_start3A_197 = tpu.memref_squeeze %dma_start3A_196 : memref<1x50xi32, #tpu.memory_space<vmem>> -> memref<50xi32, #tpu.memory_space<vmem>>
    %dma_start3A_198 = arith.constant 0 : i32
    %dma_start3A_199 = tpu.memref_slice %arg3[%add3A_193, %dma_start3A_198] : memref<16384x50xi32, #tpu.memory_space<hbm>> -> memref<1x50xi32, #tpu.memory_space<hbm>>
    %dma_start3A_200 = tpu.memref_squeeze %dma_start3A_199 : memref<1x50xi32, #tpu.memory_space<hbm>> -> memref<50xi32, #tpu.memory_space<hbm>>
    %dma_start3A_201 = arith.constant 0 : i32
    %dma_start3A_202 = tpu.memref_slice %arg6[%dma_start3A_194, %dma_start3A_201] : memref<4x50xi32, #tpu.memory_space<vmem>> -> memref<1x50xi32, #tpu.memory_space<vmem>>
    %dma_start3A_203 = tpu.memref_squeeze %dma_start3A_202 : memref<1x50xi32, #tpu.memory_space<vmem>> -> memref<50xi32, #tpu.memory_space<vmem>>
    %dma_start3A_204 = arith.constant 0 : i32
    %dma_start3A_205 = tpu.memref_slice %arg3[%add3A_193, %dma_start3A_204] : memref<16384x50xi32, #tpu.memory_space<hbm>> -> memref<1x50xi32, #tpu.memory_space<hbm>>
    %dma_start3A_206 = tpu.memref_squeeze %dma_start3A_205 : memref<1x50xi32, #tpu.memory_space<hbm>> -> memref<50xi32, #tpu.memory_space<hbm>>
    tpu.enqueue_dma source(%dma_start3A_206 : memref<50xi32, #tpu.memory_space<hbm>>) target(%dma_start3A_203 : memref<50xi32, #tpu.memory_space<vmem>>) target_semaphore(%arg14 : memref<!tpu.dma_semaphore, #tpu.memory_space<semaphore_mem>>)
    %add3A_207 = arith.constant 4 : i32
    %add3A_208 = arith.addi %mul3A_2, %add3A_207 : i32
    %add3A_209 = arith.constant 2 : i32
    %add3A_210 = arith.addi %add3A_208, %add3A_209 : i32
    %dma_start3A_211 = arith.constant 2 : i32
    %dma_start3A_212 = arith.constant 0 : i32
    %dma_start3A_213 = tpu.memref_slice %arg6[%dma_start3A_211, %dma_start3A_212] : memref<4x50xi32, #tpu.memory_space<vmem>> -> memref<1x50xi32, #tpu.memory_space<vmem>>
    %dma_start3A_214 = tpu.memref_squeeze %dma_start3A_213 : memref<1x50xi32, #tpu.memory_space<vmem>> -> memref<50xi32, #tpu.memory_space<vmem>>
    %dma_start3A_215 = arith.constant 0 : i32
    %dma_start3A_216 = tpu.memref_slice %arg3[%add3A_210, %dma_start3A_215] : memref<16384x50xi32, #tpu.memory_space<hbm>> -> memref<1x50xi32, #tpu.memory_space<hbm>>
    %dma_start3A_217 = tpu.memref_squeeze %dma_start3A_216 : memref<1x50xi32, #tpu.memory_space<hbm>> -> memref<50xi32, #tpu.memory_space<hbm>>
    %dma_start3A_218 = arith.constant 0 : i32
    %dma_start3A_219 = tpu.memref_slice %arg6[%dma_start3A_211, %dma_start3A_218] : memref<4x50xi32, #tpu.memory_space<vmem>> -> memref<1x50xi32, #tpu.memory_space<vmem>>
    %dma_start3A_220 = tpu.memref_squeeze %dma_start3A_219 : memref<1x50xi32, #tpu.memory_space<vmem>> -> memref<50xi32, #tpu.memory_space<vmem>>
    %dma_start3A_221 = arith.constant 0 : i32
    %dma_start3A_222 = tpu.memref_slice %arg3[%add3A_210, %dma_start3A_221] : memref<16384x50xi32, #tpu.memory_space<hbm>> -> memref<1x50xi32, #tpu.memory_space<hbm>>
    %dma_start3A_223 = tpu.memref_squeeze %dma_start3A_222 : memref<1x50xi32, #tpu.memory_space<hbm>> -> memref<50xi32, #tpu.memory_space<hbm>>
    tpu.enqueue_dma source(%dma_start3A_223 : memref<50xi32, #tpu.memory_space<hbm>>) target(%dma_start3A_220 : memref<50xi32, #tpu.memory_space<vmem>>) target_semaphore(%arg14 : memref<!tpu.dma_semaphore, #tpu.memory_space<semaphore_mem>>)
    %add3A_224 = arith.constant 4 : i32
    %add3A_225 = arith.addi %mul3A_2, %add3A_224 : i32
    %add3A_226 = arith.constant 3 : i32
    %add3A_227 = arith.addi %add3A_225, %add3A_226 : i32
    %dma_start3A_228 = arith.constant 3 : i32
    %dma_start3A_229 = arith.constant 0 : i32
    %dma_start3A_230 = tpu.memref_slice %arg6[%dma_start3A_228, %dma_start3A_229] : memref<4x50xi32, #tpu.memory_space<vmem>> -> memref<1x50xi32, #tpu.memory_space<vmem>>
    %dma_start3A_231 = tpu.memref_squeeze %dma_start3A_230 : memref<1x50xi32, #tpu.memory_space<vmem>> -> memref<50xi32, #tpu.memory_space<vmem>>
    %dma_start3A_232 = arith.constant 0 : i32
    %dma_start3A_233 = tpu.memref_slice %arg3[%add3A_227, %dma_start3A_232] : memref<16384x50xi32, #tpu.memory_space<hbm>> -> memref<1x50xi32, #tpu.memory_space<hbm>>
    %dma_start3A_234 = tpu.memref_squeeze %dma_start3A_233 : memref<1x50xi32, #tpu.memory_space<hbm>> -> memref<50xi32, #tpu.memory_space<hbm>>
    %dma_start3A_235 = arith.constant 0 : i32
    %dma_start3A_236 = tpu.memref_slice %arg6[%dma_start3A_228, %dma_start3A_235] : memref<4x50xi32, #tpu.memory_space<vmem>> -> memref<1x50xi32, #tpu.memory_space<vmem>>
    %dma_start3A_237 = tpu.memref_squeeze %dma_start3A_236 : memref<1x50xi32, #tpu.memory_space<vmem>> -> memref<50xi32, #tpu.memory_space<vmem>>
    %dma_start3A_238 = arith.constant 0 : i32
    %dma_start3A_239 = tpu.memref_slice %arg3[%add3A_227, %dma_start3A_238] : memref<16384x50xi32, #tpu.memory_space<hbm>> -> memref<1x50xi32, #tpu.memory_space<hbm>>
    %dma_start3A_240 = tpu.memref_squeeze %dma_start3A_239 : memref<1x50xi32, #tpu.memory_space<hbm>> -> memref<50xi32, #tpu.memory_space<hbm>>
    tpu.enqueue_dma source(%dma_start3A_240 : memref<50xi32, #tpu.memory_space<hbm>>) target(%dma_start3A_237 : memref<50xi32, #tpu.memory_space<vmem>>) target_semaphore(%arg14 : memref<!tpu.dma_semaphore, #tpu.memory_space<semaphore_mem>>)
    %dma_wait3A_241 = arith.constant 0 : i32
    %dma_wait3A_242 = arith.constant 0 : i32
    %dma_wait3A_243 = arith.constant 0 : i32
    %dma_wait3A_244 = tpu.memref_slice %arg6[%dma_wait3A_242, %dma_wait3A_243] : memref<4x50xi32, #tpu.memory_space<vmem>> -> memref<1x50xi32, #tpu.memory_space<vmem>>
    %dma_wait3A_245 = tpu.memref_squeeze %dma_wait3A_244 : memref<1x50xi32, #tpu.memory_space<vmem>> -> memref<50xi32, #tpu.memory_space<vmem>>
    %dma_wait3A_246 = arith.constant 0 : i32
    %dma_wait3A_247 = tpu.memref_slice %arg3[%dma_wait3A_241, %dma_wait3A_246] : memref<16384x50xi32, #tpu.memory_space<hbm>> -> memref<1x50xi32, #tpu.memory_space<hbm>>
    %dma_wait3A_248 = tpu.memref_squeeze %dma_wait3A_247 : memref<1x50xi32, #tpu.memory_space<hbm>> -> memref<50xi32, #tpu.memory_space<hbm>>
    %dma_wait3A_249 = arith.constant 0 : i32
    %dma_wait3A_250 = tpu.memref_slice %arg6[%dma_wait3A_242, %dma_wait3A_249] : memref<4x50xi32, #tpu.memory_space<vmem>> -> memref<1x50xi32, #tpu.memory_space<vmem>>
    %dma_wait3A_251 = tpu.memref_squeeze %dma_wait3A_250 : memref<1x50xi32, #tpu.memory_space<vmem>> -> memref<50xi32, #tpu.memory_space<vmem>>
    %dma_wait3A_252 = arith.constant 0 : i32
    %dma_wait3A_253 = tpu.memref_slice %arg3[%dma_wait3A_241, %dma_wait3A_252] : memref<16384x50xi32, #tpu.memory_space<hbm>> -> memref<1x50xi32, #tpu.memory_space<hbm>>
    %dma_wait3A_254 = tpu.memref_squeeze %dma_wait3A_253 : memref<1x50xi32, #tpu.memory_space<hbm>> -> memref<50xi32, #tpu.memory_space<hbm>>
    tpu.wait_dma2 semaphore(%arg14 : memref<!tpu.dma_semaphore, #tpu.memory_space<semaphore_mem>>) src(%dma_wait3A_254 : memref<50xi32, #tpu.memory_space<hbm>>) dst(%dma_wait3A_251 : memref<50xi32, #tpu.memory_space<vmem>>)
    %dma_wait3A_255 = arith.constant 0 : i32
    %dma_wait3A_256 = arith.constant 1 : i32
    %dma_wait3A_257 = arith.constant 0 : i32
    %dma_wait3A_258 = tpu.memref_slice %arg6[%dma_wait3A_256, %dma_wait3A_257] : memref<4x50xi32, #tpu.memory_space<vmem>> -> memref<1x50xi32, #tpu.memory_space<vmem>>
    %dma_wait3A_259 = tpu.memref_squeeze %dma_wait3A_258 : memref<1x50xi32, #tpu.memory_space<vmem>> -> memref<50xi32, #tpu.memory_space<vmem>>
    %dma_wait3A_260 = arith.constant 0 : i32
    %dma_wait3A_261 = tpu.memref_slice %arg3[%dma_wait3A_255, %dma_wait3A_260] : memref<16384x50xi32, #tpu.memory_space<hbm>> -> memref<1x50xi32, #tpu.memory_space<hbm>>
    %dma_wait3A_262 = tpu.memref_squeeze %dma_wait3A_261 : memref<1x50xi32, #tpu.memory_space<hbm>> -> memref<50xi32, #tpu.memory_space<hbm>>
    %dma_wait3A_263 = arith.constant 0 : i32
    %dma_wait3A_264 = tpu.memref_slice %arg6[%dma_wait3A_256, %dma_wait3A_263] : memref<4x50xi32, #tpu.memory_space<vmem>> -> memref<1x50xi32, #tpu.memory_space<vmem>>
    %dma_wait3A_265 = tpu.memref_squeeze %dma_wait3A_264 : memref<1x50xi32, #tpu.memory_space<vmem>> -> memref<50xi32, #tpu.memory_space<vmem>>
    %dma_wait3A_266 = arith.constant 0 : i32
    %dma_wait3A_267 = tpu.memref_slice %arg3[%dma_wait3A_255, %dma_wait3A_266] : memref<16384x50xi32, #tpu.memory_space<hbm>> -> memref<1x50xi32, #tpu.memory_space<hbm>>
    %dma_wait3A_268 = tpu.memref_squeeze %dma_wait3A_267 : memref<1x50xi32, #tpu.memory_space<hbm>> -> memref<50xi32, #tpu.memory_space<hbm>>
    tpu.wait_dma2 semaphore(%arg14 : memref<!tpu.dma_semaphore, #tpu.memory_space<semaphore_mem>>) src(%dma_wait3A_268 : memref<50xi32, #tpu.memory_space<hbm>>) dst(%dma_wait3A_265 : memref<50xi32, #tpu.memory_space<vmem>>)
    %dma_wait3A_269 = arith.constant 0 : i32
    %dma_wait3A_270 = arith.constant 2 : i32
    %dma_wait3A_271 = arith.constant 0 : i32
    %dma_wait3A_272 = tpu.memref_slice %arg6[%dma_wait3A_270, %dma_wait3A_271] : memref<4x50xi32, #tpu.memory_space<vmem>> -> memref<1x50xi32, #tpu.memory_space<vmem>>
    %dma_wait3A_273 = tpu.memref_squeeze %dma_wait3A_272 : memref<1x50xi32, #tpu.memory_space<vmem>> -> memref<50xi32, #tpu.memory_space<vmem>>
    %dma_wait3A_274 = arith.constant 0 : i32
    %dma_wait3A_275 = tpu.memref_slice %arg3[%dma_wait3A_269, %dma_wait3A_274] : memref<16384x50xi32, #tpu.memory_space<hbm>> -> memref<1x50xi32, #tpu.memory_space<hbm>>
    %dma_wait3A_276 = tpu.memref_squeeze %dma_wait3A_275 : memref<1x50xi32, #tpu.memory_space<hbm>> -> memref<50xi32, #tpu.memory_space<hbm>>
    %dma_wait3A_277 = arith.constant 0 : i32
    %dma_wait3A_278 = tpu.memref_slice %arg6[%dma_wait3A_270, %dma_wait3A_277] : memref<4x50xi32, #tpu.memory_space<vmem>> -> memref<1x50xi32, #tpu.memory_space<vmem>>
    %dma_wait3A_279 = tpu.memref_squeeze %dma_wait3A_278 : memref<1x50xi32, #tpu.memory_space<vmem>> -> memref<50xi32, #tpu.memory_space<vmem>>
    %dma_wait3A_280 = arith.constant 0 : i32
    %dma_wait3A_281 = tpu.memref_slice %arg3[%dma_wait3A_269, %dma_wait3A_280] : memref<16384x50xi32, #tpu.memory_space<hbm>> -> memref<1x50xi32, #tpu.memory_space<hbm>>
    %dma_wait3A_282 = tpu.memref_squeeze %dma_wait3A_281 : memref<1x50xi32, #tpu.memory_space<hbm>> -> memref<50xi32, #tpu.memory_space<hbm>>
    tpu.wait_dma2 semaphore(%arg14 : memref<!tpu.dma_semaphore, #tpu.memory_space<semaphore_mem>>) src(%dma_wait3A_282 : memref<50xi32, #tpu.memory_space<hbm>>) dst(%dma_wait3A_279 : memref<50xi32, #tpu.memory_space<vmem>>)
    %dma_wait3A_283 = arith.constant 0 : i32
    %dma_wait3A_284 = arith.constant 3 : i32
    %dma_wait3A_285 = arith.constant 0 : i32
    %dma_wait3A_286 = tpu.memref_slice %arg6[%dma_wait3A_284, %dma_wait3A_285] : memref<4x50xi32, #tpu.memory_space<vmem>> -> memref<1x50xi32, #tpu.memory_space<vmem>>
    %dma_wait3A_287 = tpu.memref_squeeze %dma_wait3A_286 : memref<1x50xi32, #tpu.memory_space<vmem>> -> memref<50xi32, #tpu.memory_space<vmem>>
    %dma_wait3A_288 = arith.constant 0 : i32
    %dma_wait3A_289 = tpu.memref_slice %arg3[%dma_wait3A_283, %dma_wait3A_288] : memref<16384x50xi32, #tpu.memory_space<hbm>> -> memref<1x50xi32, #tpu.memory_space<hbm>>
    %dma_wait3A_290 = tpu.memref_squeeze %dma_wait3A_289 : memref<1x50xi32, #tpu.memory_space<hbm>> -> memref<50xi32, #tpu.memory_space<hbm>>
    %dma_wait3A_291 = arith.constant 0 : i32
    %dma_wait3A_292 = tpu.memref_slice %arg6[%dma_wait3A_284, %dma_wait3A_291] : memref<4x50xi32, #tpu.memory_space<vmem>> -> memref<1x50xi32, #tpu.memory_space<vmem>>
    %dma_wait3A_293 = tpu.memref_squeeze %dma_wait3A_292 : memref<1x50xi32, #tpu.memory_space<vmem>> -> memref<50xi32, #tpu.memory_space<vmem>>
    %dma_wait3A_294 = arith.constant 0 : i32
    %dma_wait3A_295 = tpu.memref_slice %arg3[%dma_wait3A_283, %dma_wait3A_294] : memref<16384x50xi32, #tpu.memory_space<hbm>> -> memref<1x50xi32, #tpu.memory_space<hbm>>
    %dma_wait3A_296 = tpu.memref_squeeze %dma_wait3A_295 : memref<1x50xi32, #tpu.memory_space<hbm>> -> memref<50xi32, #tpu.memory_space<hbm>>
    tpu.wait_dma2 semaphore(%arg14 : memref<!tpu.dma_semaphore, #tpu.memory_space<semaphore_mem>>) src(%dma_wait3A_296 : memref<50xi32, #tpu.memory_space<hbm>>) dst(%dma_wait3A_293 : memref<50xi32, #tpu.memory_space<vmem>>)
    %dma_wait3A_297 = arith.constant 0 : i32
    %dma_wait3A_298 = arith.constant 0 : i32
    %dma_wait3A_299 = arith.constant 0 : i32
    %dma_wait3A_300 = arith.constant 0 : i32
    %dma_wait3A_301 = tpu.memref_slice %arg7[%dma_wait3A_298, %dma_wait3A_299, %dma_wait3A_300] : memref<4x50x64xf32, #tpu.memory_space<vmem>> -> memref<1x50x64xf32, #tpu.memory_space<vmem>>
    %dma_wait3A_302 = tpu.memref_squeeze %dma_wait3A_301 : memref<1x50x64xf32, #tpu.memory_space<vmem>> -> memref<50x64xf32, #tpu.memory_space<vmem>>
    %dma_wait3A_303 = arith.constant 0 : i32
    %dma_wait3A_304 = tpu.memref_slice %arg5[%dma_wait3A_297, %dma_wait3A_303] : memref<4x50xi32, #tpu.memory_space<vmem>> -> memref<1x50xi32, #tpu.memory_space<vmem>>
    %dma_wait3A_305 = tpu.memref_squeeze %dma_wait3A_304 : memref<1x50xi32, #tpu.memory_space<vmem>> -> memref<50xi32, #tpu.memory_space<vmem>>
    %dma_wait3A_306 = arith.constant 0 : i32
    %dma_wait3A_307 = arith.constant 0 : i32
    %dma_wait3A_308 = tpu.memref_slice %arg2[%dma_wait3A_306, %dma_wait3A_307] : memref<1000000x64xf32, #tpu.memory_space<hbm>> -> memref<1000000x64xf32, #tpu.memory_space<hbm>>
    tpu.wait_indirect_dma semaphore(%arg9 : memref<!tpu.dma_semaphore, #tpu.memory_space<semaphore_mem>>) src(%dma_wait3A_308 : memref<1000000x64xf32, #tpu.memory_space<hbm>>) dst(%dma_wait3A_302 : memref<50x64xf32, #tpu.memory_space<vmem>>)
    %dma_wait3A_309 = arith.constant 0 : i32
    %dma_wait3A_310 = arith.constant 1 : i32
    %dma_wait3A_311 = arith.constant 0 : i32
    %dma_wait3A_312 = arith.constant 0 : i32
    %dma_wait3A_313 = tpu.memref_slice %arg7[%dma_wait3A_310, %dma_wait3A_311, %dma_wait3A_312] : memref<4x50x64xf32, #tpu.memory_space<vmem>> -> memref<1x50x64xf32, #tpu.memory_space<vmem>>
    %dma_wait3A_314 = tpu.memref_squeeze %dma_wait3A_313 : memref<1x50x64xf32, #tpu.memory_space<vmem>> -> memref<50x64xf32, #tpu.memory_space<vmem>>
    %dma_wait3A_315 = arith.constant 0 : i32
    %dma_wait3A_316 = tpu.memref_slice %arg5[%dma_wait3A_309, %dma_wait3A_315] : memref<4x50xi32, #tpu.memory_space<vmem>> -> memref<1x50xi32, #tpu.memory_space<vmem>>
    %dma_wait3A_317 = tpu.memref_squeeze %dma_wait3A_316 : memref<1x50xi32, #tpu.memory_space<vmem>> -> memref<50xi32, #tpu.memory_space<vmem>>
    %dma_wait3A_318 = arith.constant 0 : i32
    %dma_wait3A_319 = arith.constant 0 : i32
    %dma_wait3A_320 = tpu.memref_slice %arg2[%dma_wait3A_318, %dma_wait3A_319] : memref<1000000x64xf32, #tpu.memory_space<hbm>> -> memref<1000000x64xf32, #tpu.memory_space<hbm>>
    tpu.wait_indirect_dma semaphore(%arg9 : memref<!tpu.dma_semaphore, #tpu.memory_space<semaphore_mem>>) src(%dma_wait3A_320 : memref<1000000x64xf32, #tpu.memory_space<hbm>>) dst(%dma_wait3A_314 : memref<50x64xf32, #tpu.memory_space<vmem>>)
    %dma_wait3A_321 = arith.constant 0 : i32
    %dma_wait3A_322 = arith.constant 2 : i32
    %dma_wait3A_323 = arith.constant 0 : i32
    %dma_wait3A_324 = arith.constant 0 : i32
    %dma_wait3A_325 = tpu.memref_slice %arg7[%dma_wait3A_322, %dma_wait3A_323, %dma_wait3A_324] : memref<4x50x64xf32, #tpu.memory_space<vmem>> -> memref<1x50x64xf32, #tpu.memory_space<vmem>>
    %dma_wait3A_326 = tpu.memref_squeeze %dma_wait3A_325 : memref<1x50x64xf32, #tpu.memory_space<vmem>> -> memref<50x64xf32, #tpu.memory_space<vmem>>
    %dma_wait3A_327 = arith.constant 0 : i32
    %dma_wait3A_328 = tpu.memref_slice %arg5[%dma_wait3A_321, %dma_wait3A_327] : memref<4x50xi32, #tpu.memory_space<vmem>> -> memref<1x50xi32, #tpu.memory_space<vmem>>
    %dma_wait3A_329 = tpu.memref_squeeze %dma_wait3A_328 : memref<1x50xi32, #tpu.memory_space<vmem>> -> memref<50xi32, #tpu.memory_space<vmem>>
    %dma_wait3A_330 = arith.constant 0 : i32
    %dma_wait3A_331 = arith.constant 0 : i32
    %dma_wait3A_332 = tpu.memref_slice %arg2[%dma_wait3A_330, %dma_wait3A_331] : memref<1000000x64xf32, #tpu.memory_space<hbm>> -> memref<1000000x64xf32, #tpu.memory_space<hbm>>
    tpu.wait_indirect_dma semaphore(%arg9 : memref<!tpu.dma_semaphore, #tpu.memory_space<semaphore_mem>>) src(%dma_wait3A_332 : memref<1000000x64xf32, #tpu.memory_space<hbm>>) dst(%dma_wait3A_326 : memref<50x64xf32, #tpu.memory_space<vmem>>)
    %dma_wait3A_333 = arith.constant 0 : i32
    %dma_wait3A_334 = arith.constant 3 : i32
    %dma_wait3A_335 = arith.constant 0 : i32
    %dma_wait3A_336 = arith.constant 0 : i32
    %dma_wait3A_337 = tpu.memref_slice %arg7[%dma_wait3A_334, %dma_wait3A_335, %dma_wait3A_336] : memref<4x50x64xf32, #tpu.memory_space<vmem>> -> memref<1x50x64xf32, #tpu.memory_space<vmem>>
    %dma_wait3A_338 = tpu.memref_squeeze %dma_wait3A_337 : memref<1x50x64xf32, #tpu.memory_space<vmem>> -> memref<50x64xf32, #tpu.memory_space<vmem>>
    %dma_wait3A_339 = arith.constant 0 : i32
    %dma_wait3A_340 = tpu.memref_slice %arg5[%dma_wait3A_333, %dma_wait3A_339] : memref<4x50xi32, #tpu.memory_space<vmem>> -> memref<1x50xi32, #tpu.memory_space<vmem>>
    %dma_wait3A_341 = tpu.memref_squeeze %dma_wait3A_340 : memref<1x50xi32, #tpu.memory_space<vmem>> -> memref<50xi32, #tpu.memory_space<vmem>>
    %dma_wait3A_342 = arith.constant 0 : i32
    %dma_wait3A_343 = arith.constant 0 : i32
    %dma_wait3A_344 = tpu.memref_slice %arg2[%dma_wait3A_342, %dma_wait3A_343] : memref<1000000x64xf32, #tpu.memory_space<hbm>> -> memref<1000000x64xf32, #tpu.memory_space<hbm>>
    tpu.wait_indirect_dma semaphore(%arg9 : memref<!tpu.dma_semaphore, #tpu.memory_space<semaphore_mem>>) src(%dma_wait3A_344 : memref<1000000x64xf32, #tpu.memory_space<hbm>>) dst(%dma_wait3A_338 : memref<50x64xf32, #tpu.memory_space<vmem>>)
    %add3A_345 = arith.constant 0 : i32
    %add3A_346 = arith.addi %mul3A_2, %add3A_345 : i32
    %add3A_347 = arith.constant 0 : i32
    %add3A_348 = arith.addi %add3A_346, %add3A_347 : i32
    %dma_start3A_349 = arith.constant 0 : i32
    %dma_start3A_350 = arith.constant 0 : i32
    %dma_start3A_351 = arith.constant 0 : i32
    %dma_start3A_352 = tpu.memref_slice %arg7[%dma_start3A_349, %dma_start3A_350, %dma_start3A_351] : memref<4x50x64xf32, #tpu.memory_space<vmem>> -> memref<1x50x64xf32, #tpu.memory_space<vmem>>
    %dma_start3A_353 = tpu.memref_squeeze %dma_start3A_352 : memref<1x50x64xf32, #tpu.memory_space<vmem>> -> memref<50x64xf32, #tpu.memory_space<vmem>>
    %dma_start3A_354 = arith.constant 0 : i32
    %dma_start3A_355 = arith.constant 0 : i32
    %dma_start3A_356 = tpu.memref_slice %arg4[%add3A_348, %dma_start3A_354, %dma_start3A_355] : memref<16384x50x64xf32, #tpu.memory_space<hbm>> -> memref<1x50x64xf32, #tpu.memory_space<hbm>>
    %dma_start3A_357 = tpu.memref_squeeze %dma_start3A_356 : memref<1x50x64xf32, #tpu.memory_space<hbm>> -> memref<50x64xf32, #tpu.memory_space<hbm>>
    %dma_start3A_358 = arith.constant 0 : i32
    %dma_start3A_359 = arith.constant 0 : i32
    %dma_start3A_360 = tpu.memref_slice %arg4[%add3A_348, %dma_start3A_358, %dma_start3A_359] : memref<16384x50x64xf32, #tpu.memory_space<hbm>> -> memref<1x50x64xf32, #tpu.memory_space<hbm>>
    %dma_start3A_361 = tpu.memref_squeeze %dma_start3A_360 : memref<1x50x64xf32, #tpu.memory_space<hbm>> -> memref<50x64xf32, #tpu.memory_space<hbm>>
    %dma_start3A_362 = arith.constant 0 : i32
    %dma_start3A_363 = arith.constant 0 : i32
    %dma_start3A_364 = tpu.memref_slice %arg7[%dma_start3A_349, %dma_start3A_362, %dma_start3A_363] : memref<4x50x64xf32, #tpu.memory_space<vmem>> -> memref<1x50x64xf32, #tpu.memory_space<vmem>>
    %dma_start3A_365 = tpu.memref_squeeze %dma_start3A_364 : memref<1x50x64xf32, #tpu.memory_space<vmem>> -> memref<50x64xf32, #tpu.memory_space<vmem>>
    tpu.enqueue_dma source(%dma_start3A_365 : memref<50x64xf32, #tpu.memory_space<vmem>>) target(%dma_start3A_361 : memref<50x64xf32, #tpu.memory_space<hbm>>) target_semaphore(%arg11 : memref<!tpu.dma_semaphore, #tpu.memory_space<semaphore_mem>>)
    %add3A_366 = arith.constant 0 : i32
    %add3A_367 = arith.addi %mul3A_2, %add3A_366 : i32
    %add3A_368 = arith.constant 1 : i32
    %add3A_369 = arith.addi %add3A_367, %add3A_368 : i32
    %dma_start3A_370 = arith.constant 1 : i32
    %dma_start3A_371 = arith.constant 0 : i32
    %dma_start3A_372 = arith.constant 0 : i32
    %dma_start3A_373 = tpu.memref_slice %arg7[%dma_start3A_370, %dma_start3A_371, %dma_start3A_372] : memref<4x50x64xf32, #tpu.memory_space<vmem>> -> memref<1x50x64xf32, #tpu.memory_space<vmem>>
    %dma_start3A_374 = tpu.memref_squeeze %dma_start3A_373 : memref<1x50x64xf32, #tpu.memory_space<vmem>> -> memref<50x64xf32, #tpu.memory_space<vmem>>
    %dma_start3A_375 = arith.constant 0 : i32
    %dma_start3A_376 = arith.constant 0 : i32
    %dma_start3A_377 = tpu.memref_slice %arg4[%add3A_369, %dma_start3A_375, %dma_start3A_376] : memref<16384x50x64xf32, #tpu.memory_space<hbm>> -> memref<1x50x64xf32, #tpu.memory_space<hbm>>
    %dma_start3A_378 = tpu.memref_squeeze %dma_start3A_377 : memref<1x50x64xf32, #tpu.memory_space<hbm>> -> memref<50x64xf32, #tpu.memory_space<hbm>>
    %dma_start3A_379 = arith.constant 0 : i32
    %dma_start3A_380 = arith.constant 0 : i32
    %dma_start3A_381 = tpu.memref_slice %arg4[%add3A_369, %dma_start3A_379, %dma_start3A_380] : memref<16384x50x64xf32, #tpu.memory_space<hbm>> -> memref<1x50x64xf32, #tpu.memory_space<hbm>>
    %dma_start3A_382 = tpu.memref_squeeze %dma_start3A_381 : memref<1x50x64xf32, #tpu.memory_space<hbm>> -> memref<50x64xf32, #tpu.memory_space<hbm>>
    %dma_start3A_383 = arith.constant 0 : i32
    %dma_start3A_384 = arith.constant 0 : i32
    %dma_start3A_385 = tpu.memref_slice %arg7[%dma_start3A_370, %dma_start3A_383, %dma_start3A_384] : memref<4x50x64xf32, #tpu.memory_space<vmem>> -> memref<1x50x64xf32, #tpu.memory_space<vmem>>
    %dma_start3A_386 = tpu.memref_squeeze %dma_start3A_385 : memref<1x50x64xf32, #tpu.memory_space<vmem>> -> memref<50x64xf32, #tpu.memory_space<vmem>>
    tpu.enqueue_dma source(%dma_start3A_386 : memref<50x64xf32, #tpu.memory_space<vmem>>) target(%dma_start3A_382 : memref<50x64xf32, #tpu.memory_space<hbm>>) target_semaphore(%arg11 : memref<!tpu.dma_semaphore, #tpu.memory_space<semaphore_mem>>)
    %add3A_387 = arith.constant 0 : i32
    %add3A_388 = arith.addi %mul3A_2, %add3A_387 : i32
    %add3A_389 = arith.constant 2 : i32
    %add3A_390 = arith.addi %add3A_388, %add3A_389 : i32
    %dma_start3A_391 = arith.constant 2 : i32
    %dma_start3A_392 = arith.constant 0 : i32
    %dma_start3A_393 = arith.constant 0 : i32
    %dma_start3A_394 = tpu.memref_slice %arg7[%dma_start3A_391, %dma_start3A_392, %dma_start3A_393] : memref<4x50x64xf32, #tpu.memory_space<vmem>> -> memref<1x50x64xf32, #tpu.memory_space<vmem>>
    %dma_start3A_395 = tpu.memref_squeeze %dma_start3A_394 : memref<1x50x64xf32, #tpu.memory_space<vmem>> -> memref<50x64xf32, #tpu.memory_space<vmem>>
    %dma_start3A_396 = arith.constant 0 : i32
    %dma_start3A_397 = arith.constant 0 : i32
    %dma_start3A_398 = tpu.memref_slice %arg4[%add3A_390, %dma_start3A_396, %dma_start3A_397] : memref<16384x50x64xf32, #tpu.memory_space<hbm>> -> memref<1x50x64xf32, #tpu.memory_space<hbm>>
    %dma_start3A_399 = tpu.memref_squeeze %dma_start3A_398 : memref<1x50x64xf32, #tpu.memory_space<hbm>> -> memref<50x64xf32, #tpu.memory_space<hbm>>
    %dma_start3A_400 = arith.constant 0 : i32
    %dma_start3A_401 = arith.constant 0 : i32
    %dma_start3A_402 = tpu.memref_slice %arg4[%add3A_390, %dma_start3A_400, %dma_start3A_401] : memref<16384x50x64xf32, #tpu.memory_space<hbm>> -> memref<1x50x64xf32, #tpu.memory_space<hbm>>
    %dma_start3A_403 = tpu.memref_squeeze %dma_start3A_402 : memref<1x50x64xf32, #tpu.memory_space<hbm>> -> memref<50x64xf32, #tpu.memory_space<hbm>>
    %dma_start3A_404 = arith.constant 0 : i32
    %dma_start3A_405 = arith.constant 0 : i32
    %dma_start3A_406 = tpu.memref_slice %arg7[%dma_start3A_391, %dma_start3A_404, %dma_start3A_405] : memref<4x50x64xf32, #tpu.memory_space<vmem>> -> memref<1x50x64xf32, #tpu.memory_space<vmem>>
    %dma_start3A_407 = tpu.memref_squeeze %dma_start3A_406 : memref<1x50x64xf32, #tpu.memory_space<vmem>> -> memref<50x64xf32, #tpu.memory_space<vmem>>
    tpu.enqueue_dma source(%dma_start3A_407 : memref<50x64xf32, #tpu.memory_space<vmem>>) target(%dma_start3A_403 : memref<50x64xf32, #tpu.memory_space<hbm>>) target_semaphore(%arg11 : memref<!tpu.dma_semaphore, #tpu.memory_space<semaphore_mem>>)
    %add3A_408 = arith.constant 0 : i32
    %add3A_409 = arith.addi %mul3A_2, %add3A_408 : i32
    %add3A_410 = arith.constant 3 : i32
    %add3A_411 = arith.addi %add3A_409, %add3A_410 : i32
    %dma_start3A_412 = arith.constant 3 : i32
    %dma_start3A_413 = arith.constant 0 : i32
    %dma_start3A_414 = arith.constant 0 : i32
    %dma_start3A_415 = tpu.memref_slice %arg7[%dma_start3A_412, %dma_start3A_413, %dma_start3A_414] : memref<4x50x64xf32, #tpu.memory_space<vmem>> -> memref<1x50x64xf32, #tpu.memory_space<vmem>>
    %dma_start3A_416 = tpu.memref_squeeze %dma_start3A_415 : memref<1x50x64xf32, #tpu.memory_space<vmem>> -> memref<50x64xf32, #tpu.memory_space<vmem>>
    %dma_start3A_417 = arith.constant 0 : i32
    %dma_start3A_418 = arith.constant 0 : i32
    %dma_start3A_419 = tpu.memref_slice %arg4[%add3A_411, %dma_start3A_417, %dma_start3A_418] : memref<16384x50x64xf32, #tpu.memory_space<hbm>> -> memref<1x50x64xf32, #tpu.memory_space<hbm>>
    %dma_start3A_420 = tpu.memref_squeeze %dma_start3A_419 : memref<1x50x64xf32, #tpu.memory_space<hbm>> -> memref<50x64xf32, #tpu.memory_space<hbm>>
    %dma_start3A_421 = arith.constant 0 : i32
    %dma_start3A_422 = arith.constant 0 : i32
    %dma_start3A_423 = tpu.memref_slice %arg4[%add3A_411, %dma_start3A_421, %dma_start3A_422] : memref<16384x50x64xf32, #tpu.memory_space<hbm>> -> memref<1x50x64xf32, #tpu.memory_space<hbm>>
    %dma_start3A_424 = tpu.memref_squeeze %dma_start3A_423 : memref<1x50x64xf32, #tpu.memory_space<hbm>> -> memref<50x64xf32, #tpu.memory_space<hbm>>
    %dma_start3A_425 = arith.constant 0 : i32
    %dma_start3A_426 = arith.constant 0 : i32
    %dma_start3A_427 = tpu.memref_slice %arg7[%dma_start3A_412, %dma_start3A_425, %dma_start3A_426] : memref<4x50x64xf32, #tpu.memory_space<vmem>> -> memref<1x50x64xf32, #tpu.memory_space<vmem>>
    %dma_start3A_428 = tpu.memref_squeeze %dma_start3A_427 : memref<1x50x64xf32, #tpu.memory_space<vmem>> -> memref<50x64xf32, #tpu.memory_space<vmem>>
    tpu.enqueue_dma source(%dma_start3A_428 : memref<50x64xf32, #tpu.memory_space<vmem>>) target(%dma_start3A_424 : memref<50x64xf32, #tpu.memory_space<hbm>>) target_semaphore(%arg11 : memref<!tpu.dma_semaphore, #tpu.memory_space<semaphore_mem>>)
    %dma_start3A_429 = arith.constant 0 : i32
    %dma_start3A_430 = arith.constant 0 : i32
    %dma_start3A_431 = arith.constant 0 : i32
    %dma_start3A_432 = arith.constant 0 : i32
    %dma_start3A_433 = tpu.memref_slice %arg8[%dma_start3A_430, %dma_start3A_431, %dma_start3A_432] : memref<4x50x64xf32, #tpu.memory_space<vmem>> -> memref<1x50x64xf32, #tpu.memory_space<vmem>>
    %dma_start3A_434 = tpu.memref_squeeze %dma_start3A_433 : memref<1x50x64xf32, #tpu.memory_space<vmem>> -> memref<50x64xf32, #tpu.memory_space<vmem>>
    %dma_start3A_435 = arith.constant 0 : i32
    %dma_start3A_436 = tpu.memref_slice %arg6[%dma_start3A_429, %dma_start3A_435] : memref<4x50xi32, #tpu.memory_space<vmem>> -> memref<1x50xi32, #tpu.memory_space<vmem>>
    %dma_start3A_437 = tpu.memref_squeeze %dma_start3A_436 : memref<1x50xi32, #tpu.memory_space<vmem>> -> memref<50xi32, #tpu.memory_space<vmem>>
    %dma_start3A_438 = arith.constant 0 : i32
    %dma_start3A_439 = arith.constant 0 : i32
    %dma_start3A_440 = tpu.memref_slice %arg2[%dma_start3A_438, %dma_start3A_439] : memref<1000000x64xf32, #tpu.memory_space<hbm>> -> memref<1000000x64xf32, #tpu.memory_space<hbm>>
    tpu.enqueue_indirect_dma source(%dma_start3A_440 : memref<1000000x64xf32, #tpu.memory_space<hbm>>) target(%dma_start3A_434 : memref<50x64xf32, #tpu.memory_space<vmem>>) offsets(%dma_start3A_437 : memref<50xi32, #tpu.memory_space<vmem>>) semaphore(%arg10 : memref<!tpu.dma_semaphore, #tpu.memory_space<semaphore_mem>>)
    %dma_start3A_441 = arith.constant 1 : i32
    %dma_start3A_442 = arith.constant 1 : i32
    %dma_start3A_443 = arith.constant 0 : i32
    %dma_start3A_444 = arith.constant 0 : i32
    %dma_start3A_445 = tpu.memref_slice %arg8[%dma_start3A_442, %dma_start3A_443, %dma_start3A_444] : memref<4x50x64xf32, #tpu.memory_space<vmem>> -> memref<1x50x64xf32, #tpu.memory_space<vmem>>
    %dma_start3A_446 = tpu.memref_squeeze %dma_start3A_445 : memref<1x50x64xf32, #tpu.memory_space<vmem>> -> memref<50x64xf32, #tpu.memory_space<vmem>>
    %dma_start3A_447 = arith.constant 0 : i32
    %dma_start3A_448 = tpu.memref_slice %arg6[%dma_start3A_441, %dma_start3A_447] : memref<4x50xi32, #tpu.memory_space<vmem>> -> memref<1x50xi32, #tpu.memory_space<vmem>>
    %dma_start3A_449 = tpu.memref_squeeze %dma_start3A_448 : memref<1x50xi32, #tpu.memory_space<vmem>> -> memref<50xi32, #tpu.memory_space<vmem>>
    %dma_start3A_450 = arith.constant 0 : i32
    %dma_start3A_451 = arith.constant 0 : i32
    %dma_start3A_452 = tpu.memref_slice %arg2[%dma_start3A_450, %dma_start3A_451] : memref<1000000x64xf32, #tpu.memory_space<hbm>> -> memref<1000000x64xf32, #tpu.memory_space<hbm>>
    tpu.enqueue_indirect_dma source(%dma_start3A_452 : memref<1000000x64xf32, #tpu.memory_space<hbm>>) target(%dma_start3A_446 : memref<50x64xf32, #tpu.memory_space<vmem>>) offsets(%dma_start3A_449 : memref<50xi32, #tpu.memory_space<vmem>>) semaphore(%arg10 : memref<!tpu.dma_semaphore, #tpu.memory_space<semaphore_mem>>)
    %dma_start3A_453 = arith.constant 2 : i32
    %dma_start3A_454 = arith.constant 2 : i32
    %dma_start3A_455 = arith.constant 0 : i32
    %dma_start3A_456 = arith.constant 0 : i32
    %dma_start3A_457 = tpu.memref_slice %arg8[%dma_start3A_454, %dma_start3A_455, %dma_start3A_456] : memref<4x50x64xf32, #tpu.memory_space<vmem>> -> memref<1x50x64xf32, #tpu.memory_space<vmem>>
    %dma_start3A_458 = tpu.memref_squeeze %dma_start3A_457 : memref<1x50x64xf32, #tpu.memory_space<vmem>> -> memref<50x64xf32, #tpu.memory_space<vmem>>
    %dma_start3A_459 = arith.constant 0 : i32
    %dma_start3A_460 = tpu.memref_slice %arg6[%dma_start3A_453, %dma_start3A_459] : memref<4x50xi32, #tpu.memory_space<vmem>> -> memref<1x50xi32, #tpu.memory_space<vmem>>
    %dma_start3A_461 = tpu.memref_squeeze %dma_start3A_460 : memref<1x50xi32, #tpu.memory_space<vmem>> -> memref<50xi32, #tpu.memory_space<vmem>>
    %dma_start3A_462 = arith.constant 0 : i32
    %dma_start3A_463 = arith.constant 0 : i32
    %dma_start3A_464 = tpu.memref_slice %arg2[%dma_start3A_462, %dma_start3A_463] : memref<1000000x64xf32, #tpu.memory_space<hbm>> -> memref<1000000x64xf32, #tpu.memory_space<hbm>>
    tpu.enqueue_indirect_dma source(%dma_start3A_464 : memref<1000000x64xf32, #tpu.memory_space<hbm>>) target(%dma_start3A_458 : memref<50x64xf32, #tpu.memory_space<vmem>>) offsets(%dma_start3A_461 : memref<50xi32, #tpu.memory_space<vmem>>) semaphore(%arg10 : memref<!tpu.dma_semaphore, #tpu.memory_space<semaphore_mem>>)
    %dma_start3A_465 = arith.constant 3 : i32
    %dma_start3A_466 = arith.constant 3 : i32
    %dma_start3A_467 = arith.constant 0 : i32
    %dma_start3A_468 = arith.constant 0 : i32
    %dma_start3A_469 = tpu.memref_slice %arg8[%dma_start3A_466, %dma_start3A_467, %dma_start3A_468] : memref<4x50x64xf32, #tpu.memory_space<vmem>> -> memref<1x50x64xf32, #tpu.memory_space<vmem>>
    %dma_start3A_470 = tpu.memref_squeeze %dma_start3A_469 : memref<1x50x64xf32, #tpu.memory_space<vmem>> -> memref<50x64xf32, #tpu.memory_space<vmem>>
    %dma_start3A_471 = arith.constant 0 : i32
    %dma_start3A_472 = tpu.memref_slice %arg6[%dma_start3A_465, %dma_start3A_471] : memref<4x50xi32, #tpu.memory_space<vmem>> -> memref<1x50xi32, #tpu.memory_space<vmem>>
    %dma_start3A_473 = tpu.memref_squeeze %dma_start3A_472 : memref<1x50xi32, #tpu.memory_space<vmem>> -> memref<50xi32, #tpu.memory_space<vmem>>
    %dma_start3A_474 = arith.constant 0 : i32
    %dma_start3A_475 = arith.constant 0 : i32
    %dma_start3A_476 = tpu.memref_slice %arg2[%dma_start3A_474, %dma_start3A_475] : memref<1000000x64xf32, #tpu.memory_space<hbm>> -> memref<1000000x64xf32, #tpu.memory_space<hbm>>
    tpu.enqueue_indirect_dma source(%dma_start3A_476 : memref<1000000x64xf32, #tpu.memory_space<hbm>>) target(%dma_start3A_470 : memref<50x64xf32, #tpu.memory_space<vmem>>) offsets(%dma_start3A_473 : memref<50xi32, #tpu.memory_space<vmem>>) semaphore(%arg10 : memref<!tpu.dma_semaphore, #tpu.memory_space<semaphore_mem>>)
    %add3A_477 = arith.constant 8 : i32
    %add3A_478 = arith.addi %mul3A_2, %add3A_477 : i32
    %add3A_479 = arith.constant 0 : i32
    %add3A_480 = arith.addi %add3A_478, %add3A_479 : i32
    %dma_start3A_481 = arith.constant 0 : i32
    %dma_start3A_482 = arith.constant 0 : i32
    %dma_start3A_483 = tpu.memref_slice %arg5[%dma_start3A_481, %dma_start3A_482] : memref<4x50xi32, #tpu.memory_space<vmem>> -> memref<1x50xi32, #tpu.memory_space<vmem>>
    %dma_start3A_484 = tpu.memref_squeeze %dma_start3A_483 : memref<1x50xi32, #tpu.memory_space<vmem>> -> memref<50xi32, #tpu.memory_space<vmem>>
    %dma_start3A_485 = arith.constant 0 : i32
    %dma_start3A_486 = tpu.memref_slice %arg3[%add3A_480, %dma_start3A_485] : memref<16384x50xi32, #tpu.memory_space<hbm>> -> memref<1x50xi32, #tpu.memory_space<hbm>>
    %dma_start3A_487 = tpu.memref_squeeze %dma_start3A_486 : memref<1x50xi32, #tpu.memory_space<hbm>> -> memref<50xi32, #tpu.memory_space<hbm>>
    %dma_start3A_488 = arith.constant 0 : i32
    %dma_start3A_489 = tpu.memref_slice %arg5[%dma_start3A_481, %dma_start3A_488] : memref<4x50xi32, #tpu.memory_space<vmem>> -> memref<1x50xi32, #tpu.memory_space<vmem>>
    %dma_start3A_490 = tpu.memref_squeeze %dma_start3A_489 : memref<1x50xi32, #tpu.memory_space<vmem>> -> memref<50xi32, #tpu.memory_space<vmem>>
    %dma_start3A_491 = arith.constant 0 : i32
    %dma_start3A_492 = tpu.memref_slice %arg3[%add3A_480, %dma_start3A_491] : memref<16384x50xi32, #tpu.memory_space<hbm>> -> memref<1x50xi32, #tpu.memory_space<hbm>>
    %dma_start3A_493 = tpu.memref_squeeze %dma_start3A_492 : memref<1x50xi32, #tpu.memory_space<hbm>> -> memref<50xi32, #tpu.memory_space<hbm>>
    tpu.enqueue_dma source(%dma_start3A_493 : memref<50xi32, #tpu.memory_space<hbm>>) target(%dma_start3A_490 : memref<50xi32, #tpu.memory_space<vmem>>) target_semaphore(%arg13 : memref<!tpu.dma_semaphore, #tpu.memory_space<semaphore_mem>>)
    %add3A_494 = arith.constant 8 : i32
    %add3A_495 = arith.addi %mul3A_2, %add3A_494 : i32
    %add3A_496 = arith.constant 1 : i32
    %add3A_497 = arith.addi %add3A_495, %add3A_496 : i32
    %dma_start3A_498 = arith.constant 1 : i32
    %dma_start3A_499 = arith.constant 0 : i32
    %dma_start3A_500 = tpu.memref_slice %arg5[%dma_start3A_498, %dma_start3A_499] : memref<4x50xi32, #tpu.memory_space<vmem>> -> memref<1x50xi32, #tpu.memory_space<vmem>>
    %dma_start3A_501 = tpu.memref_squeeze %dma_start3A_500 : memref<1x50xi32, #tpu.memory_space<vmem>> -> memref<50xi32, #tpu.memory_space<vmem>>
    %dma_start3A_502 = arith.constant 0 : i32
    %dma_start3A_503 = tpu.memref_slice %arg3[%add3A_497, %dma_start3A_502] : memref<16384x50xi32, #tpu.memory_space<hbm>> -> memref<1x50xi32, #tpu.memory_space<hbm>>
    %dma_start3A_504 = tpu.memref_squeeze %dma_start3A_503 : memref<1x50xi32, #tpu.memory_space<hbm>> -> memref<50xi32, #tpu.memory_space<hbm>>
    %dma_start3A_505 = arith.constant 0 : i32
    %dma_start3A_506 = tpu.memref_slice %arg5[%dma_start3A_498, %dma_start3A_505] : memref<4x50xi32, #tpu.memory_space<vmem>> -> memref<1x50xi32, #tpu.memory_space<vmem>>
    %dma_start3A_507 = tpu.memref_squeeze %dma_start3A_506 : memref<1x50xi32, #tpu.memory_space<vmem>> -> memref<50xi32, #tpu.memory_space<vmem>>
    %dma_start3A_508 = arith.constant 0 : i32
    %dma_start3A_509 = tpu.memref_slice %arg3[%add3A_497, %dma_start3A_508] : memref<16384x50xi32, #tpu.memory_space<hbm>> -> memref<1x50xi32, #tpu.memory_space<hbm>>
    %dma_start3A_510 = tpu.memref_squeeze %dma_start3A_509 : memref<1x50xi32, #tpu.memory_space<hbm>> -> memref<50xi32, #tpu.memory_space<hbm>>
    tpu.enqueue_dma source(%dma_start3A_510 : memref<50xi32, #tpu.memory_space<hbm>>) target(%dma_start3A_507 : memref<50xi32, #tpu.memory_space<vmem>>) target_semaphore(%arg13 : memref<!tpu.dma_semaphore, #tpu.memory_space<semaphore_mem>>)
    %add3A_511 = arith.constant 8 : i32
    %add3A_512 = arith.addi %mul3A_2, %add3A_511 : i32
    %add3A_513 = arith.constant 2 : i32
    %add3A_514 = arith.addi %add3A_512, %add3A_513 : i32
    %dma_start3A_515 = arith.constant 2 : i32
    %dma_start3A_516 = arith.constant 0 : i32
    %dma_start3A_517 = tpu.memref_slice %arg5[%dma_start3A_515, %dma_start3A_516] : memref<4x50xi32, #tpu.memory_space<vmem>> -> memref<1x50xi32, #tpu.memory_space<vmem>>
    %dma_start3A_518 = tpu.memref_squeeze %dma_start3A_517 : memref<1x50xi32, #tpu.memory_space<vmem>> -> memref<50xi32, #tpu.memory_space<vmem>>
    %dma_start3A_519 = arith.constant 0 : i32
    %dma_start3A_520 = tpu.memref_slice %arg3[%add3A_514, %dma_start3A_519] : memref<16384x50xi32, #tpu.memory_space<hbm>> -> memref<1x50xi32, #tpu.memory_space<hbm>>
    %dma_start3A_521 = tpu.memref_squeeze %dma_start3A_520 : memref<1x50xi32, #tpu.memory_space<hbm>> -> memref<50xi32, #tpu.memory_space<hbm>>
    %dma_start3A_522 = arith.constant 0 : i32
    %dma_start3A_523 = tpu.memref_slice %arg5[%dma_start3A_515, %dma_start3A_522] : memref<4x50xi32, #tpu.memory_space<vmem>> -> memref<1x50xi32, #tpu.memory_space<vmem>>
    %dma_start3A_524 = tpu.memref_squeeze %dma_start3A_523 : memref<1x50xi32, #tpu.memory_space<vmem>> -> memref<50xi32, #tpu.memory_space<vmem>>
    %dma_start3A_525 = arith.constant 0 : i32
    %dma_start3A_526 = tpu.memref_slice %arg3[%add3A_514, %dma_start3A_525] : memref<16384x50xi32, #tpu.memory_space<hbm>> -> memref<1x50xi32, #tpu.memory_space<hbm>>
    %dma_start3A_527 = tpu.memref_squeeze %dma_start3A_526 : memref<1x50xi32, #tpu.memory_space<hbm>> -> memref<50xi32, #tpu.memory_space<hbm>>
    tpu.enqueue_dma source(%dma_start3A_527 : memref<50xi32, #tpu.memory_space<hbm>>) target(%dma_start3A_524 : memref<50xi32, #tpu.memory_space<vmem>>) target_semaphore(%arg13 : memref<!tpu.dma_semaphore, #tpu.memory_space<semaphore_mem>>)
    %add3A_528 = arith.constant 8 : i32
    %add3A_529 = arith.addi %mul3A_2, %add3A_528 : i32
    %add3A_530 = arith.constant 3 : i32
    %add3A_531 = arith.addi %add3A_529, %add3A_530 : i32
    %dma_start3A_532 = arith.constant 3 : i32
    %dma_start3A_533 = arith.constant 0 : i32
    %dma_start3A_534 = tpu.memref_slice %arg5[%dma_start3A_532, %dma_start3A_533] : memref<4x50xi32, #tpu.memory_space<vmem>> -> memref<1x50xi32, #tpu.memory_space<vmem>>
    %dma_start3A_535 = tpu.memref_squeeze %dma_start3A_534 : memref<1x50xi32, #tpu.memory_space<vmem>> -> memref<50xi32, #tpu.memory_space<vmem>>
    %dma_start3A_536 = arith.constant 0 : i32
    %dma_start3A_537 = tpu.memref_slice %arg3[%add3A_531, %dma_start3A_536] : memref<16384x50xi32, #tpu.memory_space<hbm>> -> memref<1x50xi32, #tpu.memory_space<hbm>>
    %dma_start3A_538 = tpu.memref_squeeze %dma_start3A_537 : memref<1x50xi32, #tpu.memory_space<hbm>> -> memref<50xi32, #tpu.memory_space<hbm>>
    %dma_start3A_539 = arith.constant 0 : i32
    %dma_start3A_540 = tpu.memref_slice %arg5[%dma_start3A_532, %dma_start3A_539] : memref<4x50xi32, #tpu.memory_space<vmem>> -> memref<1x50xi32, #tpu.memory_space<vmem>>
    %dma_start3A_541 = tpu.memref_squeeze %dma_start3A_540 : memref<1x50xi32, #tpu.memory_space<vmem>> -> memref<50xi32, #tpu.memory_space<vmem>>
    %dma_start3A_542 = arith.constant 0 : i32
    %dma_start3A_543 = tpu.memref_slice %arg3[%add3A_531, %dma_start3A_542] : memref<16384x50xi32, #tpu.memory_space<hbm>> -> memref<1x50xi32, #tpu.memory_space<hbm>>
    %dma_start3A_544 = tpu.memref_squeeze %dma_start3A_543 : memref<1x50xi32, #tpu.memory_space<hbm>> -> memref<50xi32, #tpu.memory_space<hbm>>
    tpu.enqueue_dma source(%dma_start3A_544 : memref<50xi32, #tpu.memory_space<hbm>>) target(%dma_start3A_541 : memref<50xi32, #tpu.memory_space<vmem>>) target_semaphore(%arg13 : memref<!tpu.dma_semaphore, #tpu.memory_space<semaphore_mem>>)
    %scan3A = arith.constant 0 : i32
    %scan3A_545 = arith.constant 63 : i32
    %scan3A_546 = arith.addi %scan3A, %scan3A_545 : i32
    %scan3A_547 = arith.constant 1 : i32
    scf.for %scan3A_825 = %scan3A to %scan3A_546 step %scan3A_547  : i32 {
      %mul3A_826 = arith.constant 2 : i32
      %mul3A_827 = arith.muli %scan3A_825, %mul3A_826 : i32
      %add3A_828 = arith.constant 0 : i32
      %add3A_829 = arith.addi %add3A_828, %mul3A_827 : i32
      %add3A_830 = arith.constant 1 : i32
      %add3A_831 = arith.addi %add3A_829, %add3A_830 : i32
      %add3A_832 = arith.constant 0 : i32
      %add3A_833 = arith.addi %add3A_831, %add3A_832 : i32
      %dma_wait3A_834 = arith.constant 0 : i32
      %dma_wait3A_835 = arith.constant 0 : i32
      %dma_wait3A_836 = arith.constant 0 : i32
      %dma_wait3A_837 = tpu.memref_slice %arg5[%dma_wait3A_835, %dma_wait3A_836] : memref<4x50xi32, #tpu.memory_space<vmem>> -> memref<1x50xi32, #tpu.memory_space<vmem>>
      %dma_wait3A_838 = tpu.memref_squeeze %dma_wait3A_837 : memref<1x50xi32, #tpu.memory_space<vmem>> -> memref<50xi32, #tpu.memory_space<vmem>>
      %dma_wait3A_839 = arith.constant 0 : i32
      %dma_wait3A_840 = tpu.memref_slice %arg3[%dma_wait3A_834, %dma_wait3A_839] : memref<16384x50xi32, #tpu.memory_space<hbm>> -> memref<1x50xi32, #tpu.memory_space<hbm>>
      %dma_wait3A_841 = tpu.memref_squeeze %dma_wait3A_840 : memref<1x50xi32, #tpu.memory_space<hbm>> -> memref<50xi32, #tpu.memory_space<hbm>>
      %dma_wait3A_842 = arith.constant 0 : i32
      %dma_wait3A_843 = tpu.memref_slice %arg5[%dma_wait3A_835, %dma_wait3A_842] : memref<4x50xi32, #tpu.memory_space<vmem>> -> memref<1x50xi32, #tpu.memory_space<vmem>>
      %dma_wait3A_844 = tpu.memref_squeeze %dma_wait3A_843 : memref<1x50xi32, #tpu.memory_space<vmem>> -> memref<50xi32, #tpu.memory_space<vmem>>
      %dma_wait3A_845 = arith.constant 0 : i32
      %dma_wait3A_846 = tpu.memref_slice %arg3[%dma_wait3A_834, %dma_wait3A_845] : memref<16384x50xi32, #tpu.memory_space<hbm>> -> memref<1x50xi32, #tpu.memory_space<hbm>>
      %dma_wait3A_847 = tpu.memref_squeeze %dma_wait3A_846 : memref<1x50xi32, #tpu.memory_space<hbm>> -> memref<50xi32, #tpu.memory_space<hbm>>
      tpu.wait_dma2 semaphore(%arg13 : memref<!tpu.dma_semaphore, #tpu.memory_space<semaphore_mem>>) src(%dma_wait3A_847 : memref<50xi32, #tpu.memory_space<hbm>>) dst(%dma_wait3A_844 : memref<50xi32, #tpu.memory_space<vmem>>)
      %dma_wait3A_848 = arith.constant 0 : i32
      %dma_wait3A_849 = arith.constant 1 : i32
      %dma_wait3A_850 = arith.constant 0 : i32
      %dma_wait3A_851 = tpu.memref_slice %arg5[%dma_wait3A_849, %dma_wait3A_850] : memref<4x50xi32, #tpu.memory_space<vmem>> -> memref<1x50xi32, #tpu.memory_space<vmem>>
      %dma_wait3A_852 = tpu.memref_squeeze %dma_wait3A_851 : memref<1x50xi32, #tpu.memory_space<vmem>> -> memref<50xi32, #tpu.memory_space<vmem>>
      %dma_wait3A_853 = arith.constant 0 : i32
      %dma_wait3A_854 = tpu.memref_slice %arg3[%dma_wait3A_848, %dma_wait3A_853] : memref<16384x50xi32, #tpu.memory_space<hbm>> -> memref<1x50xi32, #tpu.memory_space<hbm>>
      %dma_wait3A_855 = tpu.memref_squeeze %dma_wait3A_854 : memref<1x50xi32, #tpu.memory_space<hbm>> -> memref<50xi32, #tpu.memory_space<hbm>>
      %dma_wait3A_856 = arith.constant 0 : i32
      %dma_wait3A_857 = tpu.memref_slice %arg5[%dma_wait3A_849, %dma_wait3A_856] : memref<4x50xi32, #tpu.memory_space<vmem>> -> memref<1x50xi32, #tpu.memory_space<vmem>>
      %dma_wait3A_858 = tpu.memref_squeeze %dma_wait3A_857 : memref<1x50xi32, #tpu.memory_space<vmem>> -> memref<50xi32, #tpu.memory_space<vmem>>
      %dma_wait3A_859 = arith.constant 0 : i32
      %dma_wait3A_860 = tpu.memref_slice %arg3[%dma_wait3A_848, %dma_wait3A_859] : memref<16384x50xi32, #tpu.memory_space<hbm>> -> memref<1x50xi32, #tpu.memory_space<hbm>>
      %dma_wait3A_861 = tpu.memref_squeeze %dma_wait3A_860 : memref<1x50xi32, #tpu.memory_space<hbm>> -> memref<50xi32, #tpu.memory_space<hbm>>
      tpu.wait_dma2 semaphore(%arg13 : memref<!tpu.dma_semaphore, #tpu.memory_space<semaphore_mem>>) src(%dma_wait3A_861 : memref<50xi32, #tpu.memory_space<hbm>>) dst(%dma_wait3A_858 : memref<50xi32, #tpu.memory_space<vmem>>)
      %dma_wait3A_862 = arith.constant 0 : i32
      %dma_wait3A_863 = arith.constant 2 : i32
      %dma_wait3A_864 = arith.constant 0 : i32
      %dma_wait3A_865 = tpu.memref_slice %arg5[%dma_wait3A_863, %dma_wait3A_864] : memref<4x50xi32, #tpu.memory_space<vmem>> -> memref<1x50xi32, #tpu.memory_space<vmem>>
      %dma_wait3A_866 = tpu.memref_squeeze %dma_wait3A_865 : memref<1x50xi32, #tpu.memory_space<vmem>> -> memref<50xi32, #tpu.memory_space<vmem>>
      %dma_wait3A_867 = arith.constant 0 : i32
      %dma_wait3A_868 = tpu.memref_slice %arg3[%dma_wait3A_862, %dma_wait3A_867] : memref<16384x50xi32, #tpu.memory_space<hbm>> -> memref<1x50xi32, #tpu.memory_space<hbm>>
      %dma_wait3A_869 = tpu.memref_squeeze %dma_wait3A_868 : memref<1x50xi32, #tpu.memory_space<hbm>> -> memref<50xi32, #tpu.memory_space<hbm>>
      %dma_wait3A_870 = arith.constant 0 : i32
      %dma_wait3A_871 = tpu.memref_slice %arg5[%dma_wait3A_863, %dma_wait3A_870] : memref<4x50xi32, #tpu.memory_space<vmem>> -> memref<1x50xi32, #tpu.memory_space<vmem>>
      %dma_wait3A_872 = tpu.memref_squeeze %dma_wait3A_871 : memref<1x50xi32, #tpu.memory_space<vmem>> -> memref<50xi32, #tpu.memory_space<vmem>>
      %dma_wait3A_873 = arith.constant 0 : i32
      %dma_wait3A_874 = tpu.memref_slice %arg3[%dma_wait3A_862, %dma_wait3A_873] : memref<16384x50xi32, #tpu.memory_space<hbm>> -> memref<1x50xi32, #tpu.memory_space<hbm>>
      %dma_wait3A_875 = tpu.memref_squeeze %dma_wait3A_874 : memref<1x50xi32, #tpu.memory_space<hbm>> -> memref<50xi32, #tpu.memory_space<hbm>>
      tpu.wait_dma2 semaphore(%arg13 : memref<!tpu.dma_semaphore, #tpu.memory_space<semaphore_mem>>) src(%dma_wait3A_875 : memref<50xi32, #tpu.memory_space<hbm>>) dst(%dma_wait3A_872 : memref<50xi32, #tpu.memory_space<vmem>>)
      %dma_wait3A_876 = arith.constant 0 : i32
      %dma_wait3A_877 = arith.constant 3 : i32
      %dma_wait3A_878 = arith.constant 0 : i32
      %dma_wait3A_879 = tpu.memref_slice %arg5[%dma_wait3A_877, %dma_wait3A_878] : memref<4x50xi32, #tpu.memory_space<vmem>> -> memref<1x50xi32, #tpu.memory_space<vmem>>
      %dma_wait3A_880 = tpu.memref_squeeze %dma_wait3A_879 : memref<1x50xi32, #tpu.memory_space<vmem>> -> memref<50xi32, #tpu.memory_space<vmem>>
      %dma_wait3A_881 = arith.constant 0 : i32
      %dma_wait3A_882 = tpu.memref_slice %arg3[%dma_wait3A_876, %dma_wait3A_881] : memref<16384x50xi32, #tpu.memory_space<hbm>> -> memref<1x50xi32, #tpu.memory_space<hbm>>
      %dma_wait3A_883 = tpu.memref_squeeze %dma_wait3A_882 : memref<1x50xi32, #tpu.memory_space<hbm>> -> memref<50xi32, #tpu.memory_space<hbm>>
      %dma_wait3A_884 = arith.constant 0 : i32
      %dma_wait3A_885 = tpu.memref_slice %arg5[%dma_wait3A_877, %dma_wait3A_884] : memref<4x50xi32, #tpu.memory_space<vmem>> -> memref<1x50xi32, #tpu.memory_space<vmem>>
      %dma_wait3A_886 = tpu.memref_squeeze %dma_wait3A_885 : memref<1x50xi32, #tpu.memory_space<vmem>> -> memref<50xi32, #tpu.memory_space<vmem>>
      %dma_wait3A_887 = arith.constant 0 : i32
      %dma_wait3A_888 = tpu.memref_slice %arg3[%dma_wait3A_876, %dma_wait3A_887] : memref<16384x50xi32, #tpu.memory_space<hbm>> -> memref<1x50xi32, #tpu.memory_space<hbm>>
      %dma_wait3A_889 = tpu.memref_squeeze %dma_wait3A_888 : memref<1x50xi32, #tpu.memory_space<hbm>> -> memref<50xi32, #tpu.memory_space<hbm>>
      tpu.wait_dma2 semaphore(%arg13 : memref<!tpu.dma_semaphore, #tpu.memory_space<semaphore_mem>>) src(%dma_wait3A_889 : memref<50xi32, #tpu.memory_space<hbm>>) dst(%dma_wait3A_886 : memref<50xi32, #tpu.memory_space<vmem>>)
      %dma_wait3A_890 = arith.constant 0 : i32
      %dma_wait3A_891 = arith.constant 0 : i32
      %dma_wait3A_892 = arith.constant 0 : i32
      %dma_wait3A_893 = arith.constant 0 : i32
      %dma_wait3A_894 = tpu.memref_slice %arg8[%dma_wait3A_891, %dma_wait3A_892, %dma_wait3A_893] : memref<4x50x64xf32, #tpu.memory_space<vmem>> -> memref<1x50x64xf32, #tpu.memory_space<vmem>>
      %dma_wait3A_895 = tpu.memref_squeeze %dma_wait3A_894 : memref<1x50x64xf32, #tpu.memory_space<vmem>> -> memref<50x64xf32, #tpu.memory_space<vmem>>
      %dma_wait3A_896 = arith.constant 0 : i32
      %dma_wait3A_897 = tpu.memref_slice %arg6[%dma_wait3A_890, %dma_wait3A_896] : memref<4x50xi32, #tpu.memory_space<vmem>> -> memref<1x50xi32, #tpu.memory_space<vmem>>
      %dma_wait3A_898 = tpu.memref_squeeze %dma_wait3A_897 : memref<1x50xi32, #tpu.memory_space<vmem>> -> memref<50xi32, #tpu.memory_space<vmem>>
      %dma_wait3A_899 = arith.constant 0 : i32
      %dma_wait3A_900 = arith.constant 0 : i32
      %dma_wait3A_901 = tpu.memref_slice %arg2[%dma_wait3A_899, %dma_wait3A_900] : memref<1000000x64xf32, #tpu.memory_space<hbm>> -> memref<1000000x64xf32, #tpu.memory_space<hbm>>
      tpu.wait_indirect_dma semaphore(%arg10 : memref<!tpu.dma_semaphore, #tpu.memory_space<semaphore_mem>>) src(%dma_wait3A_901 : memref<1000000x64xf32, #tpu.memory_space<hbm>>) dst(%dma_wait3A_895 : memref<50x64xf32, #tpu.memory_space<vmem>>)
      %dma_wait3A_902 = arith.constant 0 : i32
      %dma_wait3A_903 = arith.constant 1 : i32
      %dma_wait3A_904 = arith.constant 0 : i32
      %dma_wait3A_905 = arith.constant 0 : i32
      %dma_wait3A_906 = tpu.memref_slice %arg8[%dma_wait3A_903, %dma_wait3A_904, %dma_wait3A_905] : memref<4x50x64xf32, #tpu.memory_space<vmem>> -> memref<1x50x64xf32, #tpu.memory_space<vmem>>
      %dma_wait3A_907 = tpu.memref_squeeze %dma_wait3A_906 : memref<1x50x64xf32, #tpu.memory_space<vmem>> -> memref<50x64xf32, #tpu.memory_space<vmem>>
      %dma_wait3A_908 = arith.constant 0 : i32
      %dma_wait3A_909 = tpu.memref_slice %arg6[%dma_wait3A_902, %dma_wait3A_908] : memref<4x50xi32, #tpu.memory_space<vmem>> -> memref<1x50xi32, #tpu.memory_space<vmem>>
      %dma_wait3A_910 = tpu.memref_squeeze %dma_wait3A_909 : memref<1x50xi32, #tpu.memory_space<vmem>> -> memref<50xi32, #tpu.memory_space<vmem>>
      %dma_wait3A_911 = arith.constant 0 : i32
      %dma_wait3A_912 = arith.constant 0 : i32
      %dma_wait3A_913 = tpu.memref_slice %arg2[%dma_wait3A_911, %dma_wait3A_912] : memref<1000000x64xf32, #tpu.memory_space<hbm>> -> memref<1000000x64xf32, #tpu.memory_space<hbm>>
      tpu.wait_indirect_dma semaphore(%arg10 : memref<!tpu.dma_semaphore, #tpu.memory_space<semaphore_mem>>) src(%dma_wait3A_913 : memref<1000000x64xf32, #tpu.memory_space<hbm>>) dst(%dma_wait3A_907 : memref<50x64xf32, #tpu.memory_space<vmem>>)
      %dma_wait3A_914 = arith.constant 0 : i32
      %dma_wait3A_915 = arith.constant 2 : i32
      %dma_wait3A_916 = arith.constant 0 : i32
      %dma_wait3A_917 = arith.constant 0 : i32
      %dma_wait3A_918 = tpu.memref_slice %arg8[%dma_wait3A_915, %dma_wait3A_916, %dma_wait3A_917] : memref<4x50x64xf32, #tpu.memory_space<vmem>> -> memref<1x50x64xf32, #tpu.memory_space<vmem>>
      %dma_wait3A_919 = tpu.memref_squeeze %dma_wait3A_918 : memref<1x50x64xf32, #tpu.memory_space<vmem>> -> memref<50x64xf32, #tpu.memory_space<vmem>>
      %dma_wait3A_920 = arith.constant 0 : i32
      %dma_wait3A_921 = tpu.memref_slice %arg6[%dma_wait3A_914, %dma_wait3A_920] : memref<4x50xi32, #tpu.memory_space<vmem>> -> memref<1x50xi32, #tpu.memory_space<vmem>>
      %dma_wait3A_922 = tpu.memref_squeeze %dma_wait3A_921 : memref<1x50xi32, #tpu.memory_space<vmem>> -> memref<50xi32, #tpu.memory_space<vmem>>
      %dma_wait3A_923 = arith.constant 0 : i32
      %dma_wait3A_924 = arith.constant 0 : i32
      %dma_wait3A_925 = tpu.memref_slice %arg2[%dma_wait3A_923, %dma_wait3A_924] : memref<1000000x64xf32, #tpu.memory_space<hbm>> -> memref<1000000x64xf32, #tpu.memory_space<hbm>>
      tpu.wait_indirect_dma semaphore(%arg10 : memref<!tpu.dma_semaphore, #tpu.memory_space<semaphore_mem>>) src(%dma_wait3A_925 : memref<1000000x64xf32, #tpu.memory_space<hbm>>) dst(%dma_wait3A_919 : memref<50x64xf32, #tpu.memory_space<vmem>>)
      %dma_wait3A_926 = arith.constant 0 : i32
      %dma_wait3A_927 = arith.constant 3 : i32
      %dma_wait3A_928 = arith.constant 0 : i32
      %dma_wait3A_929 = arith.constant 0 : i32
      %dma_wait3A_930 = tpu.memref_slice %arg8[%dma_wait3A_927, %dma_wait3A_928, %dma_wait3A_929] : memref<4x50x64xf32, #tpu.memory_space<vmem>> -> memref<1x50x64xf32, #tpu.memory_space<vmem>>
      %dma_wait3A_931 = tpu.memref_squeeze %dma_wait3A_930 : memref<1x50x64xf32, #tpu.memory_space<vmem>> -> memref<50x64xf32, #tpu.memory_space<vmem>>
      %dma_wait3A_932 = arith.constant 0 : i32
      %dma_wait3A_933 = tpu.memref_slice %arg6[%dma_wait3A_926, %dma_wait3A_932] : memref<4x50xi32, #tpu.memory_space<vmem>> -> memref<1x50xi32, #tpu.memory_space<vmem>>
      %dma_wait3A_934 = tpu.memref_squeeze %dma_wait3A_933 : memref<1x50xi32, #tpu.memory_space<vmem>> -> memref<50xi32, #tpu.memory_space<vmem>>
      %dma_wait3A_935 = arith.constant 0 : i32
      %dma_wait3A_936 = arith.constant 0 : i32
      %dma_wait3A_937 = tpu.memref_slice %arg2[%dma_wait3A_935, %dma_wait3A_936] : memref<1000000x64xf32, #tpu.memory_space<hbm>> -> memref<1000000x64xf32, #tpu.memory_space<hbm>>
      tpu.wait_indirect_dma semaphore(%arg10 : memref<!tpu.dma_semaphore, #tpu.memory_space<semaphore_mem>>) src(%dma_wait3A_937 : memref<1000000x64xf32, #tpu.memory_space<hbm>>) dst(%dma_wait3A_931 : memref<50x64xf32, #tpu.memory_space<vmem>>)
      %mul3A_938 = arith.constant 4 : i32
      %mul3A_939 = arith.muli %add3A_833, %mul3A_938 : i32
      %add3A_940 = arith.addi %mul3A_2, %mul3A_939 : i32
      %add3A_941 = arith.constant 0 : i32
      %add3A_942 = arith.addi %add3A_940, %add3A_941 : i32
      %dma_start3A_943 = arith.constant 0 : i32
      %dma_start3A_944 = arith.constant 0 : i32
      %dma_start3A_945 = arith.constant 0 : i32
      %dma_start3A_946 = tpu.memref_slice %arg8[%dma_start3A_943, %dma_start3A_944, %dma_start3A_945] : memref<4x50x64xf32, #tpu.memory_space<vmem>> -> memref<1x50x64xf32, #tpu.memory_space<vmem>>
      %dma_start3A_947 = tpu.memref_squeeze %dma_start3A_946 : memref<1x50x64xf32, #tpu.memory_space<vmem>> -> memref<50x64xf32, #tpu.memory_space<vmem>>
      %dma_start3A_948 = arith.constant 0 : i32
      %dma_start3A_949 = arith.constant 0 : i32
      %dma_start3A_950 = tpu.memref_slice %arg4[%add3A_942, %dma_start3A_948, %dma_start3A_949] : memref<16384x50x64xf32, #tpu.memory_space<hbm>> -> memref<1x50x64xf32, #tpu.memory_space<hbm>>
      %dma_start3A_951 = tpu.memref_squeeze %dma_start3A_950 : memref<1x50x64xf32, #tpu.memory_space<hbm>> -> memref<50x64xf32, #tpu.memory_space<hbm>>
      %dma_start3A_952 = arith.constant 0 : i32
      %dma_start3A_953 = arith.constant 0 : i32
      %dma_start3A_954 = tpu.memref_slice %arg4[%add3A_942, %dma_start3A_952, %dma_start3A_953] : memref<16384x50x64xf32, #tpu.memory_space<hbm>> -> memref<1x50x64xf32, #tpu.memory_space<hbm>>
      %dma_start3A_955 = tpu.memref_squeeze %dma_start3A_954 : memref<1x50x64xf32, #tpu.memory_space<hbm>> -> memref<50x64xf32, #tpu.memory_space<hbm>>
      %dma_start3A_956 = arith.constant 0 : i32
      %dma_start3A_957 = arith.constant 0 : i32
      %dma_start3A_958 = tpu.memref_slice %arg8[%dma_start3A_943, %dma_start3A_956, %dma_start3A_957] : memref<4x50x64xf32, #tpu.memory_space<vmem>> -> memref<1x50x64xf32, #tpu.memory_space<vmem>>
      %dma_start3A_959 = tpu.memref_squeeze %dma_start3A_958 : memref<1x50x64xf32, #tpu.memory_space<vmem>> -> memref<50x64xf32, #tpu.memory_space<vmem>>
      tpu.enqueue_dma source(%dma_start3A_959 : memref<50x64xf32, #tpu.memory_space<vmem>>) target(%dma_start3A_955 : memref<50x64xf32, #tpu.memory_space<hbm>>) target_semaphore(%arg12 : memref<!tpu.dma_semaphore, #tpu.memory_space<semaphore_mem>>)
      %mul3A_960 = arith.constant 4 : i32
      %mul3A_961 = arith.muli %add3A_833, %mul3A_960 : i32
      %add3A_962 = arith.addi %mul3A_2, %mul3A_961 : i32
      %add3A_963 = arith.constant 1 : i32
      %add3A_964 = arith.addi %add3A_962, %add3A_963 : i32
      %dma_start3A_965 = arith.constant 1 : i32
      %dma_start3A_966 = arith.constant 0 : i32
      %dma_start3A_967 = arith.constant 0 : i32
      %dma_start3A_968 = tpu.memref_slice %arg8[%dma_start3A_965, %dma_start3A_966, %dma_start3A_967] : memref<4x50x64xf32, #tpu.memory_space<vmem>> -> memref<1x50x64xf32, #tpu.memory_space<vmem>>
      %dma_start3A_969 = tpu.memref_squeeze %dma_start3A_968 : memref<1x50x64xf32, #tpu.memory_space<vmem>> -> memref<50x64xf32, #tpu.memory_space<vmem>>
      %dma_start3A_970 = arith.constant 0 : i32
      %dma_start3A_971 = arith.constant 0 : i32
      %dma_start3A_972 = tpu.memref_slice %arg4[%add3A_964, %dma_start3A_970, %dma_start3A_971] : memref<16384x50x64xf32, #tpu.memory_space<hbm>> -> memref<1x50x64xf32, #tpu.memory_space<hbm>>
      %dma_start3A_973 = tpu.memref_squeeze %dma_start3A_972 : memref<1x50x64xf32, #tpu.memory_space<hbm>> -> memref<50x64xf32, #tpu.memory_space<hbm>>
      %dma_start3A_974 = arith.constant 0 : i32
      %dma_start3A_975 = arith.constant 0 : i32
      %dma_start3A_976 = tpu.memref_slice %arg4[%add3A_964, %dma_start3A_974, %dma_start3A_975] : memref<16384x50x64xf32, #tpu.memory_space<hbm>> -> memref<1x50x64xf32, #tpu.memory_space<hbm>>
      %dma_start3A_977 = tpu.memref_squeeze %dma_start3A_976 : memref<1x50x64xf32, #tpu.memory_space<hbm>> -> memref<50x64xf32, #tpu.memory_space<hbm>>
      %dma_start3A_978 = arith.constant 0 : i32
      %dma_start3A_979 = arith.constant 0 : i32
      %dma_start3A_980 = tpu.memref_slice %arg8[%dma_start3A_965, %dma_start3A_978, %dma_start3A_979] : memref<4x50x64xf32, #tpu.memory_space<vmem>> -> memref<1x50x64xf32, #tpu.memory_space<vmem>>
      %dma_start3A_981 = tpu.memref_squeeze %dma_start3A_980 : memref<1x50x64xf32, #tpu.memory_space<vmem>> -> memref<50x64xf32, #tpu.memory_space<vmem>>
      tpu.enqueue_dma source(%dma_start3A_981 : memref<50x64xf32, #tpu.memory_space<vmem>>) target(%dma_start3A_977 : memref<50x64xf32, #tpu.memory_space<hbm>>) target_semaphore(%arg12 : memref<!tpu.dma_semaphore, #tpu.memory_space<semaphore_mem>>)
      %mul3A_982 = arith.constant 4 : i32
      %mul3A_983 = arith.muli %add3A_833, %mul3A_982 : i32
      %add3A_984 = arith.addi %mul3A_2, %mul3A_983 : i32
      %add3A_985 = arith.constant 2 : i32
      %add3A_986 = arith.addi %add3A_984, %add3A_985 : i32
      %dma_start3A_987 = arith.constant 2 : i32
      %dma_start3A_988 = arith.constant 0 : i32
      %dma_start3A_989 = arith.constant 0 : i32
      %dma_start3A_990 = tpu.memref_slice %arg8[%dma_start3A_987, %dma_start3A_988, %dma_start3A_989] : memref<4x50x64xf32, #tpu.memory_space<vmem>> -> memref<1x50x64xf32, #tpu.memory_space<vmem>>
      %dma_start3A_991 = tpu.memref_squeeze %dma_start3A_990 : memref<1x50x64xf32, #tpu.memory_space<vmem>> -> memref<50x64xf32, #tpu.memory_space<vmem>>
      %dma_start3A_992 = arith.constant 0 : i32
      %dma_start3A_993 = arith.constant 0 : i32
      %dma_start3A_994 = tpu.memref_slice %arg4[%add3A_986, %dma_start3A_992, %dma_start3A_993] : memref<16384x50x64xf32, #tpu.memory_space<hbm>> -> memref<1x50x64xf32, #tpu.memory_space<hbm>>
      %dma_start3A_995 = tpu.memref_squeeze %dma_start3A_994 : memref<1x50x64xf32, #tpu.memory_space<hbm>> -> memref<50x64xf32, #tpu.memory_space<hbm>>
      %dma_start3A_996 = arith.constant 0 : i32
      %dma_start3A_997 = arith.constant 0 : i32
      %dma_start3A_998 = tpu.memref_slice %arg4[%add3A_986, %dma_start3A_996, %dma_start3A_997] : memref<16384x50x64xf32, #tpu.memory_space<hbm>> -> memref<1x50x64xf32, #tpu.memory_space<hbm>>
      %dma_start3A_999 = tpu.memref_squeeze %dma_start3A_998 : memref<1x50x64xf32, #tpu.memory_space<hbm>> -> memref<50x64xf32, #tpu.memory_space<hbm>>
      %dma_start3A_1000 = arith.constant 0 : i32
      %dma_start3A_1001 = arith.constant 0 : i32
      %dma_start3A_1002 = tpu.memref_slice %arg8[%dma_start3A_987, %dma_start3A_1000, %dma_start3A_1001] : memref<4x50x64xf32, #tpu.memory_space<vmem>> -> memref<1x50x64xf32, #tpu.memory_space<vmem>>
      %dma_start3A_1003 = tpu.memref_squeeze %dma_start3A_1002 : memref<1x50x64xf32, #tpu.memory_space<vmem>> -> memref<50x64xf32, #tpu.memory_space<vmem>>
      tpu.enqueue_dma source(%dma_start3A_1003 : memref<50x64xf32, #tpu.memory_space<vmem>>) target(%dma_start3A_999 : memref<50x64xf32, #tpu.memory_space<hbm>>) target_semaphore(%arg12 : memref<!tpu.dma_semaphore, #tpu.memory_space<semaphore_mem>>)
      %mul3A_1004 = arith.constant 4 : i32
      %mul3A_1005 = arith.muli %add3A_833, %mul3A_1004 : i32
      %add3A_1006 = arith.addi %mul3A_2, %mul3A_1005 : i32
      %add3A_1007 = arith.constant 3 : i32
      %add3A_1008 = arith.addi %add3A_1006, %add3A_1007 : i32
      %dma_start3A_1009 = arith.constant 3 : i32
      %dma_start3A_1010 = arith.constant 0 : i32
      %dma_start3A_1011 = arith.constant 0 : i32
      %dma_start3A_1012 = tpu.memref_slice %arg8[%dma_start3A_1009, %dma_start3A_1010, %dma_start3A_1011] : memref<4x50x64xf32, #tpu.memory_space<vmem>> -> memref<1x50x64xf32, #tpu.memory_space<vmem>>
      %dma_start3A_1013 = tpu.memref_squeeze %dma_start3A_1012 : memref<1x50x64xf32, #tpu.memory_space<vmem>> -> memref<50x64xf32, #tpu.memory_space<vmem>>
      %dma_start3A_1014 = arith.constant 0 : i32
      %dma_start3A_1015 = arith.constant 0 : i32
      %dma_start3A_1016 = tpu.memref_slice %arg4[%add3A_1008, %dma_start3A_1014, %dma_start3A_1015] : memref<16384x50x64xf32, #tpu.memory_space<hbm>> -> memref<1x50x64xf32, #tpu.memory_space<hbm>>
      %dma_start3A_1017 = tpu.memref_squeeze %dma_start3A_1016 : memref<1x50x64xf32, #tpu.memory_space<hbm>> -> memref<50x64xf32, #tpu.memory_space<hbm>>
      %dma_start3A_1018 = arith.constant 0 : i32
      %dma_start3A_1019 = arith.constant 0 : i32
      %dma_start3A_1020 = tpu.memref_slice %arg4[%add3A_1008, %dma_start3A_1018, %dma_start3A_1019] : memref<16384x50x64xf32, #tpu.memory_space<hbm>> -> memref<1x50x64xf32, #tpu.memory_space<hbm>>
      %dma_start3A_1021 = tpu.memref_squeeze %dma_start3A_1020 : memref<1x50x64xf32, #tpu.memory_space<hbm>> -> memref<50x64xf32, #tpu.memory_space<hbm>>
      %dma_start3A_1022 = arith.constant 0 : i32
      %dma_start3A_1023 = arith.constant 0 : i32
      %dma_start3A_1024 = tpu.memref_slice %arg8[%dma_start3A_1009, %dma_start3A_1022, %dma_start3A_1023] : memref<4x50x64xf32, #tpu.memory_space<vmem>> -> memref<1x50x64xf32, #tpu.memory_space<vmem>>
      %dma_start3A_1025 = tpu.memref_squeeze %dma_start3A_1024 : memref<1x50x64xf32, #tpu.memory_space<vmem>> -> memref<50x64xf32, #tpu.memory_space<vmem>>
      tpu.enqueue_dma source(%dma_start3A_1025 : memref<50x64xf32, #tpu.memory_space<vmem>>) target(%dma_start3A_1021 : memref<50x64xf32, #tpu.memory_space<hbm>>) target_semaphore(%arg12 : memref<!tpu.dma_semaphore, #tpu.memory_space<semaphore_mem>>)
      %dma_wait3A_1026 = arith.constant 0 : i32
      %dma_wait3A_1027 = arith.constant 0 : i32
      %dma_wait3A_1028 = arith.constant 0 : i32
      %dma_wait3A_1029 = arith.constant 0 : i32
      %dma_wait3A_1030 = tpu.memref_slice %arg7[%dma_wait3A_1026, %dma_wait3A_1028, %dma_wait3A_1029] : memref<4x50x64xf32, #tpu.memory_space<vmem>> -> memref<1x50x64xf32, #tpu.memory_space<vmem>>
      %dma_wait3A_1031 = tpu.memref_squeeze %dma_wait3A_1030 : memref<1x50x64xf32, #tpu.memory_space<vmem>> -> memref<50x64xf32, #tpu.memory_space<vmem>>
      %dma_wait3A_1032 = arith.constant 0 : i32
      %dma_wait3A_1033 = arith.constant 0 : i32
      %dma_wait3A_1034 = tpu.memref_slice %arg4[%dma_wait3A_1027, %dma_wait3A_1032, %dma_wait3A_1033] : memref<16384x50x64xf32, #tpu.memory_space<hbm>> -> memref<1x50x64xf32, #tpu.memory_space<hbm>>
      %dma_wait3A_1035 = tpu.memref_squeeze %dma_wait3A_1034 : memref<1x50x64xf32, #tpu.memory_space<hbm>> -> memref<50x64xf32, #tpu.memory_space<hbm>>
      %dma_wait3A_1036 = arith.constant 0 : i32
      %dma_wait3A_1037 = arith.constant 0 : i32
      %dma_wait3A_1038 = tpu.memref_slice %arg4[%dma_wait3A_1027, %dma_wait3A_1036, %dma_wait3A_1037] : memref<16384x50x64xf32, #tpu.memory_space<hbm>> -> memref<1x50x64xf32, #tpu.memory_space<hbm>>
      %dma_wait3A_1039 = tpu.memref_squeeze %dma_wait3A_1038 : memref<1x50x64xf32, #tpu.memory_space<hbm>> -> memref<50x64xf32, #tpu.memory_space<hbm>>
      %dma_wait3A_1040 = arith.constant 0 : i32
      %dma_wait3A_1041 = arith.constant 0 : i32
      %dma_wait3A_1042 = tpu.memref_slice %arg7[%dma_wait3A_1026, %dma_wait3A_1040, %dma_wait3A_1041] : memref<4x50x64xf32, #tpu.memory_space<vmem>> -> memref<1x50x64xf32, #tpu.memory_space<vmem>>
      %dma_wait3A_1043 = tpu.memref_squeeze %dma_wait3A_1042 : memref<1x50x64xf32, #tpu.memory_space<vmem>> -> memref<50x64xf32, #tpu.memory_space<vmem>>
      tpu.wait_dma2 semaphore(%arg11 : memref<!tpu.dma_semaphore, #tpu.memory_space<semaphore_mem>>) src(%dma_wait3A_1043 : memref<50x64xf32, #tpu.memory_space<vmem>>) dst(%dma_wait3A_1039 : memref<50x64xf32, #tpu.memory_space<hbm>>)
      %dma_wait3A_1044 = arith.constant 1 : i32
      %dma_wait3A_1045 = arith.constant 0 : i32
      %dma_wait3A_1046 = arith.constant 0 : i32
      %dma_wait3A_1047 = arith.constant 0 : i32
      %dma_wait3A_1048 = tpu.memref_slice %arg7[%dma_wait3A_1044, %dma_wait3A_1046, %dma_wait3A_1047] : memref<4x50x64xf32, #tpu.memory_space<vmem>> -> memref<1x50x64xf32, #tpu.memory_space<vmem>>
      %dma_wait3A_1049 = tpu.memref_squeeze %dma_wait3A_1048 : memref<1x50x64xf32, #tpu.memory_space<vmem>> -> memref<50x64xf32, #tpu.memory_space<vmem>>
      %dma_wait3A_1050 = arith.constant 0 : i32
      %dma_wait3A_1051 = arith.constant 0 : i32
      %dma_wait3A_1052 = tpu.memref_slice %arg4[%dma_wait3A_1045, %dma_wait3A_1050, %dma_wait3A_1051] : memref<16384x50x64xf32, #tpu.memory_space<hbm>> -> memref<1x50x64xf32, #tpu.memory_space<hbm>>
      %dma_wait3A_1053 = tpu.memref_squeeze %dma_wait3A_1052 : memref<1x50x64xf32, #tpu.memory_space<hbm>> -> memref<50x64xf32, #tpu.memory_space<hbm>>
      %dma_wait3A_1054 = arith.constant 0 : i32
      %dma_wait3A_1055 = arith.constant 0 : i32
      %dma_wait3A_1056 = tpu.memref_slice %arg4[%dma_wait3A_1045, %dma_wait3A_1054, %dma_wait3A_1055] : memref<16384x50x64xf32, #tpu.memory_space<hbm>> -> memref<1x50x64xf32, #tpu.memory_space<hbm>>
      %dma_wait3A_1057 = tpu.memref_squeeze %dma_wait3A_1056 : memref<1x50x64xf32, #tpu.memory_space<hbm>> -> memref<50x64xf32, #tpu.memory_space<hbm>>
      %dma_wait3A_1058 = arith.constant 0 : i32
      %dma_wait3A_1059 = arith.constant 0 : i32
      %dma_wait3A_1060 = tpu.memref_slice %arg7[%dma_wait3A_1044, %dma_wait3A_1058, %dma_wait3A_1059] : memref<4x50x64xf32, #tpu.memory_space<vmem>> -> memref<1x50x64xf32, #tpu.memory_space<vmem>>
      %dma_wait3A_1061 = tpu.memref_squeeze %dma_wait3A_1060 : memref<1x50x64xf32, #tpu.memory_space<vmem>> -> memref<50x64xf32, #tpu.memory_space<vmem>>
      tpu.wait_dma2 semaphore(%arg11 : memref<!tpu.dma_semaphore, #tpu.memory_space<semaphore_mem>>) src(%dma_wait3A_1061 : memref<50x64xf32, #tpu.memory_space<vmem>>) dst(%dma_wait3A_1057 : memref<50x64xf32, #tpu.memory_space<hbm>>)
      %dma_wait3A_1062 = arith.constant 2 : i32
      %dma_wait3A_1063 = arith.constant 0 : i32
      %dma_wait3A_1064 = arith.constant 0 : i32
      %dma_wait3A_1065 = arith.constant 0 : i32
      %dma_wait3A_1066 = tpu.memref_slice %arg7[%dma_wait3A_1062, %dma_wait3A_1064, %dma_wait3A_1065] : memref<4x50x64xf32, #tpu.memory_space<vmem>> -> memref<1x50x64xf32, #tpu.memory_space<vmem>>
      %dma_wait3A_1067 = tpu.memref_squeeze %dma_wait3A_1066 : memref<1x50x64xf32, #tpu.memory_space<vmem>> -> memref<50x64xf32, #tpu.memory_space<vmem>>
      %dma_wait3A_1068 = arith.constant 0 : i32
      %dma_wait3A_1069 = arith.constant 0 : i32
      %dma_wait3A_1070 = tpu.memref_slice %arg4[%dma_wait3A_1063, %dma_wait3A_1068, %dma_wait3A_1069] : memref<16384x50x64xf32, #tpu.memory_space<hbm>> -> memref<1x50x64xf32, #tpu.memory_space<hbm>>
      %dma_wait3A_1071 = tpu.memref_squeeze %dma_wait3A_1070 : memref<1x50x64xf32, #tpu.memory_space<hbm>> -> memref<50x64xf32, #tpu.memory_space<hbm>>
      %dma_wait3A_1072 = arith.constant 0 : i32
      %dma_wait3A_1073 = arith.constant 0 : i32
      %dma_wait3A_1074 = tpu.memref_slice %arg4[%dma_wait3A_1063, %dma_wait3A_1072, %dma_wait3A_1073] : memref<16384x50x64xf32, #tpu.memory_space<hbm>> -> memref<1x50x64xf32, #tpu.memory_space<hbm>>
      %dma_wait3A_1075 = tpu.memref_squeeze %dma_wait3A_1074 : memref<1x50x64xf32, #tpu.memory_space<hbm>> -> memref<50x64xf32, #tpu.memory_space<hbm>>
      %dma_wait3A_1076 = arith.constant 0 : i32
      %dma_wait3A_1077 = arith.constant 0 : i32
      %dma_wait3A_1078 = tpu.memref_slice %arg7[%dma_wait3A_1062, %dma_wait3A_1076, %dma_wait3A_1077] : memref<4x50x64xf32, #tpu.memory_space<vmem>> -> memref<1x50x64xf32, #tpu.memory_space<vmem>>
      %dma_wait3A_1079 = tpu.memref_squeeze %dma_wait3A_1078 : memref<1x50x64xf32, #tpu.memory_space<vmem>> -> memref<50x64xf32, #tpu.memory_space<vmem>>
      tpu.wait_dma2 semaphore(%arg11 : memref<!tpu.dma_semaphore, #tpu.memory_space<semaphore_mem>>) src(%dma_wait3A_1079 : memref<50x64xf32, #tpu.memory_space<vmem>>) dst(%dma_wait3A_1075 : memref<50x64xf32, #tpu.memory_space<hbm>>)
      %dma_wait3A_1080 = arith.constant 3 : i32
      %dma_wait3A_1081 = arith.constant 0 : i32
      %dma_wait3A_1082 = arith.constant 0 : i32
      %dma_wait3A_1083 = arith.constant 0 : i32
      %dma_wait3A_1084 = tpu.memref_slice %arg7[%dma_wait3A_1080, %dma_wait3A_1082, %dma_wait3A_1083] : memref<4x50x64xf32, #tpu.memory_space<vmem>> -> memref<1x50x64xf32, #tpu.memory_space<vmem>>
      %dma_wait3A_1085 = tpu.memref_squeeze %dma_wait3A_1084 : memref<1x50x64xf32, #tpu.memory_space<vmem>> -> memref<50x64xf32, #tpu.memory_space<vmem>>
      %dma_wait3A_1086 = arith.constant 0 : i32
      %dma_wait3A_1087 = arith.constant 0 : i32
      %dma_wait3A_1088 = tpu.memref_slice %arg4[%dma_wait3A_1081, %dma_wait3A_1086, %dma_wait3A_1087] : memref<16384x50x64xf32, #tpu.memory_space<hbm>> -> memref<1x50x64xf32, #tpu.memory_space<hbm>>
      %dma_wait3A_1089 = tpu.memref_squeeze %dma_wait3A_1088 : memref<1x50x64xf32, #tpu.memory_space<hbm>> -> memref<50x64xf32, #tpu.memory_space<hbm>>
      %dma_wait3A_1090 = arith.constant 0 : i32
      %dma_wait3A_1091 = arith.constant 0 : i32
      %dma_wait3A_1092 = tpu.memref_slice %arg4[%dma_wait3A_1081, %dma_wait3A_1090, %dma_wait3A_1091] : memref<16384x50x64xf32, #tpu.memory_space<hbm>> -> memref<1x50x64xf32, #tpu.memory_space<hbm>>
      %dma_wait3A_1093 = tpu.memref_squeeze %dma_wait3A_1092 : memref<1x50x64xf32, #tpu.memory_space<hbm>> -> memref<50x64xf32, #tpu.memory_space<hbm>>
      %dma_wait3A_1094 = arith.constant 0 : i32
      %dma_wait3A_1095 = arith.constant 0 : i32
      %dma_wait3A_1096 = tpu.memref_slice %arg7[%dma_wait3A_1080, %dma_wait3A_1094, %dma_wait3A_1095] : memref<4x50x64xf32, #tpu.memory_space<vmem>> -> memref<1x50x64xf32, #tpu.memory_space<vmem>>
      %dma_wait3A_1097 = tpu.memref_squeeze %dma_wait3A_1096 : memref<1x50x64xf32, #tpu.memory_space<vmem>> -> memref<50x64xf32, #tpu.memory_space<vmem>>
      tpu.wait_dma2 semaphore(%arg11 : memref<!tpu.dma_semaphore, #tpu.memory_space<semaphore_mem>>) src(%dma_wait3A_1097 : memref<50x64xf32, #tpu.memory_space<vmem>>) dst(%dma_wait3A_1093 : memref<50x64xf32, #tpu.memory_space<hbm>>)
      %add3A_1098 = arith.constant 1 : i32
      %add3A_1099 = arith.addi %add3A_833, %add3A_1098 : i32
      %dma_start3A_1100 = arith.constant 0 : i32
      %dma_start3A_1101 = arith.constant 0 : i32
      %dma_start3A_1102 = arith.constant 0 : i32
      %dma_start3A_1103 = arith.constant 0 : i32
      %dma_start3A_1104 = tpu.memref_slice %arg7[%dma_start3A_1101, %dma_start3A_1102, %dma_start3A_1103] : memref<4x50x64xf32, #tpu.memory_space<vmem>> -> memref<1x50x64xf32, #tpu.memory_space<vmem>>
      %dma_start3A_1105 = tpu.memref_squeeze %dma_start3A_1104 : memref<1x50x64xf32, #tpu.memory_space<vmem>> -> memref<50x64xf32, #tpu.memory_space<vmem>>
      %dma_start3A_1106 = arith.constant 0 : i32
      %dma_start3A_1107 = tpu.memref_slice %arg5[%dma_start3A_1100, %dma_start3A_1106] : memref<4x50xi32, #tpu.memory_space<vmem>> -> memref<1x50xi32, #tpu.memory_space<vmem>>
      %dma_start3A_1108 = tpu.memref_squeeze %dma_start3A_1107 : memref<1x50xi32, #tpu.memory_space<vmem>> -> memref<50xi32, #tpu.memory_space<vmem>>
      %dma_start3A_1109 = arith.constant 0 : i32
      %dma_start3A_1110 = arith.constant 0 : i32
      %dma_start3A_1111 = tpu.memref_slice %arg2[%dma_start3A_1109, %dma_start3A_1110] : memref<1000000x64xf32, #tpu.memory_space<hbm>> -> memref<1000000x64xf32, #tpu.memory_space<hbm>>
      tpu.enqueue_indirect_dma source(%dma_start3A_1111 : memref<1000000x64xf32, #tpu.memory_space<hbm>>) target(%dma_start3A_1105 : memref<50x64xf32, #tpu.memory_space<vmem>>) offsets(%dma_start3A_1108 : memref<50xi32, #tpu.memory_space<vmem>>) semaphore(%arg9 : memref<!tpu.dma_semaphore, #tpu.memory_space<semaphore_mem>>)
      %dma_start3A_1112 = arith.constant 1 : i32
      %dma_start3A_1113 = arith.constant 1 : i32
      %dma_start3A_1114 = arith.constant 0 : i32
      %dma_start3A_1115 = arith.constant 0 : i32
      %dma_start3A_1116 = tpu.memref_slice %arg7[%dma_start3A_1113, %dma_start3A_1114, %dma_start3A_1115] : memref<4x50x64xf32, #tpu.memory_space<vmem>> -> memref<1x50x64xf32, #tpu.memory_space<vmem>>
      %dma_start3A_1117 = tpu.memref_squeeze %dma_start3A_1116 : memref<1x50x64xf32, #tpu.memory_space<vmem>> -> memref<50x64xf32, #tpu.memory_space<vmem>>
      %dma_start3A_1118 = arith.constant 0 : i32
      %dma_start3A_1119 = tpu.memref_slice %arg5[%dma_start3A_1112, %dma_start3A_1118] : memref<4x50xi32, #tpu.memory_space<vmem>> -> memref<1x50xi32, #tpu.memory_space<vmem>>
      %dma_start3A_1120 = tpu.memref_squeeze %dma_start3A_1119 : memref<1x50xi32, #tpu.memory_space<vmem>> -> memref<50xi32, #tpu.memory_space<vmem>>
      %dma_start3A_1121 = arith.constant 0 : i32
      %dma_start3A_1122 = arith.constant 0 : i32
      %dma_start3A_1123 = tpu.memref_slice %arg2[%dma_start3A_1121, %dma_start3A_1122] : memref<1000000x64xf32, #tpu.memory_space<hbm>> -> memref<1000000x64xf32, #tpu.memory_space<hbm>>
      tpu.enqueue_indirect_dma source(%dma_start3A_1123 : memref<1000000x64xf32, #tpu.memory_space<hbm>>) target(%dma_start3A_1117 : memref<50x64xf32, #tpu.memory_space<vmem>>) offsets(%dma_start3A_1120 : memref<50xi32, #tpu.memory_space<vmem>>) semaphore(%arg9 : memref<!tpu.dma_semaphore, #tpu.memory_space<semaphore_mem>>)
      %dma_start3A_1124 = arith.constant 2 : i32
      %dma_start3A_1125 = arith.constant 2 : i32
      %dma_start3A_1126 = arith.constant 0 : i32
      %dma_start3A_1127 = arith.constant 0 : i32
      %dma_start3A_1128 = tpu.memref_slice %arg7[%dma_start3A_1125, %dma_start3A_1126, %dma_start3A_1127] : memref<4x50x64xf32, #tpu.memory_space<vmem>> -> memref<1x50x64xf32, #tpu.memory_space<vmem>>
      %dma_start3A_1129 = tpu.memref_squeeze %dma_start3A_1128 : memref<1x50x64xf32, #tpu.memory_space<vmem>> -> memref<50x64xf32, #tpu.memory_space<vmem>>
      %dma_start3A_1130 = arith.constant 0 : i32
      %dma_start3A_1131 = tpu.memref_slice %arg5[%dma_start3A_1124, %dma_start3A_1130] : memref<4x50xi32, #tpu.memory_space<vmem>> -> memref<1x50xi32, #tpu.memory_space<vmem>>
      %dma_start3A_1132 = tpu.memref_squeeze %dma_start3A_1131 : memref<1x50xi32, #tpu.memory_space<vmem>> -> memref<50xi32, #tpu.memory_space<vmem>>
      %dma_start3A_1133 = arith.constant 0 : i32
      %dma_start3A_1134 = arith.constant 0 : i32
      %dma_start3A_1135 = tpu.memref_slice %arg2[%dma_start3A_1133, %dma_start3A_1134] : memref<1000000x64xf32, #tpu.memory_space<hbm>> -> memref<1000000x64xf32, #tpu.memory_space<hbm>>
      tpu.enqueue_indirect_dma source(%dma_start3A_1135 : memref<1000000x64xf32, #tpu.memory_space<hbm>>) target(%dma_start3A_1129 : memref<50x64xf32, #tpu.memory_space<vmem>>) offsets(%dma_start3A_1132 : memref<50xi32, #tpu.memory_space<vmem>>) semaphore(%arg9 : memref<!tpu.dma_semaphore, #tpu.memory_space<semaphore_mem>>)
      %dma_start3A_1136 = arith.constant 3 : i32
      %dma_start3A_1137 = arith.constant 3 : i32
      %dma_start3A_1138 = arith.constant 0 : i32
      %dma_start3A_1139 = arith.constant 0 : i32
      %dma_start3A_1140 = tpu.memref_slice %arg7[%dma_start3A_1137, %dma_start3A_1138, %dma_start3A_1139] : memref<4x50x64xf32, #tpu.memory_space<vmem>> -> memref<1x50x64xf32, #tpu.memory_space<vmem>>
      %dma_start3A_1141 = tpu.memref_squeeze %dma_start3A_1140 : memref<1x50x64xf32, #tpu.memory_space<vmem>> -> memref<50x64xf32, #tpu.memory_space<vmem>>
      %dma_start3A_1142 = arith.constant 0 : i32
      %dma_start3A_1143 = tpu.memref_slice %arg5[%dma_start3A_1136, %dma_start3A_1142] : memref<4x50xi32, #tpu.memory_space<vmem>> -> memref<1x50xi32, #tpu.memory_space<vmem>>
      %dma_start3A_1144 = tpu.memref_squeeze %dma_start3A_1143 : memref<1x50xi32, #tpu.memory_space<vmem>> -> memref<50xi32, #tpu.memory_space<vmem>>
      %dma_start3A_1145 = arith.constant 0 : i32
      %dma_start3A_1146 = arith.constant 0 : i32
      %dma_start3A_1147 = tpu.memref_slice %arg2[%dma_start3A_1145, %dma_start3A_1146] : memref<1000000x64xf32, #tpu.memory_space<hbm>> -> memref<1000000x64xf32, #tpu.memory_space<hbm>>
      tpu.enqueue_indirect_dma source(%dma_start3A_1147 : memref<1000000x64xf32, #tpu.memory_space<hbm>>) target(%dma_start3A_1141 : memref<50x64xf32, #tpu.memory_space<vmem>>) offsets(%dma_start3A_1144 : memref<50xi32, #tpu.memory_space<vmem>>) semaphore(%arg9 : memref<!tpu.dma_semaphore, #tpu.memory_space<semaphore_mem>>)
      %add3A_1148 = arith.constant 2 : i32
      %add3A_1149 = arith.addi %add3A_833, %add3A_1148 : i32
      %lt3A = arith.constant 128 : i32
      %lt3A_1150 = arith.cmpi slt, %add3A_1149, %lt3A : i32
      %convert_element_type3A = arith.extui %lt3A_1150 : i1 to i32
      %cond3A = arith.constant 0 : i32
      %cond3A_1151 = arith.cmpi ne, %convert_element_type3A, %cond3A : i32
      scf.if %cond3A_1151 {
        %add3A_1477 = arith.constant 2 : i32
        %add3A_1478 = arith.addi %add3A_833, %add3A_1477 : i32
        %mul3A_1479 = arith.constant 4 : i32
        %mul3A_1480 = arith.muli %add3A_1478, %mul3A_1479 : i32
        %add3A_1481 = arith.addi %mul3A_2, %mul3A_1480 : i32
        %add3A_1482 = arith.constant 0 : i32
        %add3A_1483 = arith.addi %add3A_1481, %add3A_1482 : i32
        %dma_start3A_1484 = arith.constant 0 : i32
        %dma_start3A_1485 = arith.constant 0 : i32
        %dma_start3A_1486 = tpu.memref_slice %arg6[%dma_start3A_1484, %dma_start3A_1485] : memref<4x50xi32, #tpu.memory_space<vmem>> -> memref<1x50xi32, #tpu.memory_space<vmem>>
        %dma_start3A_1487 = tpu.memref_squeeze %dma_start3A_1486 : memref<1x50xi32, #tpu.memory_space<vmem>> -> memref<50xi32, #tpu.memory_space<vmem>>
        %dma_start3A_1488 = arith.constant 0 : i32
        %dma_start3A_1489 = tpu.memref_slice %arg3[%add3A_1483, %dma_start3A_1488] : memref<16384x50xi32, #tpu.memory_space<hbm>> -> memref<1x50xi32, #tpu.memory_space<hbm>>
        %dma_start3A_1490 = tpu.memref_squeeze %dma_start3A_1489 : memref<1x50xi32, #tpu.memory_space<hbm>> -> memref<50xi32, #tpu.memory_space<hbm>>
        %dma_start3A_1491 = arith.constant 0 : i32
        %dma_start3A_1492 = tpu.memref_slice %arg6[%dma_start3A_1484, %dma_start3A_1491] : memref<4x50xi32, #tpu.memory_space<vmem>> -> memref<1x50xi32, #tpu.memory_space<vmem>>
        %dma_start3A_1493 = tpu.memref_squeeze %dma_start3A_1492 : memref<1x50xi32, #tpu.memory_space<vmem>> -> memref<50xi32, #tpu.memory_space<vmem>>
        %dma_start3A_1494 = arith.constant 0 : i32
        %dma_start3A_1495 = tpu.memref_slice %arg3[%add3A_1483, %dma_start3A_1494] : memref<16384x50xi32, #tpu.memory_space<hbm>> -> memref<1x50xi32, #tpu.memory_space<hbm>>
        %dma_start3A_1496 = tpu.memref_squeeze %dma_start3A_1495 : memref<1x50xi32, #tpu.memory_space<hbm>> -> memref<50xi32, #tpu.memory_space<hbm>>
        tpu.enqueue_dma source(%dma_start3A_1496 : memref<50xi32, #tpu.memory_space<hbm>>) target(%dma_start3A_1493 : memref<50xi32, #tpu.memory_space<vmem>>) target_semaphore(%arg14 : memref<!tpu.dma_semaphore, #tpu.memory_space<semaphore_mem>>)
        %mul3A_1497 = arith.constant 4 : i32
        %mul3A_1498 = arith.muli %add3A_1478, %mul3A_1497 : i32
        %add3A_1499 = arith.addi %mul3A_2, %mul3A_1498 : i32
        %add3A_1500 = arith.constant 1 : i32
        %add3A_1501 = arith.addi %add3A_1499, %add3A_1500 : i32
        %dma_start3A_1502 = arith.constant 1 : i32
        %dma_start3A_1503 = arith.constant 0 : i32
        %dma_start3A_1504 = tpu.memref_slice %arg6[%dma_start3A_1502, %dma_start3A_1503] : memref<4x50xi32, #tpu.memory_space<vmem>> -> memref<1x50xi32, #tpu.memory_space<vmem>>
        %dma_start3A_1505 = tpu.memref_squeeze %dma_start3A_1504 : memref<1x50xi32, #tpu.memory_space<vmem>> -> memref<50xi32, #tpu.memory_space<vmem>>
        %dma_start3A_1506 = arith.constant 0 : i32
        %dma_start3A_1507 = tpu.memref_slice %arg3[%add3A_1501, %dma_start3A_1506] : memref<16384x50xi32, #tpu.memory_space<hbm>> -> memref<1x50xi32, #tpu.memory_space<hbm>>
        %dma_start3A_1508 = tpu.memref_squeeze %dma_start3A_1507 : memref<1x50xi32, #tpu.memory_space<hbm>> -> memref<50xi32, #tpu.memory_space<hbm>>
        %dma_start3A_1509 = arith.constant 0 : i32
        %dma_start3A_1510 = tpu.memref_slice %arg6[%dma_start3A_1502, %dma_start3A_1509] : memref<4x50xi32, #tpu.memory_space<vmem>> -> memref<1x50xi32, #tpu.memory_space<vmem>>
        %dma_start3A_1511 = tpu.memref_squeeze %dma_start3A_1510 : memref<1x50xi32, #tpu.memory_space<vmem>> -> memref<50xi32, #tpu.memory_space<vmem>>
        %dma_start3A_1512 = arith.constant 0 : i32
        %dma_start3A_1513 = tpu.memref_slice %arg3[%add3A_1501, %dma_start3A_1512] : memref<16384x50xi32, #tpu.memory_space<hbm>> -> memref<1x50xi32, #tpu.memory_space<hbm>>
        %dma_start3A_1514 = tpu.memref_squeeze %dma_start3A_1513 : memref<1x50xi32, #tpu.memory_space<hbm>> -> memref<50xi32, #tpu.memory_space<hbm>>
        tpu.enqueue_dma source(%dma_start3A_1514 : memref<50xi32, #tpu.memory_space<hbm>>) target(%dma_start3A_1511 : memref<50xi32, #tpu.memory_space<vmem>>) target_semaphore(%arg14 : memref<!tpu.dma_semaphore, #tpu.memory_space<semaphore_mem>>)
        %mul3A_1515 = arith.constant 4 : i32
        %mul3A_1516 = arith.muli %add3A_1478, %mul3A_1515 : i32
        %add3A_1517 = arith.addi %mul3A_2, %mul3A_1516 : i32
        %add3A_1518 = arith.constant 2 : i32
        %add3A_1519 = arith.addi %add3A_1517, %add3A_1518 : i32
        %dma_start3A_1520 = arith.constant 2 : i32
        %dma_start3A_1521 = arith.constant 0 : i32
        %dma_start3A_1522 = tpu.memref_slice %arg6[%dma_start3A_1520, %dma_start3A_1521] : memref<4x50xi32, #tpu.memory_space<vmem>> -> memref<1x50xi32, #tpu.memory_space<vmem>>
        %dma_start3A_1523 = tpu.memref_squeeze %dma_start3A_1522 : memref<1x50xi32, #tpu.memory_space<vmem>> -> memref<50xi32, #tpu.memory_space<vmem>>
        %dma_start3A_1524 = arith.constant 0 : i32
        %dma_start3A_1525 = tpu.memref_slice %arg3[%add3A_1519, %dma_start3A_1524] : memref<16384x50xi32, #tpu.memory_space<hbm>> -> memref<1x50xi32, #tpu.memory_space<hbm>>
        %dma_start3A_1526 = tpu.memref_squeeze %dma_start3A_1525 : memref<1x50xi32, #tpu.memory_space<hbm>> -> memref<50xi32, #tpu.memory_space<hbm>>
        %dma_start3A_1527 = arith.constant 0 : i32
        %dma_start3A_1528 = tpu.memref_slice %arg6[%dma_start3A_1520, %dma_start3A_1527] : memref<4x50xi32, #tpu.memory_space<vmem>> -> memref<1x50xi32, #tpu.memory_space<vmem>>
        %dma_start3A_1529 = tpu.memref_squeeze %dma_start3A_1528 : memref<1x50xi32, #tpu.memory_space<vmem>> -> memref<50xi32, #tpu.memory_space<vmem>>
        %dma_start3A_1530 = arith.constant 0 : i32
        %dma_start3A_1531 = tpu.memref_slice %arg3[%add3A_1519, %dma_start3A_1530] : memref<16384x50xi32, #tpu.memory_space<hbm>> -> memref<1x50xi32, #tpu.memory_space<hbm>>
        %dma_start3A_1532 = tpu.memref_squeeze %dma_start3A_1531 : memref<1x50xi32, #tpu.memory_space<hbm>> -> memref<50xi32, #tpu.memory_space<hbm>>
        tpu.enqueue_dma source(%dma_start3A_1532 : memref<50xi32, #tpu.memory_space<hbm>>) target(%dma_start3A_1529 : memref<50xi32, #tpu.memory_space<vmem>>) target_semaphore(%arg14 : memref<!tpu.dma_semaphore, #tpu.memory_space<semaphore_mem>>)
        %mul3A_1533 = arith.constant 4 : i32
        %mul3A_1534 = arith.muli %add3A_1478, %mul3A_1533 : i32
        %add3A_1535 = arith.addi %mul3A_2, %mul3A_1534 : i32
        %add3A_1536 = arith.constant 3 : i32
        %add3A_1537 = arith.addi %add3A_1535, %add3A_1536 : i32
        %dma_start3A_1538 = arith.constant 3 : i32
        %dma_start3A_1539 = arith.constant 0 : i32
        %dma_start3A_1540 = tpu.memref_slice %arg6[%dma_start3A_1538, %dma_start3A_1539] : memref<4x50xi32, #tpu.memory_space<vmem>> -> memref<1x50xi32, #tpu.memory_space<vmem>>
        %dma_start3A_1541 = tpu.memref_squeeze %dma_start3A_1540 : memref<1x50xi32, #tpu.memory_space<vmem>> -> memref<50xi32, #tpu.memory_space<vmem>>
        %dma_start3A_1542 = arith.constant 0 : i32
        %dma_start3A_1543 = tpu.memref_slice %arg3[%add3A_1537, %dma_start3A_1542] : memref<16384x50xi32, #tpu.memory_space<hbm>> -> memref<1x50xi32, #tpu.memory_space<hbm>>
        %dma_start3A_1544 = tpu.memref_squeeze %dma_start3A_1543 : memref<1x50xi32, #tpu.memory_space<hbm>> -> memref<50xi32, #tpu.memory_space<hbm>>
        %dma_start3A_1545 = arith.constant 0 : i32
        %dma_start3A_1546 = tpu.memref_slice %arg6[%dma_start3A_1538, %dma_start3A_1545] : memref<4x50xi32, #tpu.memory_space<vmem>> -> memref<1x50xi32, #tpu.memory_space<vmem>>
        %dma_start3A_1547 = tpu.memref_squeeze %dma_start3A_1546 : memref<1x50xi32, #tpu.memory_space<vmem>> -> memref<50xi32, #tpu.memory_space<vmem>>
        %dma_start3A_1548 = arith.constant 0 : i32
        %dma_start3A_1549 = tpu.memref_slice %arg3[%add3A_1537, %dma_start3A_1548] : memref<16384x50xi32, #tpu.memory_space<hbm>> -> memref<1x50xi32, #tpu.memory_space<hbm>>
        %dma_start3A_1550 = tpu.memref_squeeze %dma_start3A_1549 : memref<1x50xi32, #tpu.memory_space<hbm>> -> memref<50xi32, #tpu.memory_space<hbm>>
        tpu.enqueue_dma source(%dma_start3A_1550 : memref<50xi32, #tpu.memory_space<hbm>>) target(%dma_start3A_1547 : memref<50xi32, #tpu.memory_space<vmem>>) target_semaphore(%arg14 : memref<!tpu.dma_semaphore, #tpu.memory_space<semaphore_mem>>)
      } else {
      }
      %add3A_1152 = arith.constant 1 : i32
      %add3A_1153 = arith.addi %add3A_829, %add3A_1152 : i32
      %add3A_1154 = arith.constant 1 : i32
      %add3A_1155 = arith.addi %add3A_1153, %add3A_1154 : i32
      %dma_wait3A_1156 = arith.constant 0 : i32
      %dma_wait3A_1157 = arith.constant 0 : i32
      %dma_wait3A_1158 = arith.constant 0 : i32
      %dma_wait3A_1159 = tpu.memref_slice %arg6[%dma_wait3A_1157, %dma_wait3A_1158] : memref<4x50xi32, #tpu.memory_space<vmem>> -> memref<1x50xi32, #tpu.memory_space<vmem>>
      %dma_wait3A_1160 = tpu.memref_squeeze %dma_wait3A_1159 : memref<1x50xi32, #tpu.memory_space<vmem>> -> memref<50xi32, #tpu.memory_space<vmem>>
      %dma_wait3A_1161 = arith.constant 0 : i32
      %dma_wait3A_1162 = tpu.memref_slice %arg3[%dma_wait3A_1156, %dma_wait3A_1161] : memref<16384x50xi32, #tpu.memory_space<hbm>> -> memref<1x50xi32, #tpu.memory_space<hbm>>
      %dma_wait3A_1163 = tpu.memref_squeeze %dma_wait3A_1162 : memref<1x50xi32, #tpu.memory_space<hbm>> -> memref<50xi32, #tpu.memory_space<hbm>>
      %dma_wait3A_1164 = arith.constant 0 : i32
      %dma_wait3A_1165 = tpu.memref_slice %arg6[%dma_wait3A_1157, %dma_wait3A_1164] : memref<4x50xi32, #tpu.memory_space<vmem>> -> memref<1x50xi32, #tpu.memory_space<vmem>>
      %dma_wait3A_1166 = tpu.memref_squeeze %dma_wait3A_1165 : memref<1x50xi32, #tpu.memory_space<vmem>> -> memref<50xi32, #tpu.memory_space<vmem>>
      %dma_wait3A_1167 = arith.constant 0 : i32
      %dma_wait3A_1168 = tpu.memref_slice %arg3[%dma_wait3A_1156, %dma_wait3A_1167] : memref<16384x50xi32, #tpu.memory_space<hbm>> -> memref<1x50xi32, #tpu.memory_space<hbm>>
      %dma_wait3A_1169 = tpu.memref_squeeze %dma_wait3A_1168 : memref<1x50xi32, #tpu.memory_space<hbm>> -> memref<50xi32, #tpu.memory_space<hbm>>
      tpu.wait_dma2 semaphore(%arg14 : memref<!tpu.dma_semaphore, #tpu.memory_space<semaphore_mem>>) src(%dma_wait3A_1169 : memref<50xi32, #tpu.memory_space<hbm>>) dst(%dma_wait3A_1166 : memref<50xi32, #tpu.memory_space<vmem>>)
      %dma_wait3A_1170 = arith.constant 0 : i32
      %dma_wait3A_1171 = arith.constant 1 : i32
      %dma_wait3A_1172 = arith.constant 0 : i32
      %dma_wait3A_1173 = tpu.memref_slice %arg6[%dma_wait3A_1171, %dma_wait3A_1172] : memref<4x50xi32, #tpu.memory_space<vmem>> -> memref<1x50xi32, #tpu.memory_space<vmem>>
      %dma_wait3A_1174 = tpu.memref_squeeze %dma_wait3A_1173 : memref<1x50xi32, #tpu.memory_space<vmem>> -> memref<50xi32, #tpu.memory_space<vmem>>
      %dma_wait3A_1175 = arith.constant 0 : i32
      %dma_wait3A_1176 = tpu.memref_slice %arg3[%dma_wait3A_1170, %dma_wait3A_1175] : memref<16384x50xi32, #tpu.memory_space<hbm>> -> memref<1x50xi32, #tpu.memory_space<hbm>>
      %dma_wait3A_1177 = tpu.memref_squeeze %dma_wait3A_1176 : memref<1x50xi32, #tpu.memory_space<hbm>> -> memref<50xi32, #tpu.memory_space<hbm>>
      %dma_wait3A_1178 = arith.constant 0 : i32
      %dma_wait3A_1179 = tpu.memref_slice %arg6[%dma_wait3A_1171, %dma_wait3A_1178] : memref<4x50xi32, #tpu.memory_space<vmem>> -> memref<1x50xi32, #tpu.memory_space<vmem>>
      %dma_wait3A_1180 = tpu.memref_squeeze %dma_wait3A_1179 : memref<1x50xi32, #tpu.memory_space<vmem>> -> memref<50xi32, #tpu.memory_space<vmem>>
      %dma_wait3A_1181 = arith.constant 0 : i32
      %dma_wait3A_1182 = tpu.memref_slice %arg3[%dma_wait3A_1170, %dma_wait3A_1181] : memref<16384x50xi32, #tpu.memory_space<hbm>> -> memref<1x50xi32, #tpu.memory_space<hbm>>
      %dma_wait3A_1183 = tpu.memref_squeeze %dma_wait3A_1182 : memref<1x50xi32, #tpu.memory_space<hbm>> -> memref<50xi32, #tpu.memory_space<hbm>>
      tpu.wait_dma2 semaphore(%arg14 : memref<!tpu.dma_semaphore, #tpu.memory_space<semaphore_mem>>) src(%dma_wait3A_1183 : memref<50xi32, #tpu.memory_space<hbm>>) dst(%dma_wait3A_1180 : memref<50xi32, #tpu.memory_space<vmem>>)
      %dma_wait3A_1184 = arith.constant 0 : i32
      %dma_wait3A_1185 = arith.constant 2 : i32
      %dma_wait3A_1186 = arith.constant 0 : i32
      %dma_wait3A_1187 = tpu.memref_slice %arg6[%dma_wait3A_1185, %dma_wait3A_1186] : memref<4x50xi32, #tpu.memory_space<vmem>> -> memref<1x50xi32, #tpu.memory_space<vmem>>
      %dma_wait3A_1188 = tpu.memref_squeeze %dma_wait3A_1187 : memref<1x50xi32, #tpu.memory_space<vmem>> -> memref<50xi32, #tpu.memory_space<vmem>>
      %dma_wait3A_1189 = arith.constant 0 : i32
      %dma_wait3A_1190 = tpu.memref_slice %arg3[%dma_wait3A_1184, %dma_wait3A_1189] : memref<16384x50xi32, #tpu.memory_space<hbm>> -> memref<1x50xi32, #tpu.memory_space<hbm>>
      %dma_wait3A_1191 = tpu.memref_squeeze %dma_wait3A_1190 : memref<1x50xi32, #tpu.memory_space<hbm>> -> memref<50xi32, #tpu.memory_space<hbm>>
      %dma_wait3A_1192 = arith.constant 0 : i32
      %dma_wait3A_1193 = tpu.memref_slice %arg6[%dma_wait3A_1185, %dma_wait3A_1192] : memref<4x50xi32, #tpu.memory_space<vmem>> -> memref<1x50xi32, #tpu.memory_space<vmem>>
      %dma_wait3A_1194 = tpu.memref_squeeze %dma_wait3A_1193 : memref<1x50xi32, #tpu.memory_space<vmem>> -> memref<50xi32, #tpu.memory_space<vmem>>
      %dma_wait3A_1195 = arith.constant 0 : i32
      %dma_wait3A_1196 = tpu.memref_slice %arg3[%dma_wait3A_1184, %dma_wait3A_1195] : memref<16384x50xi32, #tpu.memory_space<hbm>> -> memref<1x50xi32, #tpu.memory_space<hbm>>
      %dma_wait3A_1197 = tpu.memref_squeeze %dma_wait3A_1196 : memref<1x50xi32, #tpu.memory_space<hbm>> -> memref<50xi32, #tpu.memory_space<hbm>>
      tpu.wait_dma2 semaphore(%arg14 : memref<!tpu.dma_semaphore, #tpu.memory_space<semaphore_mem>>) src(%dma_wait3A_1197 : memref<50xi32, #tpu.memory_space<hbm>>) dst(%dma_wait3A_1194 : memref<50xi32, #tpu.memory_space<vmem>>)
      %dma_wait3A_1198 = arith.constant 0 : i32
      %dma_wait3A_1199 = arith.constant 3 : i32
      %dma_wait3A_1200 = arith.constant 0 : i32
      %dma_wait3A_1201 = tpu.memref_slice %arg6[%dma_wait3A_1199, %dma_wait3A_1200] : memref<4x50xi32, #tpu.memory_space<vmem>> -> memref<1x50xi32, #tpu.memory_space<vmem>>
      %dma_wait3A_1202 = tpu.memref_squeeze %dma_wait3A_1201 : memref<1x50xi32, #tpu.memory_space<vmem>> -> memref<50xi32, #tpu.memory_space<vmem>>
      %dma_wait3A_1203 = arith.constant 0 : i32
      %dma_wait3A_1204 = tpu.memref_slice %arg3[%dma_wait3A_1198, %dma_wait3A_1203] : memref<16384x50xi32, #tpu.memory_space<hbm>> -> memref<1x50xi32, #tpu.memory_space<hbm>>
      %dma_wait3A_1205 = tpu.memref_squeeze %dma_wait3A_1204 : memref<1x50xi32, #tpu.memory_space<hbm>> -> memref<50xi32, #tpu.memory_space<hbm>>
      %dma_wait3A_1206 = arith.constant 0 : i32
      %dma_wait3A_1207 = tpu.memref_slice %arg6[%dma_wait3A_1199, %dma_wait3A_1206] : memref<4x50xi32, #tpu.memory_space<vmem>> -> memref<1x50xi32, #tpu.memory_space<vmem>>
      %dma_wait3A_1208 = tpu.memref_squeeze %dma_wait3A_1207 : memref<1x50xi32, #tpu.memory_space<vmem>> -> memref<50xi32, #tpu.memory_space<vmem>>
      %dma_wait3A_1209 = arith.constant 0 : i32
      %dma_wait3A_1210 = tpu.memref_slice %arg3[%dma_wait3A_1198, %dma_wait3A_1209] : memref<16384x50xi32, #tpu.memory_space<hbm>> -> memref<1x50xi32, #tpu.memory_space<hbm>>
      %dma_wait3A_1211 = tpu.memref_squeeze %dma_wait3A_1210 : memref<1x50xi32, #tpu.memory_space<hbm>> -> memref<50xi32, #tpu.memory_space<hbm>>
      tpu.wait_dma2 semaphore(%arg14 : memref<!tpu.dma_semaphore, #tpu.memory_space<semaphore_mem>>) src(%dma_wait3A_1211 : memref<50xi32, #tpu.memory_space<hbm>>) dst(%dma_wait3A_1208 : memref<50xi32, #tpu.memory_space<vmem>>)
      %dma_wait3A_1212 = arith.constant 0 : i32
      %dma_wait3A_1213 = arith.constant 0 : i32
      %dma_wait3A_1214 = arith.constant 0 : i32
      %dma_wait3A_1215 = arith.constant 0 : i32
      %dma_wait3A_1216 = tpu.memref_slice %arg7[%dma_wait3A_1213, %dma_wait3A_1214, %dma_wait3A_1215] : memref<4x50x64xf32, #tpu.memory_space<vmem>> -> memref<1x50x64xf32, #tpu.memory_space<vmem>>
      %dma_wait3A_1217 = tpu.memref_squeeze %dma_wait3A_1216 : memref<1x50x64xf32, #tpu.memory_space<vmem>> -> memref<50x64xf32, #tpu.memory_space<vmem>>
      %dma_wait3A_1218 = arith.constant 0 : i32
      %dma_wait3A_1219 = tpu.memref_slice %arg5[%dma_wait3A_1212, %dma_wait3A_1218] : memref<4x50xi32, #tpu.memory_space<vmem>> -> memref<1x50xi32, #tpu.memory_space<vmem>>
      %dma_wait3A_1220 = tpu.memref_squeeze %dma_wait3A_1219 : memref<1x50xi32, #tpu.memory_space<vmem>> -> memref<50xi32, #tpu.memory_space<vmem>>
      %dma_wait3A_1221 = arith.constant 0 : i32
      %dma_wait3A_1222 = arith.constant 0 : i32
      %dma_wait3A_1223 = tpu.memref_slice %arg2[%dma_wait3A_1221, %dma_wait3A_1222] : memref<1000000x64xf32, #tpu.memory_space<hbm>> -> memref<1000000x64xf32, #tpu.memory_space<hbm>>
      tpu.wait_indirect_dma semaphore(%arg9 : memref<!tpu.dma_semaphore, #tpu.memory_space<semaphore_mem>>) src(%dma_wait3A_1223 : memref<1000000x64xf32, #tpu.memory_space<hbm>>) dst(%dma_wait3A_1217 : memref<50x64xf32, #tpu.memory_space<vmem>>)
      %dma_wait3A_1224 = arith.constant 0 : i32
      %dma_wait3A_1225 = arith.constant 1 : i32
      %dma_wait3A_1226 = arith.constant 0 : i32
      %dma_wait3A_1227 = arith.constant 0 : i32
      %dma_wait3A_1228 = tpu.memref_slice %arg7[%dma_wait3A_1225, %dma_wait3A_1226, %dma_wait3A_1227] : memref<4x50x64xf32, #tpu.memory_space<vmem>> -> memref<1x50x64xf32, #tpu.memory_space<vmem>>
      %dma_wait3A_1229 = tpu.memref_squeeze %dma_wait3A_1228 : memref<1x50x64xf32, #tpu.memory_space<vmem>> -> memref<50x64xf32, #tpu.memory_space<vmem>>
      %dma_wait3A_1230 = arith.constant 0 : i32
      %dma_wait3A_1231 = tpu.memref_slice %arg5[%dma_wait3A_1224, %dma_wait3A_1230] : memref<4x50xi32, #tpu.memory_space<vmem>> -> memref<1x50xi32, #tpu.memory_space<vmem>>
      %dma_wait3A_1232 = tpu.memref_squeeze %dma_wait3A_1231 : memref<1x50xi32, #tpu.memory_space<vmem>> -> memref<50xi32, #tpu.memory_space<vmem>>
      %dma_wait3A_1233 = arith.constant 0 : i32
      %dma_wait3A_1234 = arith.constant 0 : i32
      %dma_wait3A_1235 = tpu.memref_slice %arg2[%dma_wait3A_1233, %dma_wait3A_1234] : memref<1000000x64xf32, #tpu.memory_space<hbm>> -> memref<1000000x64xf32, #tpu.memory_space<hbm>>
      tpu.wait_indirect_dma semaphore(%arg9 : memref<!tpu.dma_semaphore, #tpu.memory_space<semaphore_mem>>) src(%dma_wait3A_1235 : memref<1000000x64xf32, #tpu.memory_space<hbm>>) dst(%dma_wait3A_1229 : memref<50x64xf32, #tpu.memory_space<vmem>>)
      %dma_wait3A_1236 = arith.constant 0 : i32
      %dma_wait3A_1237 = arith.constant 2 : i32
      %dma_wait3A_1238 = arith.constant 0 : i32
      %dma_wait3A_1239 = arith.constant 0 : i32
      %dma_wait3A_1240 = tpu.memref_slice %arg7[%dma_wait3A_1237, %dma_wait3A_1238, %dma_wait3A_1239] : memref<4x50x64xf32, #tpu.memory_space<vmem>> -> memref<1x50x64xf32, #tpu.memory_space<vmem>>
      %dma_wait3A_1241 = tpu.memref_squeeze %dma_wait3A_1240 : memref<1x50x64xf32, #tpu.memory_space<vmem>> -> memref<50x64xf32, #tpu.memory_space<vmem>>
      %dma_wait3A_1242 = arith.constant 0 : i32
      %dma_wait3A_1243 = tpu.memref_slice %arg5[%dma_wait3A_1236, %dma_wait3A_1242] : memref<4x50xi32, #tpu.memory_space<vmem>> -> memref<1x50xi32, #tpu.memory_space<vmem>>
      %dma_wait3A_1244 = tpu.memref_squeeze %dma_wait3A_1243 : memref<1x50xi32, #tpu.memory_space<vmem>> -> memref<50xi32, #tpu.memory_space<vmem>>
      %dma_wait3A_1245 = arith.constant 0 : i32
      %dma_wait3A_1246 = arith.constant 0 : i32
      %dma_wait3A_1247 = tpu.memref_slice %arg2[%dma_wait3A_1245, %dma_wait3A_1246] : memref<1000000x64xf32, #tpu.memory_space<hbm>> -> memref<1000000x64xf32, #tpu.memory_space<hbm>>
      tpu.wait_indirect_dma semaphore(%arg9 : memref<!tpu.dma_semaphore, #tpu.memory_space<semaphore_mem>>) src(%dma_wait3A_1247 : memref<1000000x64xf32, #tpu.memory_space<hbm>>) dst(%dma_wait3A_1241 : memref<50x64xf32, #tpu.memory_space<vmem>>)
      %dma_wait3A_1248 = arith.constant 0 : i32
      %dma_wait3A_1249 = arith.constant 3 : i32
      %dma_wait3A_1250 = arith.constant 0 : i32
      %dma_wait3A_1251 = arith.constant 0 : i32
      %dma_wait3A_1252 = tpu.memref_slice %arg7[%dma_wait3A_1249, %dma_wait3A_1250, %dma_wait3A_1251] : memref<4x50x64xf32, #tpu.memory_space<vmem>> -> memref<1x50x64xf32, #tpu.memory_space<vmem>>
      %dma_wait3A_1253 = tpu.memref_squeeze %dma_wait3A_1252 : memref<1x50x64xf32, #tpu.memory_space<vmem>> -> memref<50x64xf32, #tpu.memory_space<vmem>>
      %dma_wait3A_1254 = arith.constant 0 : i32
      %dma_wait3A_1255 = tpu.memref_slice %arg5[%dma_wait3A_1248, %dma_wait3A_1254] : memref<4x50xi32, #tpu.memory_space<vmem>> -> memref<1x50xi32, #tpu.memory_space<vmem>>
      %dma_wait3A_1256 = tpu.memref_squeeze %dma_wait3A_1255 : memref<1x50xi32, #tpu.memory_space<vmem>> -> memref<50xi32, #tpu.memory_space<vmem>>
      %dma_wait3A_1257 = arith.constant 0 : i32
      %dma_wait3A_1258 = arith.constant 0 : i32
      %dma_wait3A_1259 = tpu.memref_slice %arg2[%dma_wait3A_1257, %dma_wait3A_1258] : memref<1000000x64xf32, #tpu.memory_space<hbm>> -> memref<1000000x64xf32, #tpu.memory_space<hbm>>
      tpu.wait_indirect_dma semaphore(%arg9 : memref<!tpu.dma_semaphore, #tpu.memory_space<semaphore_mem>>) src(%dma_wait3A_1259 : memref<1000000x64xf32, #tpu.memory_space<hbm>>) dst(%dma_wait3A_1253 : memref<50x64xf32, #tpu.memory_space<vmem>>)
      %mul3A_1260 = arith.constant 4 : i32
      %mul3A_1261 = arith.muli %add3A_1155, %mul3A_1260 : i32
      %add3A_1262 = arith.addi %mul3A_2, %mul3A_1261 : i32
      %add3A_1263 = arith.constant 0 : i32
      %add3A_1264 = arith.addi %add3A_1262, %add3A_1263 : i32
      %dma_start3A_1265 = arith.constant 0 : i32
      %dma_start3A_1266 = arith.constant 0 : i32
      %dma_start3A_1267 = arith.constant 0 : i32
      %dma_start3A_1268 = tpu.memref_slice %arg7[%dma_start3A_1265, %dma_start3A_1266, %dma_start3A_1267] : memref<4x50x64xf32, #tpu.memory_space<vmem>> -> memref<1x50x64xf32, #tpu.memory_space<vmem>>
      %dma_start3A_1269 = tpu.memref_squeeze %dma_start3A_1268 : memref<1x50x64xf32, #tpu.memory_space<vmem>> -> memref<50x64xf32, #tpu.memory_space<vmem>>
      %dma_start3A_1270 = arith.constant 0 : i32
      %dma_start3A_1271 = arith.constant 0 : i32
      %dma_start3A_1272 = tpu.memref_slice %arg4[%add3A_1264, %dma_start3A_1270, %dma_start3A_1271] : memref<16384x50x64xf32, #tpu.memory_space<hbm>> -> memref<1x50x64xf32, #tpu.memory_space<hbm>>
      %dma_start3A_1273 = tpu.memref_squeeze %dma_start3A_1272 : memref<1x50x64xf32, #tpu.memory_space<hbm>> -> memref<50x64xf32, #tpu.memory_space<hbm>>
      %dma_start3A_1274 = arith.constant 0 : i32
      %dma_start3A_1275 = arith.constant 0 : i32
      %dma_start3A_1276 = tpu.memref_slice %arg4[%add3A_1264, %dma_start3A_1274, %dma_start3A_1275] : memref<16384x50x64xf32, #tpu.memory_space<hbm>> -> memref<1x50x64xf32, #tpu.memory_space<hbm>>
      %dma_start3A_1277 = tpu.memref_squeeze %dma_start3A_1276 : memref<1x50x64xf32, #tpu.memory_space<hbm>> -> memref<50x64xf32, #tpu.memory_space<hbm>>
      %dma_start3A_1278 = arith.constant 0 : i32
      %dma_start3A_1279 = arith.constant 0 : i32
      %dma_start3A_1280 = tpu.memref_slice %arg7[%dma_start3A_1265, %dma_start3A_1278, %dma_start3A_1279] : memref<4x50x64xf32, #tpu.memory_space<vmem>> -> memref<1x50x64xf32, #tpu.memory_space<vmem>>
      %dma_start3A_1281 = tpu.memref_squeeze %dma_start3A_1280 : memref<1x50x64xf32, #tpu.memory_space<vmem>> -> memref<50x64xf32, #tpu.memory_space<vmem>>
      tpu.enqueue_dma source(%dma_start3A_1281 : memref<50x64xf32, #tpu.memory_space<vmem>>) target(%dma_start3A_1277 : memref<50x64xf32, #tpu.memory_space<hbm>>) target_semaphore(%arg11 : memref<!tpu.dma_semaphore, #tpu.memory_space<semaphore_mem>>)
      %mul3A_1282 = arith.constant 4 : i32
      %mul3A_1283 = arith.muli %add3A_1155, %mul3A_1282 : i32
      %add3A_1284 = arith.addi %mul3A_2, %mul3A_1283 : i32
      %add3A_1285 = arith.constant 1 : i32
      %add3A_1286 = arith.addi %add3A_1284, %add3A_1285 : i32
      %dma_start3A_1287 = arith.constant 1 : i32
      %dma_start3A_1288 = arith.constant 0 : i32
      %dma_start3A_1289 = arith.constant 0 : i32
      %dma_start3A_1290 = tpu.memref_slice %arg7[%dma_start3A_1287, %dma_start3A_1288, %dma_start3A_1289] : memref<4x50x64xf32, #tpu.memory_space<vmem>> -> memref<1x50x64xf32, #tpu.memory_space<vmem>>
      %dma_start3A_1291 = tpu.memref_squeeze %dma_start3A_1290 : memref<1x50x64xf32, #tpu.memory_space<vmem>> -> memref<50x64xf32, #tpu.memory_space<vmem>>
      %dma_start3A_1292 = arith.constant 0 : i32
      %dma_start3A_1293 = arith.constant 0 : i32
      %dma_start3A_1294 = tpu.memref_slice %arg4[%add3A_1286, %dma_start3A_1292, %dma_start3A_1293] : memref<16384x50x64xf32, #tpu.memory_space<hbm>> -> memref<1x50x64xf32, #tpu.memory_space<hbm>>
      %dma_start3A_1295 = tpu.memref_squeeze %dma_start3A_1294 : memref<1x50x64xf32, #tpu.memory_space<hbm>> -> memref<50x64xf32, #tpu.memory_space<hbm>>
      %dma_start3A_1296 = arith.constant 0 : i32
      %dma_start3A_1297 = arith.constant 0 : i32
      %dma_start3A_1298 = tpu.memref_slice %arg4[%add3A_1286, %dma_start3A_1296, %dma_start3A_1297] : memref<16384x50x64xf32, #tpu.memory_space<hbm>> -> memref<1x50x64xf32, #tpu.memory_space<hbm>>
      %dma_start3A_1299 = tpu.memref_squeeze %dma_start3A_1298 : memref<1x50x64xf32, #tpu.memory_space<hbm>> -> memref<50x64xf32, #tpu.memory_space<hbm>>
      %dma_start3A_1300 = arith.constant 0 : i32
      %dma_start3A_1301 = arith.constant 0 : i32
      %dma_start3A_1302 = tpu.memref_slice %arg7[%dma_start3A_1287, %dma_start3A_1300, %dma_start3A_1301] : memref<4x50x64xf32, #tpu.memory_space<vmem>> -> memref<1x50x64xf32, #tpu.memory_space<vmem>>
      %dma_start3A_1303 = tpu.memref_squeeze %dma_start3A_1302 : memref<1x50x64xf32, #tpu.memory_space<vmem>> -> memref<50x64xf32, #tpu.memory_space<vmem>>
      tpu.enqueue_dma source(%dma_start3A_1303 : memref<50x64xf32, #tpu.memory_space<vmem>>) target(%dma_start3A_1299 : memref<50x64xf32, #tpu.memory_space<hbm>>) target_semaphore(%arg11 : memref<!tpu.dma_semaphore, #tpu.memory_space<semaphore_mem>>)
      %mul3A_1304 = arith.constant 4 : i32
      %mul3A_1305 = arith.muli %add3A_1155, %mul3A_1304 : i32
      %add3A_1306 = arith.addi %mul3A_2, %mul3A_1305 : i32
      %add3A_1307 = arith.constant 2 : i32
      %add3A_1308 = arith.addi %add3A_1306, %add3A_1307 : i32
      %dma_start3A_1309 = arith.constant 2 : i32
      %dma_start3A_1310 = arith.constant 0 : i32
      %dma_start3A_1311 = arith.constant 0 : i32
      %dma_start3A_1312 = tpu.memref_slice %arg7[%dma_start3A_1309, %dma_start3A_1310, %dma_start3A_1311] : memref<4x50x64xf32, #tpu.memory_space<vmem>> -> memref<1x50x64xf32, #tpu.memory_space<vmem>>
      %dma_start3A_1313 = tpu.memref_squeeze %dma_start3A_1312 : memref<1x50x64xf32, #tpu.memory_space<vmem>> -> memref<50x64xf32, #tpu.memory_space<vmem>>
      %dma_start3A_1314 = arith.constant 0 : i32
      %dma_start3A_1315 = arith.constant 0 : i32
      %dma_start3A_1316 = tpu.memref_slice %arg4[%add3A_1308, %dma_start3A_1314, %dma_start3A_1315] : memref<16384x50x64xf32, #tpu.memory_space<hbm>> -> memref<1x50x64xf32, #tpu.memory_space<hbm>>
      %dma_start3A_1317 = tpu.memref_squeeze %dma_start3A_1316 : memref<1x50x64xf32, #tpu.memory_space<hbm>> -> memref<50x64xf32, #tpu.memory_space<hbm>>
      %dma_start3A_1318 = arith.constant 0 : i32
      %dma_start3A_1319 = arith.constant 0 : i32
      %dma_start3A_1320 = tpu.memref_slice %arg4[%add3A_1308, %dma_start3A_1318, %dma_start3A_1319] : memref<16384x50x64xf32, #tpu.memory_space<hbm>> -> memref<1x50x64xf32, #tpu.memory_space<hbm>>
      %dma_start3A_1321 = tpu.memref_squeeze %dma_start3A_1320 : memref<1x50x64xf32, #tpu.memory_space<hbm>> -> memref<50x64xf32, #tpu.memory_space<hbm>>
      %dma_start3A_1322 = arith.constant 0 : i32
      %dma_start3A_1323 = arith.constant 0 : i32
      %dma_start3A_1324 = tpu.memref_slice %arg7[%dma_start3A_1309, %dma_start3A_1322, %dma_start3A_1323] : memref<4x50x64xf32, #tpu.memory_space<vmem>> -> memref<1x50x64xf32, #tpu.memory_space<vmem>>
      %dma_start3A_1325 = tpu.memref_squeeze %dma_start3A_1324 : memref<1x50x64xf32, #tpu.memory_space<vmem>> -> memref<50x64xf32, #tpu.memory_space<vmem>>
      tpu.enqueue_dma source(%dma_start3A_1325 : memref<50x64xf32, #tpu.memory_space<vmem>>) target(%dma_start3A_1321 : memref<50x64xf32, #tpu.memory_space<hbm>>) target_semaphore(%arg11 : memref<!tpu.dma_semaphore, #tpu.memory_space<semaphore_mem>>)
      %mul3A_1326 = arith.constant 4 : i32
      %mul3A_1327 = arith.muli %add3A_1155, %mul3A_1326 : i32
      %add3A_1328 = arith.addi %mul3A_2, %mul3A_1327 : i32
      %add3A_1329 = arith.constant 3 : i32
      %add3A_1330 = arith.addi %add3A_1328, %add3A_1329 : i32
      %dma_start3A_1331 = arith.constant 3 : i32
      %dma_start3A_1332 = arith.constant 0 : i32
      %dma_start3A_1333 = arith.constant 0 : i32
      %dma_start3A_1334 = tpu.memref_slice %arg7[%dma_start3A_1331, %dma_start3A_1332, %dma_start3A_1333] : memref<4x50x64xf32, #tpu.memory_space<vmem>> -> memref<1x50x64xf32, #tpu.memory_space<vmem>>
      %dma_start3A_1335 = tpu.memref_squeeze %dma_start3A_1334 : memref<1x50x64xf32, #tpu.memory_space<vmem>> -> memref<50x64xf32, #tpu.memory_space<vmem>>
      %dma_start3A_1336 = arith.constant 0 : i32
      %dma_start3A_1337 = arith.constant 0 : i32
      %dma_start3A_1338 = tpu.memref_slice %arg4[%add3A_1330, %dma_start3A_1336, %dma_start3A_1337] : memref<16384x50x64xf32, #tpu.memory_space<hbm>> -> memref<1x50x64xf32, #tpu.memory_space<hbm>>
      %dma_start3A_1339 = tpu.memref_squeeze %dma_start3A_1338 : memref<1x50x64xf32, #tpu.memory_space<hbm>> -> memref<50x64xf32, #tpu.memory_space<hbm>>
      %dma_start3A_1340 = arith.constant 0 : i32
      %dma_start3A_1341 = arith.constant 0 : i32
      %dma_start3A_1342 = tpu.memref_slice %arg4[%add3A_1330, %dma_start3A_1340, %dma_start3A_1341] : memref<16384x50x64xf32, #tpu.memory_space<hbm>> -> memref<1x50x64xf32, #tpu.memory_space<hbm>>
      %dma_start3A_1343 = tpu.memref_squeeze %dma_start3A_1342 : memref<1x50x64xf32, #tpu.memory_space<hbm>> -> memref<50x64xf32, #tpu.memory_space<hbm>>
      %dma_start3A_1344 = arith.constant 0 : i32
      %dma_start3A_1345 = arith.constant 0 : i32
      %dma_start3A_1346 = tpu.memref_slice %arg7[%dma_start3A_1331, %dma_start3A_1344, %dma_start3A_1345] : memref<4x50x64xf32, #tpu.memory_space<vmem>> -> memref<1x50x64xf32, #tpu.memory_space<vmem>>
      %dma_start3A_1347 = tpu.memref_squeeze %dma_start3A_1346 : memref<1x50x64xf32, #tpu.memory_space<vmem>> -> memref<50x64xf32, #tpu.memory_space<vmem>>
      tpu.enqueue_dma source(%dma_start3A_1347 : memref<50x64xf32, #tpu.memory_space<vmem>>) target(%dma_start3A_1343 : memref<50x64xf32, #tpu.memory_space<hbm>>) target_semaphore(%arg11 : memref<!tpu.dma_semaphore, #tpu.memory_space<semaphore_mem>>)
      %dma_wait3A_1348 = arith.constant 0 : i32
      %dma_wait3A_1349 = arith.constant 0 : i32
      %dma_wait3A_1350 = arith.constant 0 : i32
      %dma_wait3A_1351 = arith.constant 0 : i32
      %dma_wait3A_1352 = tpu.memref_slice %arg8[%dma_wait3A_1348, %dma_wait3A_1350, %dma_wait3A_1351] : memref<4x50x64xf32, #tpu.memory_space<vmem>> -> memref<1x50x64xf32, #tpu.memory_space<vmem>>
      %dma_wait3A_1353 = tpu.memref_squeeze %dma_wait3A_1352 : memref<1x50x64xf32, #tpu.memory_space<vmem>> -> memref<50x64xf32, #tpu.memory_space<vmem>>
      %dma_wait3A_1354 = arith.constant 0 : i32
      %dma_wait3A_1355 = arith.constant 0 : i32
      %dma_wait3A_1356 = tpu.memref_slice %arg4[%dma_wait3A_1349, %dma_wait3A_1354, %dma_wait3A_1355] : memref<16384x50x64xf32, #tpu.memory_space<hbm>> -> memref<1x50x64xf32, #tpu.memory_space<hbm>>
      %dma_wait3A_1357 = tpu.memref_squeeze %dma_wait3A_1356 : memref<1x50x64xf32, #tpu.memory_space<hbm>> -> memref<50x64xf32, #tpu.memory_space<hbm>>
      %dma_wait3A_1358 = arith.constant 0 : i32
      %dma_wait3A_1359 = arith.constant 0 : i32
      %dma_wait3A_1360 = tpu.memref_slice %arg4[%dma_wait3A_1349, %dma_wait3A_1358, %dma_wait3A_1359] : memref<16384x50x64xf32, #tpu.memory_space<hbm>> -> memref<1x50x64xf32, #tpu.memory_space<hbm>>
      %dma_wait3A_1361 = tpu.memref_squeeze %dma_wait3A_1360 : memref<1x50x64xf32, #tpu.memory_space<hbm>> -> memref<50x64xf32, #tpu.memory_space<hbm>>
      %dma_wait3A_1362 = arith.constant 0 : i32
      %dma_wait3A_1363 = arith.constant 0 : i32
      %dma_wait3A_1364 = tpu.memref_slice %arg8[%dma_wait3A_1348, %dma_wait3A_1362, %dma_wait3A_1363] : memref<4x50x64xf32, #tpu.memory_space<vmem>> -> memref<1x50x64xf32, #tpu.memory_space<vmem>>
      %dma_wait3A_1365 = tpu.memref_squeeze %dma_wait3A_1364 : memref<1x50x64xf32, #tpu.memory_space<vmem>> -> memref<50x64xf32, #tpu.memory_space<vmem>>
      tpu.wait_dma2 semaphore(%arg12 : memref<!tpu.dma_semaphore, #tpu.memory_space<semaphore_mem>>) src(%dma_wait3A_1365 : memref<50x64xf32, #tpu.memory_space<vmem>>) dst(%dma_wait3A_1361 : memref<50x64xf32, #tpu.memory_space<hbm>>)
      %dma_wait3A_1366 = arith.constant 1 : i32
      %dma_wait3A_1367 = arith.constant 0 : i32
      %dma_wait3A_1368 = arith.constant 0 : i32
      %dma_wait3A_1369 = arith.constant 0 : i32
      %dma_wait3A_1370 = tpu.memref_slice %arg8[%dma_wait3A_1366, %dma_wait3A_1368, %dma_wait3A_1369] : memref<4x50x64xf32, #tpu.memory_space<vmem>> -> memref<1x50x64xf32, #tpu.memory_space<vmem>>
      %dma_wait3A_1371 = tpu.memref_squeeze %dma_wait3A_1370 : memref<1x50x64xf32, #tpu.memory_space<vmem>> -> memref<50x64xf32, #tpu.memory_space<vmem>>
      %dma_wait3A_1372 = arith.constant 0 : i32
      %dma_wait3A_1373 = arith.constant 0 : i32
      %dma_wait3A_1374 = tpu.memref_slice %arg4[%dma_wait3A_1367, %dma_wait3A_1372, %dma_wait3A_1373] : memref<16384x50x64xf32, #tpu.memory_space<hbm>> -> memref<1x50x64xf32, #tpu.memory_space<hbm>>
      %dma_wait3A_1375 = tpu.memref_squeeze %dma_wait3A_1374 : memref<1x50x64xf32, #tpu.memory_space<hbm>> -> memref<50x64xf32, #tpu.memory_space<hbm>>
      %dma_wait3A_1376 = arith.constant 0 : i32
      %dma_wait3A_1377 = arith.constant 0 : i32
      %dma_wait3A_1378 = tpu.memref_slice %arg4[%dma_wait3A_1367, %dma_wait3A_1376, %dma_wait3A_1377] : memref<16384x50x64xf32, #tpu.memory_space<hbm>> -> memref<1x50x64xf32, #tpu.memory_space<hbm>>
      %dma_wait3A_1379 = tpu.memref_squeeze %dma_wait3A_1378 : memref<1x50x64xf32, #tpu.memory_space<hbm>> -> memref<50x64xf32, #tpu.memory_space<hbm>>
      %dma_wait3A_1380 = arith.constant 0 : i32
      %dma_wait3A_1381 = arith.constant 0 : i32
      %dma_wait3A_1382 = tpu.memref_slice %arg8[%dma_wait3A_1366, %dma_wait3A_1380, %dma_wait3A_1381] : memref<4x50x64xf32, #tpu.memory_space<vmem>> -> memref<1x50x64xf32, #tpu.memory_space<vmem>>
      %dma_wait3A_1383 = tpu.memref_squeeze %dma_wait3A_1382 : memref<1x50x64xf32, #tpu.memory_space<vmem>> -> memref<50x64xf32, #tpu.memory_space<vmem>>
      tpu.wait_dma2 semaphore(%arg12 : memref<!tpu.dma_semaphore, #tpu.memory_space<semaphore_mem>>) src(%dma_wait3A_1383 : memref<50x64xf32, #tpu.memory_space<vmem>>) dst(%dma_wait3A_1379 : memref<50x64xf32, #tpu.memory_space<hbm>>)
      %dma_wait3A_1384 = arith.constant 2 : i32
      %dma_wait3A_1385 = arith.constant 0 : i32
      %dma_wait3A_1386 = arith.constant 0 : i32
      %dma_wait3A_1387 = arith.constant 0 : i32
      %dma_wait3A_1388 = tpu.memref_slice %arg8[%dma_wait3A_1384, %dma_wait3A_1386, %dma_wait3A_1387] : memref<4x50x64xf32, #tpu.memory_space<vmem>> -> memref<1x50x64xf32, #tpu.memory_space<vmem>>
      %dma_wait3A_1389 = tpu.memref_squeeze %dma_wait3A_1388 : memref<1x50x64xf32, #tpu.memory_space<vmem>> -> memref<50x64xf32, #tpu.memory_space<vmem>>
      %dma_wait3A_1390 = arith.constant 0 : i32
      %dma_wait3A_1391 = arith.constant 0 : i32
      %dma_wait3A_1392 = tpu.memref_slice %arg4[%dma_wait3A_1385, %dma_wait3A_1390, %dma_wait3A_1391] : memref<16384x50x64xf32, #tpu.memory_space<hbm>> -> memref<1x50x64xf32, #tpu.memory_space<hbm>>
      %dma_wait3A_1393 = tpu.memref_squeeze %dma_wait3A_1392 : memref<1x50x64xf32, #tpu.memory_space<hbm>> -> memref<50x64xf32, #tpu.memory_space<hbm>>
      %dma_wait3A_1394 = arith.constant 0 : i32
      %dma_wait3A_1395 = arith.constant 0 : i32
      %dma_wait3A_1396 = tpu.memref_slice %arg4[%dma_wait3A_1385, %dma_wait3A_1394, %dma_wait3A_1395] : memref<16384x50x64xf32, #tpu.memory_space<hbm>> -> memref<1x50x64xf32, #tpu.memory_space<hbm>>
      %dma_wait3A_1397 = tpu.memref_squeeze %dma_wait3A_1396 : memref<1x50x64xf32, #tpu.memory_space<hbm>> -> memref<50x64xf32, #tpu.memory_space<hbm>>
      %dma_wait3A_1398 = arith.constant 0 : i32
      %dma_wait3A_1399 = arith.constant 0 : i32
      %dma_wait3A_1400 = tpu.memref_slice %arg8[%dma_wait3A_1384, %dma_wait3A_1398, %dma_wait3A_1399] : memref<4x50x64xf32, #tpu.memory_space<vmem>> -> memref<1x50x64xf32, #tpu.memory_space<vmem>>
      %dma_wait3A_1401 = tpu.memref_squeeze %dma_wait3A_1400 : memref<1x50x64xf32, #tpu.memory_space<vmem>> -> memref<50x64xf32, #tpu.memory_space<vmem>>
      tpu.wait_dma2 semaphore(%arg12 : memref<!tpu.dma_semaphore, #tpu.memory_space<semaphore_mem>>) src(%dma_wait3A_1401 : memref<50x64xf32, #tpu.memory_space<vmem>>) dst(%dma_wait3A_1397 : memref<50x64xf32, #tpu.memory_space<hbm>>)
      %dma_wait3A_1402 = arith.constant 3 : i32
      %dma_wait3A_1403 = arith.constant 0 : i32
      %dma_wait3A_1404 = arith.constant 0 : i32
      %dma_wait3A_1405 = arith.constant 0 : i32
      %dma_wait3A_1406 = tpu.memref_slice %arg8[%dma_wait3A_1402, %dma_wait3A_1404, %dma_wait3A_1405] : memref<4x50x64xf32, #tpu.memory_space<vmem>> -> memref<1x50x64xf32, #tpu.memory_space<vmem>>
      %dma_wait3A_1407 = tpu.memref_squeeze %dma_wait3A_1406 : memref<1x50x64xf32, #tpu.memory_space<vmem>> -> memref<50x64xf32, #tpu.memory_space<vmem>>
      %dma_wait3A_1408 = arith.constant 0 : i32
      %dma_wait3A_1409 = arith.constant 0 : i32
      %dma_wait3A_1410 = tpu.memref_slice %arg4[%dma_wait3A_1403, %dma_wait3A_1408, %dma_wait3A_1409] : memref<16384x50x64xf32, #tpu.memory_space<hbm>> -> memref<1x50x64xf32, #tpu.memory_space<hbm>>
      %dma_wait3A_1411 = tpu.memref_squeeze %dma_wait3A_1410 : memref<1x50x64xf32, #tpu.memory_space<hbm>> -> memref<50x64xf32, #tpu.memory_space<hbm>>
      %dma_wait3A_1412 = arith.constant 0 : i32
      %dma_wait3A_1413 = arith.constant 0 : i32
      %dma_wait3A_1414 = tpu.memref_slice %arg4[%dma_wait3A_1403, %dma_wait3A_1412, %dma_wait3A_1413] : memref<16384x50x64xf32, #tpu.memory_space<hbm>> -> memref<1x50x64xf32, #tpu.memory_space<hbm>>
      %dma_wait3A_1415 = tpu.memref_squeeze %dma_wait3A_1414 : memref<1x50x64xf32, #tpu.memory_space<hbm>> -> memref<50x64xf32, #tpu.memory_space<hbm>>
      %dma_wait3A_1416 = arith.constant 0 : i32
      %dma_wait3A_1417 = arith.constant 0 : i32
      %dma_wait3A_1418 = tpu.memref_slice %arg8[%dma_wait3A_1402, %dma_wait3A_1416, %dma_wait3A_1417] : memref<4x50x64xf32, #tpu.memory_space<vmem>> -> memref<1x50x64xf32, #tpu.memory_space<vmem>>
      %dma_wait3A_1419 = tpu.memref_squeeze %dma_wait3A_1418 : memref<1x50x64xf32, #tpu.memory_space<vmem>> -> memref<50x64xf32, #tpu.memory_space<vmem>>
      tpu.wait_dma2 semaphore(%arg12 : memref<!tpu.dma_semaphore, #tpu.memory_space<semaphore_mem>>) src(%dma_wait3A_1419 : memref<50x64xf32, #tpu.memory_space<vmem>>) dst(%dma_wait3A_1415 : memref<50x64xf32, #tpu.memory_space<hbm>>)
      %add3A_1420 = arith.constant 1 : i32
      %add3A_1421 = arith.addi %add3A_1155, %add3A_1420 : i32
      %dma_start3A_1422 = arith.constant 0 : i32
      %dma_start3A_1423 = arith.constant 0 : i32
      %dma_start3A_1424 = arith.constant 0 : i32
      %dma_start3A_1425 = arith.constant 0 : i32
      %dma_start3A_1426 = tpu.memref_slice %arg8[%dma_start3A_1423, %dma_start3A_1424, %dma_start3A_1425] : memref<4x50x64xf32, #tpu.memory_space<vmem>> -> memref<1x50x64xf32, #tpu.memory_space<vmem>>
      %dma_start3A_1427 = tpu.memref_squeeze %dma_start3A_1426 : memref<1x50x64xf32, #tpu.memory_space<vmem>> -> memref<50x64xf32, #tpu.memory_space<vmem>>
      %dma_start3A_1428 = arith.constant 0 : i32
      %dma_start3A_1429 = tpu.memref_slice %arg6[%dma_start3A_1422, %dma_start3A_1428] : memref<4x50xi32, #tpu.memory_space<vmem>> -> memref<1x50xi32, #tpu.memory_space<vmem>>
      %dma_start3A_1430 = tpu.memref_squeeze %dma_start3A_1429 : memref<1x50xi32, #tpu.memory_space<vmem>> -> memref<50xi32, #tpu.memory_space<vmem>>
      %dma_start3A_1431 = arith.constant 0 : i32
      %dma_start3A_1432 = arith.constant 0 : i32
      %dma_start3A_1433 = tpu.memref_slice %arg2[%dma_start3A_1431, %dma_start3A_1432] : memref<1000000x64xf32, #tpu.memory_space<hbm>> -> memref<1000000x64xf32, #tpu.memory_space<hbm>>
      tpu.enqueue_indirect_dma source(%dma_start3A_1433 : memref<1000000x64xf32, #tpu.memory_space<hbm>>) target(%dma_start3A_1427 : memref<50x64xf32, #tpu.memory_space<vmem>>) offsets(%dma_start3A_1430 : memref<50xi32, #tpu.memory_space<vmem>>) semaphore(%arg10 : memref<!tpu.dma_semaphore, #tpu.memory_space<semaphore_mem>>)
      %dma_start3A_1434 = arith.constant 1 : i32
      %dma_start3A_1435 = arith.constant 1 : i32
      %dma_start3A_1436 = arith.constant 0 : i32
      %dma_start3A_1437 = arith.constant 0 : i32
      %dma_start3A_1438 = tpu.memref_slice %arg8[%dma_start3A_1435, %dma_start3A_1436, %dma_start3A_1437] : memref<4x50x64xf32, #tpu.memory_space<vmem>> -> memref<1x50x64xf32, #tpu.memory_space<vmem>>
      %dma_start3A_1439 = tpu.memref_squeeze %dma_start3A_1438 : memref<1x50x64xf32, #tpu.memory_space<vmem>> -> memref<50x64xf32, #tpu.memory_space<vmem>>
      %dma_start3A_1440 = arith.constant 0 : i32
      %dma_start3A_1441 = tpu.memref_slice %arg6[%dma_start3A_1434, %dma_start3A_1440] : memref<4x50xi32, #tpu.memory_space<vmem>> -> memref<1x50xi32, #tpu.memory_space<vmem>>
      %dma_start3A_1442 = tpu.memref_squeeze %dma_start3A_1441 : memref<1x50xi32, #tpu.memory_space<vmem>> -> memref<50xi32, #tpu.memory_space<vmem>>
      %dma_start3A_1443 = arith.constant 0 : i32
      %dma_start3A_1444 = arith.constant 0 : i32
      %dma_start3A_1445 = tpu.memref_slice %arg2[%dma_start3A_1443, %dma_start3A_1444] : memref<1000000x64xf32, #tpu.memory_space<hbm>> -> memref<1000000x64xf32, #tpu.memory_space<hbm>>
      tpu.enqueue_indirect_dma source(%dma_start3A_1445 : memref<1000000x64xf32, #tpu.memory_space<hbm>>) target(%dma_start3A_1439 : memref<50x64xf32, #tpu.memory_space<vmem>>) offsets(%dma_start3A_1442 : memref<50xi32, #tpu.memory_space<vmem>>) semaphore(%arg10 : memref<!tpu.dma_semaphore, #tpu.memory_space<semaphore_mem>>)
      %dma_start3A_1446 = arith.constant 2 : i32
      %dma_start3A_1447 = arith.constant 2 : i32
      %dma_start3A_1448 = arith.constant 0 : i32
      %dma_start3A_1449 = arith.constant 0 : i32
      %dma_start3A_1450 = tpu.memref_slice %arg8[%dma_start3A_1447, %dma_start3A_1448, %dma_start3A_1449] : memref<4x50x64xf32, #tpu.memory_space<vmem>> -> memref<1x50x64xf32, #tpu.memory_space<vmem>>
      %dma_start3A_1451 = tpu.memref_squeeze %dma_start3A_1450 : memref<1x50x64xf32, #tpu.memory_space<vmem>> -> memref<50x64xf32, #tpu.memory_space<vmem>>
      %dma_start3A_1452 = arith.constant 0 : i32
      %dma_start3A_1453 = tpu.memref_slice %arg6[%dma_start3A_1446, %dma_start3A_1452] : memref<4x50xi32, #tpu.memory_space<vmem>> -> memref<1x50xi32, #tpu.memory_space<vmem>>
      %dma_start3A_1454 = tpu.memref_squeeze %dma_start3A_1453 : memref<1x50xi32, #tpu.memory_space<vmem>> -> memref<50xi32, #tpu.memory_space<vmem>>
      %dma_start3A_1455 = arith.constant 0 : i32
      %dma_start3A_1456 = arith.constant 0 : i32
      %dma_start3A_1457 = tpu.memref_slice %arg2[%dma_start3A_1455, %dma_start3A_1456] : memref<1000000x64xf32, #tpu.memory_space<hbm>> -> memref<1000000x64xf32, #tpu.memory_space<hbm>>
      tpu.enqueue_indirect_dma source(%dma_start3A_1457 : memref<1000000x64xf32, #tpu.memory_space<hbm>>) target(%dma_start3A_1451 : memref<50x64xf32, #tpu.memory_space<vmem>>) offsets(%dma_start3A_1454 : memref<50xi32, #tpu.memory_space<vmem>>) semaphore(%arg10 : memref<!tpu.dma_semaphore, #tpu.memory_space<semaphore_mem>>)
      %dma_start3A_1458 = arith.constant 3 : i32
      %dma_start3A_1459 = arith.constant 3 : i32
      %dma_start3A_1460 = arith.constant 0 : i32
      %dma_start3A_1461 = arith.constant 0 : i32
      %dma_start3A_1462 = tpu.memref_slice %arg8[%dma_start3A_1459, %dma_start3A_1460, %dma_start3A_1461] : memref<4x50x64xf32, #tpu.memory_space<vmem>> -> memref<1x50x64xf32, #tpu.memory_space<vmem>>
      %dma_start3A_1463 = tpu.memref_squeeze %dma_start3A_1462 : memref<1x50x64xf32, #tpu.memory_space<vmem>> -> memref<50x64xf32, #tpu.memory_space<vmem>>
      %dma_start3A_1464 = arith.constant 0 : i32
      %dma_start3A_1465 = tpu.memref_slice %arg6[%dma_start3A_1458, %dma_start3A_1464] : memref<4x50xi32, #tpu.memory_space<vmem>> -> memref<1x50xi32, #tpu.memory_space<vmem>>
      %dma_start3A_1466 = tpu.memref_squeeze %dma_start3A_1465 : memref<1x50xi32, #tpu.memory_space<vmem>> -> memref<50xi32, #tpu.memory_space<vmem>>
      %dma_start3A_1467 = arith.constant 0 : i32
      %dma_start3A_1468 = arith.constant 0 : i32
      %dma_start3A_1469 = tpu.memref_slice %arg2[%dma_start3A_1467, %dma_start3A_1468] : memref<1000000x64xf32, #tpu.memory_space<hbm>> -> memref<1000000x64xf32, #tpu.memory_space<hbm>>
      tpu.enqueue_indirect_dma source(%dma_start3A_1469 : memref<1000000x64xf32, #tpu.memory_space<hbm>>) target(%dma_start3A_1463 : memref<50x64xf32, #tpu.memory_space<vmem>>) offsets(%dma_start3A_1466 : memref<50xi32, #tpu.memory_space<vmem>>) semaphore(%arg10 : memref<!tpu.dma_semaphore, #tpu.memory_space<semaphore_mem>>)
      %add3A_1470 = arith.constant 2 : i32
      %add3A_1471 = arith.addi %add3A_1155, %add3A_1470 : i32
      %lt3A_1472 = arith.constant 128 : i32
      %lt3A_1473 = arith.cmpi slt, %add3A_1471, %lt3A_1472 : i32
      %convert_element_type3A_1474 = arith.extui %lt3A_1473 : i1 to i32
      %cond3A_1475 = arith.constant 0 : i32
      %cond3A_1476 = arith.cmpi ne, %convert_element_type3A_1474, %cond3A_1475 : i32
      scf.if %cond3A_1476 {
        %add3A_1477 = arith.constant 2 : i32
        %add3A_1478 = arith.addi %add3A_1155, %add3A_1477 : i32
        %mul3A_1479 = arith.constant 4 : i32
        %mul3A_1480 = arith.muli %add3A_1478, %mul3A_1479 : i32
        %add3A_1481 = arith.addi %mul3A_2, %mul3A_1480 : i32
        %add3A_1482 = arith.constant 0 : i32
        %add3A_1483 = arith.addi %add3A_1481, %add3A_1482 : i32
        %dma_start3A_1484 = arith.constant 0 : i32
        %dma_start3A_1485 = arith.constant 0 : i32
        %dma_start3A_1486 = tpu.memref_slice %arg5[%dma_start3A_1484, %dma_start3A_1485] : memref<4x50xi32, #tpu.memory_space<vmem>> -> memref<1x50xi32, #tpu.memory_space<vmem>>
        %dma_start3A_1487 = tpu.memref_squeeze %dma_start3A_1486 : memref<1x50xi32, #tpu.memory_space<vmem>> -> memref<50xi32, #tpu.memory_space<vmem>>
        %dma_start3A_1488 = arith.constant 0 : i32
        %dma_start3A_1489 = tpu.memref_slice %arg3[%add3A_1483, %dma_start3A_1488] : memref<16384x50xi32, #tpu.memory_space<hbm>> -> memref<1x50xi32, #tpu.memory_space<hbm>>
        %dma_start3A_1490 = tpu.memref_squeeze %dma_start3A_1489 : memref<1x50xi32, #tpu.memory_space<hbm>> -> memref<50xi32, #tpu.memory_space<hbm>>
        %dma_start3A_1491 = arith.constant 0 : i32
        %dma_start3A_1492 = tpu.memref_slice %arg5[%dma_start3A_1484, %dma_start3A_1491] : memref<4x50xi32, #tpu.memory_space<vmem>> -> memref<1x50xi32, #tpu.memory_space<vmem>>
        %dma_start3A_1493 = tpu.memref_squeeze %dma_start3A_1492 : memref<1x50xi32, #tpu.memory_space<vmem>> -> memref<50xi32, #tpu.memory_space<vmem>>
        %dma_start3A_1494 = arith.constant 0 : i32
        %dma_start3A_1495 = tpu.memref_slice %arg3[%add3A_1483, %dma_start3A_1494] : memref<16384x50xi32, #tpu.memory_space<hbm>> -> memref<1x50xi32, #tpu.memory_space<hbm>>
        %dma_start3A_1496 = tpu.memref_squeeze %dma_start3A_1495 : memref<1x50xi32, #tpu.memory_space<hbm>> -> memref<50xi32, #tpu.memory_space<hbm>>
        tpu.enqueue_dma source(%dma_start3A_1496 : memref<50xi32, #tpu.memory_space<hbm>>) target(%dma_start3A_1493 : memref<50xi32, #tpu.memory_space<vmem>>) target_semaphore(%arg13 : memref<!tpu.dma_semaphore, #tpu.memory_space<semaphore_mem>>)
        %mul3A_1497 = arith.constant 4 : i32
        %mul3A_1498 = arith.muli %add3A_1478, %mul3A_1497 : i32
        %add3A_1499 = arith.addi %mul3A_2, %mul3A_1498 : i32
        %add3A_1500 = arith.constant 1 : i32
        %add3A_1501 = arith.addi %add3A_1499, %add3A_1500 : i32
        %dma_start3A_1502 = arith.constant 1 : i32
        %dma_start3A_1503 = arith.constant 0 : i32
        %dma_start3A_1504 = tpu.memref_slice %arg5[%dma_start3A_1502, %dma_start3A_1503] : memref<4x50xi32, #tpu.memory_space<vmem>> -> memref<1x50xi32, #tpu.memory_space<vmem>>
        %dma_start3A_1505 = tpu.memref_squeeze %dma_start3A_1504 : memref<1x50xi32, #tpu.memory_space<vmem>> -> memref<50xi32, #tpu.memory_space<vmem>>
        %dma_start3A_1506 = arith.constant 0 : i32
        %dma_start3A_1507 = tpu.memref_slice %arg3[%add3A_1501, %dma_start3A_1506] : memref<16384x50xi32, #tpu.memory_space<hbm>> -> memref<1x50xi32, #tpu.memory_space<hbm>>
        %dma_start3A_1508 = tpu.memref_squeeze %dma_start3A_1507 : memref<1x50xi32, #tpu.memory_space<hbm>> -> memref<50xi32, #tpu.memory_space<hbm>>
        %dma_start3A_1509 = arith.constant 0 : i32
        %dma_start3A_1510 = tpu.memref_slice %arg5[%dma_start3A_1502, %dma_start3A_1509] : memref<4x50xi32, #tpu.memory_space<vmem>> -> memref<1x50xi32, #tpu.memory_space<vmem>>
        %dma_start3A_1511 = tpu.memref_squeeze %dma_start3A_1510 : memref<1x50xi32, #tpu.memory_space<vmem>> -> memref<50xi32, #tpu.memory_space<vmem>>
        %dma_start3A_1512 = arith.constant 0 : i32
        %dma_start3A_1513 = tpu.memref_slice %arg3[%add3A_1501, %dma_start3A_1512] : memref<16384x50xi32, #tpu.memory_space<hbm>> -> memref<1x50xi32, #tpu.memory_space<hbm>>
        %dma_start3A_1514 = tpu.memref_squeeze %dma_start3A_1513 : memref<1x50xi32, #tpu.memory_space<hbm>> -> memref<50xi32, #tpu.memory_space<hbm>>
        tpu.enqueue_dma source(%dma_start3A_1514 : memref<50xi32, #tpu.memory_space<hbm>>) target(%dma_start3A_1511 : memref<50xi32, #tpu.memory_space<vmem>>) target_semaphore(%arg13 : memref<!tpu.dma_semaphore, #tpu.memory_space<semaphore_mem>>)
        %mul3A_1515 = arith.constant 4 : i32
        %mul3A_1516 = arith.muli %add3A_1478, %mul3A_1515 : i32
        %add3A_1517 = arith.addi %mul3A_2, %mul3A_1516 : i32
        %add3A_1518 = arith.constant 2 : i32
        %add3A_1519 = arith.addi %add3A_1517, %add3A_1518 : i32
        %dma_start3A_1520 = arith.constant 2 : i32
        %dma_start3A_1521 = arith.constant 0 : i32
        %dma_start3A_1522 = tpu.memref_slice %arg5[%dma_start3A_1520, %dma_start3A_1521] : memref<4x50xi32, #tpu.memory_space<vmem>> -> memref<1x50xi32, #tpu.memory_space<vmem>>
        %dma_start3A_1523 = tpu.memref_squeeze %dma_start3A_1522 : memref<1x50xi32, #tpu.memory_space<vmem>> -> memref<50xi32, #tpu.memory_space<vmem>>
        %dma_start3A_1524 = arith.constant 0 : i32
        %dma_start3A_1525 = tpu.memref_slice %arg3[%add3A_1519, %dma_start3A_1524] : memref<16384x50xi32, #tpu.memory_space<hbm>> -> memref<1x50xi32, #tpu.memory_space<hbm>>
        %dma_start3A_1526 = tpu.memref_squeeze %dma_start3A_1525 : memref<1x50xi32, #tpu.memory_space<hbm>> -> memref<50xi32, #tpu.memory_space<hbm>>
        %dma_start3A_1527 = arith.constant 0 : i32
        %dma_start3A_1528 = tpu.memref_slice %arg5[%dma_start3A_1520, %dma_start3A_1527] : memref<4x50xi32, #tpu.memory_space<vmem>> -> memref<1x50xi32, #tpu.memory_space<vmem>>
        %dma_start3A_1529 = tpu.memref_squeeze %dma_start3A_1528 : memref<1x50xi32, #tpu.memory_space<vmem>> -> memref<50xi32, #tpu.memory_space<vmem>>
        %dma_start3A_1530 = arith.constant 0 : i32
        %dma_start3A_1531 = tpu.memref_slice %arg3[%add3A_1519, %dma_start3A_1530] : memref<16384x50xi32, #tpu.memory_space<hbm>> -> memref<1x50xi32, #tpu.memory_space<hbm>>
        %dma_start3A_1532 = tpu.memref_squeeze %dma_start3A_1531 : memref<1x50xi32, #tpu.memory_space<hbm>> -> memref<50xi32, #tpu.memory_space<hbm>>
        tpu.enqueue_dma source(%dma_start3A_1532 : memref<50xi32, #tpu.memory_space<hbm>>) target(%dma_start3A_1529 : memref<50xi32, #tpu.memory_space<vmem>>) target_semaphore(%arg13 : memref<!tpu.dma_semaphore, #tpu.memory_space<semaphore_mem>>)
        %mul3A_1533 = arith.constant 4 : i32
        %mul3A_1534 = arith.muli %add3A_1478, %mul3A_1533 : i32
        %add3A_1535 = arith.addi %mul3A_2, %mul3A_1534 : i32
        %add3A_1536 = arith.constant 3 : i32
        %add3A_1537 = arith.addi %add3A_1535, %add3A_1536 : i32
        %dma_start3A_1538 = arith.constant 3 : i32
        %dma_start3A_1539 = arith.constant 0 : i32
        %dma_start3A_1540 = tpu.memref_slice %arg5[%dma_start3A_1538, %dma_start3A_1539] : memref<4x50xi32, #tpu.memory_space<vmem>> -> memref<1x50xi32, #tpu.memory_space<vmem>>
        %dma_start3A_1541 = tpu.memref_squeeze %dma_start3A_1540 : memref<1x50xi32, #tpu.memory_space<vmem>> -> memref<50xi32, #tpu.memory_space<vmem>>
        %dma_start3A_1542 = arith.constant 0 : i32
        %dma_start3A_1543 = tpu.memref_slice %arg3[%add3A_1537, %dma_start3A_1542] : memref<16384x50xi32, #tpu.memory_space<hbm>> -> memref<1x50xi32, #tpu.memory_space<hbm>>
        %dma_start3A_1544 = tpu.memref_squeeze %dma_start3A_1543 : memref<1x50xi32, #tpu.memory_space<hbm>> -> memref<50xi32, #tpu.memory_space<hbm>>
        %dma_start3A_1545 = arith.constant 0 : i32
        %dma_start3A_1546 = tpu.memref_slice %arg5[%dma_start3A_1538, %dma_start3A_1545] : memref<4x50xi32, #tpu.memory_space<vmem>> -> memref<1x50xi32, #tpu.memory_space<vmem>>
        %dma_start3A_1547 = tpu.memref_squeeze %dma_start3A_1546 : memref<1x50xi32, #tpu.memory_space<vmem>> -> memref<50xi32, #tpu.memory_space<vmem>>
        %dma_start3A_1548 = arith.constant 0 : i32
        %dma_start3A_1549 = tpu.memref_slice %arg3[%add3A_1537, %dma_start3A_1548] : memref<16384x50xi32, #tpu.memory_space<hbm>> -> memref<1x50xi32, #tpu.memory_space<hbm>>
        %dma_start3A_1550 = tpu.memref_squeeze %dma_start3A_1549 : memref<1x50xi32, #tpu.memory_space<hbm>> -> memref<50xi32, #tpu.memory_space<hbm>>
        tpu.enqueue_dma source(%dma_start3A_1550 : memref<50xi32, #tpu.memory_space<hbm>>) target(%dma_start3A_1547 : memref<50xi32, #tpu.memory_space<vmem>>) target_semaphore(%arg13 : memref<!tpu.dma_semaphore, #tpu.memory_space<semaphore_mem>>)
      } else {
      }
    }
    %scan3A_548 = arith.constant 63 : i32
    %dma_wait3A_549 = arith.constant 0 : i32
    %dma_wait3A_550 = arith.constant 0 : i32
    %dma_wait3A_551 = arith.constant 0 : i32
    %dma_wait3A_552 = arith.constant 0 : i32
    %dma_wait3A_553 = tpu.memref_slice %arg8[%dma_wait3A_550, %dma_wait3A_551, %dma_wait3A_552] : memref<4x50x64xf32, #tpu.memory_space<vmem>> -> memref<1x50x64xf32, #tpu.memory_space<vmem>>
    %dma_wait3A_554 = tpu.memref_squeeze %dma_wait3A_553 : memref<1x50x64xf32, #tpu.memory_space<vmem>> -> memref<50x64xf32, #tpu.memory_space<vmem>>
    %dma_wait3A_555 = arith.constant 0 : i32
    %dma_wait3A_556 = tpu.memref_slice %arg6[%dma_wait3A_549, %dma_wait3A_555] : memref<4x50xi32, #tpu.memory_space<vmem>> -> memref<1x50xi32, #tpu.memory_space<vmem>>
    %dma_wait3A_557 = tpu.memref_squeeze %dma_wait3A_556 : memref<1x50xi32, #tpu.memory_space<vmem>> -> memref<50xi32, #tpu.memory_space<vmem>>
    %dma_wait3A_558 = arith.constant 0 : i32
    %dma_wait3A_559 = arith.constant 0 : i32
    %dma_wait3A_560 = tpu.memref_slice %arg2[%dma_wait3A_558, %dma_wait3A_559] : memref<1000000x64xf32, #tpu.memory_space<hbm>> -> memref<1000000x64xf32, #tpu.memory_space<hbm>>
    tpu.wait_indirect_dma semaphore(%arg10 : memref<!tpu.dma_semaphore, #tpu.memory_space<semaphore_mem>>) src(%dma_wait3A_560 : memref<1000000x64xf32, #tpu.memory_space<hbm>>) dst(%dma_wait3A_554 : memref<50x64xf32, #tpu.memory_space<vmem>>)
    %dma_wait3A_561 = arith.constant 0 : i32
    %dma_wait3A_562 = arith.constant 1 : i32
    %dma_wait3A_563 = arith.constant 0 : i32
    %dma_wait3A_564 = arith.constant 0 : i32
    %dma_wait3A_565 = tpu.memref_slice %arg8[%dma_wait3A_562, %dma_wait3A_563, %dma_wait3A_564] : memref<4x50x64xf32, #tpu.memory_space<vmem>> -> memref<1x50x64xf32, #tpu.memory_space<vmem>>
    %dma_wait3A_566 = tpu.memref_squeeze %dma_wait3A_565 : memref<1x50x64xf32, #tpu.memory_space<vmem>> -> memref<50x64xf32, #tpu.memory_space<vmem>>
    %dma_wait3A_567 = arith.constant 0 : i32
    %dma_wait3A_568 = tpu.memref_slice %arg6[%dma_wait3A_561, %dma_wait3A_567] : memref<4x50xi32, #tpu.memory_space<vmem>> -> memref<1x50xi32, #tpu.memory_space<vmem>>
    %dma_wait3A_569 = tpu.memref_squeeze %dma_wait3A_568 : memref<1x50xi32, #tpu.memory_space<vmem>> -> memref<50xi32, #tpu.memory_space<vmem>>
    %dma_wait3A_570 = arith.constant 0 : i32
    %dma_wait3A_571 = arith.constant 0 : i32
    %dma_wait3A_572 = tpu.memref_slice %arg2[%dma_wait3A_570, %dma_wait3A_571] : memref<1000000x64xf32, #tpu.memory_space<hbm>> -> memref<1000000x64xf32, #tpu.memory_space<hbm>>
    tpu.wait_indirect_dma semaphore(%arg10 : memref<!tpu.dma_semaphore, #tpu.memory_space<semaphore_mem>>) src(%dma_wait3A_572 : memref<1000000x64xf32, #tpu.memory_space<hbm>>) dst(%dma_wait3A_566 : memref<50x64xf32, #tpu.memory_space<vmem>>)
    %dma_wait3A_573 = arith.constant 0 : i32
    %dma_wait3A_574 = arith.constant 2 : i32
    %dma_wait3A_575 = arith.constant 0 : i32
    %dma_wait3A_576 = arith.constant 0 : i32
    %dma_wait3A_577 = tpu.memref_slice %arg8[%dma_wait3A_574, %dma_wait3A_575, %dma_wait3A_576] : memref<4x50x64xf32, #tpu.memory_space<vmem>> -> memref<1x50x64xf32, #tpu.memory_space<vmem>>
    %dma_wait3A_578 = tpu.memref_squeeze %dma_wait3A_577 : memref<1x50x64xf32, #tpu.memory_space<vmem>> -> memref<50x64xf32, #tpu.memory_space<vmem>>
    %dma_wait3A_579 = arith.constant 0 : i32
    %dma_wait3A_580 = tpu.memref_slice %arg6[%dma_wait3A_573, %dma_wait3A_579] : memref<4x50xi32, #tpu.memory_space<vmem>> -> memref<1x50xi32, #tpu.memory_space<vmem>>
    %dma_wait3A_581 = tpu.memref_squeeze %dma_wait3A_580 : memref<1x50xi32, #tpu.memory_space<vmem>> -> memref<50xi32, #tpu.memory_space<vmem>>
    %dma_wait3A_582 = arith.constant 0 : i32
    %dma_wait3A_583 = arith.constant 0 : i32
    %dma_wait3A_584 = tpu.memref_slice %arg2[%dma_wait3A_582, %dma_wait3A_583] : memref<1000000x64xf32, #tpu.memory_space<hbm>> -> memref<1000000x64xf32, #tpu.memory_space<hbm>>
    tpu.wait_indirect_dma semaphore(%arg10 : memref<!tpu.dma_semaphore, #tpu.memory_space<semaphore_mem>>) src(%dma_wait3A_584 : memref<1000000x64xf32, #tpu.memory_space<hbm>>) dst(%dma_wait3A_578 : memref<50x64xf32, #tpu.memory_space<vmem>>)
    %dma_wait3A_585 = arith.constant 0 : i32
    %dma_wait3A_586 = arith.constant 3 : i32
    %dma_wait3A_587 = arith.constant 0 : i32
    %dma_wait3A_588 = arith.constant 0 : i32
    %dma_wait3A_589 = tpu.memref_slice %arg8[%dma_wait3A_586, %dma_wait3A_587, %dma_wait3A_588] : memref<4x50x64xf32, #tpu.memory_space<vmem>> -> memref<1x50x64xf32, #tpu.memory_space<vmem>>
    %dma_wait3A_590 = tpu.memref_squeeze %dma_wait3A_589 : memref<1x50x64xf32, #tpu.memory_space<vmem>> -> memref<50x64xf32, #tpu.memory_space<vmem>>
    %dma_wait3A_591 = arith.constant 0 : i32
    %dma_wait3A_592 = tpu.memref_slice %arg6[%dma_wait3A_585, %dma_wait3A_591] : memref<4x50xi32, #tpu.memory_space<vmem>> -> memref<1x50xi32, #tpu.memory_space<vmem>>
    %dma_wait3A_593 = tpu.memref_squeeze %dma_wait3A_592 : memref<1x50xi32, #tpu.memory_space<vmem>> -> memref<50xi32, #tpu.memory_space<vmem>>
    %dma_wait3A_594 = arith.constant 0 : i32
    %dma_wait3A_595 = arith.constant 0 : i32
    %dma_wait3A_596 = tpu.memref_slice %arg2[%dma_wait3A_594, %dma_wait3A_595] : memref<1000000x64xf32, #tpu.memory_space<hbm>> -> memref<1000000x64xf32, #tpu.memory_space<hbm>>
    tpu.wait_indirect_dma semaphore(%arg10 : memref<!tpu.dma_semaphore, #tpu.memory_space<semaphore_mem>>) src(%dma_wait3A_596 : memref<1000000x64xf32, #tpu.memory_space<hbm>>) dst(%dma_wait3A_590 : memref<50x64xf32, #tpu.memory_space<vmem>>)
    %add3A_597 = arith.constant 508 : i32
    %add3A_598 = arith.addi %mul3A_2, %add3A_597 : i32
    %add3A_599 = arith.constant 0 : i32
    %add3A_600 = arith.addi %add3A_598, %add3A_599 : i32
    %dma_start3A_601 = arith.constant 0 : i32
    %dma_start3A_602 = arith.constant 0 : i32
    %dma_start3A_603 = arith.constant 0 : i32
    %dma_start3A_604 = tpu.memref_slice %arg8[%dma_start3A_601, %dma_start3A_602, %dma_start3A_603] : memref<4x50x64xf32, #tpu.memory_space<vmem>> -> memref<1x50x64xf32, #tpu.memory_space<vmem>>
    %dma_start3A_605 = tpu.memref_squeeze %dma_start3A_604 : memref<1x50x64xf32, #tpu.memory_space<vmem>> -> memref<50x64xf32, #tpu.memory_space<vmem>>
    %dma_start3A_606 = arith.constant 0 : i32
    %dma_start3A_607 = arith.constant 0 : i32
    %dma_start3A_608 = tpu.memref_slice %arg4[%add3A_600, %dma_start3A_606, %dma_start3A_607] : memref<16384x50x64xf32, #tpu.memory_space<hbm>> -> memref<1x50x64xf32, #tpu.memory_space<hbm>>
    %dma_start3A_609 = tpu.memref_squeeze %dma_start3A_608 : memref<1x50x64xf32, #tpu.memory_space<hbm>> -> memref<50x64xf32, #tpu.memory_space<hbm>>
    %dma_start3A_610 = arith.constant 0 : i32
    %dma_start3A_611 = arith.constant 0 : i32
    %dma_start3A_612 = tpu.memref_slice %arg4[%add3A_600, %dma_start3A_610, %dma_start3A_611] : memref<16384x50x64xf32, #tpu.memory_space<hbm>> -> memref<1x50x64xf32, #tpu.memory_space<hbm>>
    %dma_start3A_613 = tpu.memref_squeeze %dma_start3A_612 : memref<1x50x64xf32, #tpu.memory_space<hbm>> -> memref<50x64xf32, #tpu.memory_space<hbm>>
    %dma_start3A_614 = arith.constant 0 : i32
    %dma_start3A_615 = arith.constant 0 : i32
    %dma_start3A_616 = tpu.memref_slice %arg8[%dma_start3A_601, %dma_start3A_614, %dma_start3A_615] : memref<4x50x64xf32, #tpu.memory_space<vmem>> -> memref<1x50x64xf32, #tpu.memory_space<vmem>>
    %dma_start3A_617 = tpu.memref_squeeze %dma_start3A_616 : memref<1x50x64xf32, #tpu.memory_space<vmem>> -> memref<50x64xf32, #tpu.memory_space<vmem>>
    tpu.enqueue_dma source(%dma_start3A_617 : memref<50x64xf32, #tpu.memory_space<vmem>>) target(%dma_start3A_613 : memref<50x64xf32, #tpu.memory_space<hbm>>) target_semaphore(%arg12 : memref<!tpu.dma_semaphore, #tpu.memory_space<semaphore_mem>>)
    %add3A_618 = arith.constant 508 : i32
    %add3A_619 = arith.addi %mul3A_2, %add3A_618 : i32
    %add3A_620 = arith.constant 1 : i32
    %add3A_621 = arith.addi %add3A_619, %add3A_620 : i32
    %dma_start3A_622 = arith.constant 1 : i32
    %dma_start3A_623 = arith.constant 0 : i32
    %dma_start3A_624 = arith.constant 0 : i32
    %dma_start3A_625 = tpu.memref_slice %arg8[%dma_start3A_622, %dma_start3A_623, %dma_start3A_624] : memref<4x50x64xf32, #tpu.memory_space<vmem>> -> memref<1x50x64xf32, #tpu.memory_space<vmem>>
    %dma_start3A_626 = tpu.memref_squeeze %dma_start3A_625 : memref<1x50x64xf32, #tpu.memory_space<vmem>> -> memref<50x64xf32, #tpu.memory_space<vmem>>
    %dma_start3A_627 = arith.constant 0 : i32
    %dma_start3A_628 = arith.constant 0 : i32
    %dma_start3A_629 = tpu.memref_slice %arg4[%add3A_621, %dma_start3A_627, %dma_start3A_628] : memref<16384x50x64xf32, #tpu.memory_space<hbm>> -> memref<1x50x64xf32, #tpu.memory_space<hbm>>
    %dma_start3A_630 = tpu.memref_squeeze %dma_start3A_629 : memref<1x50x64xf32, #tpu.memory_space<hbm>> -> memref<50x64xf32, #tpu.memory_space<hbm>>
    %dma_start3A_631 = arith.constant 0 : i32
    %dma_start3A_632 = arith.constant 0 : i32
    %dma_start3A_633 = tpu.memref_slice %arg4[%add3A_621, %dma_start3A_631, %dma_start3A_632] : memref<16384x50x64xf32, #tpu.memory_space<hbm>> -> memref<1x50x64xf32, #tpu.memory_space<hbm>>
    %dma_start3A_634 = tpu.memref_squeeze %dma_start3A_633 : memref<1x50x64xf32, #tpu.memory_space<hbm>> -> memref<50x64xf32, #tpu.memory_space<hbm>>
    %dma_start3A_635 = arith.constant 0 : i32
    %dma_start3A_636 = arith.constant 0 : i32
    %dma_start3A_637 = tpu.memref_slice %arg8[%dma_start3A_622, %dma_start3A_635, %dma_start3A_636] : memref<4x50x64xf32, #tpu.memory_space<vmem>> -> memref<1x50x64xf32, #tpu.memory_space<vmem>>
    %dma_start3A_638 = tpu.memref_squeeze %dma_start3A_637 : memref<1x50x64xf32, #tpu.memory_space<vmem>> -> memref<50x64xf32, #tpu.memory_space<vmem>>
    tpu.enqueue_dma source(%dma_start3A_638 : memref<50x64xf32, #tpu.memory_space<vmem>>) target(%dma_start3A_634 : memref<50x64xf32, #tpu.memory_space<hbm>>) target_semaphore(%arg12 : memref<!tpu.dma_semaphore, #tpu.memory_space<semaphore_mem>>)
    %add3A_639 = arith.constant 508 : i32
    %add3A_640 = arith.addi %mul3A_2, %add3A_639 : i32
    %add3A_641 = arith.constant 2 : i32
    %add3A_642 = arith.addi %add3A_640, %add3A_641 : i32
    %dma_start3A_643 = arith.constant 2 : i32
    %dma_start3A_644 = arith.constant 0 : i32
    %dma_start3A_645 = arith.constant 0 : i32
    %dma_start3A_646 = tpu.memref_slice %arg8[%dma_start3A_643, %dma_start3A_644, %dma_start3A_645] : memref<4x50x64xf32, #tpu.memory_space<vmem>> -> memref<1x50x64xf32, #tpu.memory_space<vmem>>
    %dma_start3A_647 = tpu.memref_squeeze %dma_start3A_646 : memref<1x50x64xf32, #tpu.memory_space<vmem>> -> memref<50x64xf32, #tpu.memory_space<vmem>>
    %dma_start3A_648 = arith.constant 0 : i32
    %dma_start3A_649 = arith.constant 0 : i32
    %dma_start3A_650 = tpu.memref_slice %arg4[%add3A_642, %dma_start3A_648, %dma_start3A_649] : memref<16384x50x64xf32, #tpu.memory_space<hbm>> -> memref<1x50x64xf32, #tpu.memory_space<hbm>>
    %dma_start3A_651 = tpu.memref_squeeze %dma_start3A_650 : memref<1x50x64xf32, #tpu.memory_space<hbm>> -> memref<50x64xf32, #tpu.memory_space<hbm>>
    %dma_start3A_652 = arith.constant 0 : i32
    %dma_start3A_653 = arith.constant 0 : i32
    %dma_start3A_654 = tpu.memref_slice %arg4[%add3A_642, %dma_start3A_652, %dma_start3A_653] : memref<16384x50x64xf32, #tpu.memory_space<hbm>> -> memref<1x50x64xf32, #tpu.memory_space<hbm>>
    %dma_start3A_655 = tpu.memref_squeeze %dma_start3A_654 : memref<1x50x64xf32, #tpu.memory_space<hbm>> -> memref<50x64xf32, #tpu.memory_space<hbm>>
    %dma_start3A_656 = arith.constant 0 : i32
    %dma_start3A_657 = arith.constant 0 : i32
    %dma_start3A_658 = tpu.memref_slice %arg8[%dma_start3A_643, %dma_start3A_656, %dma_start3A_657] : memref<4x50x64xf32, #tpu.memory_space<vmem>> -> memref<1x50x64xf32, #tpu.memory_space<vmem>>
    %dma_start3A_659 = tpu.memref_squeeze %dma_start3A_658 : memref<1x50x64xf32, #tpu.memory_space<vmem>> -> memref<50x64xf32, #tpu.memory_space<vmem>>
    tpu.enqueue_dma source(%dma_start3A_659 : memref<50x64xf32, #tpu.memory_space<vmem>>) target(%dma_start3A_655 : memref<50x64xf32, #tpu.memory_space<hbm>>) target_semaphore(%arg12 : memref<!tpu.dma_semaphore, #tpu.memory_space<semaphore_mem>>)
    %add3A_660 = arith.constant 508 : i32
    %add3A_661 = arith.addi %mul3A_2, %add3A_660 : i32
    %add3A_662 = arith.constant 3 : i32
    %add3A_663 = arith.addi %add3A_661, %add3A_662 : i32
    %dma_start3A_664 = arith.constant 3 : i32
    %dma_start3A_665 = arith.constant 0 : i32
    %dma_start3A_666 = arith.constant 0 : i32
    %dma_start3A_667 = tpu.memref_slice %arg8[%dma_start3A_664, %dma_start3A_665, %dma_start3A_666] : memref<4x50x64xf32, #tpu.memory_space<vmem>> -> memref<1x50x64xf32, #tpu.memory_space<vmem>>
    %dma_start3A_668 = tpu.memref_squeeze %dma_start3A_667 : memref<1x50x64xf32, #tpu.memory_space<vmem>> -> memref<50x64xf32, #tpu.memory_space<vmem>>
    %dma_start3A_669 = arith.constant 0 : i32
    %dma_start3A_670 = arith.constant 0 : i32
    %dma_start3A_671 = tpu.memref_slice %arg4[%add3A_663, %dma_start3A_669, %dma_start3A_670] : memref<16384x50x64xf32, #tpu.memory_space<hbm>> -> memref<1x50x64xf32, #tpu.memory_space<hbm>>
    %dma_start3A_672 = tpu.memref_squeeze %dma_start3A_671 : memref<1x50x64xf32, #tpu.memory_space<hbm>> -> memref<50x64xf32, #tpu.memory_space<hbm>>
    %dma_start3A_673 = arith.constant 0 : i32
    %dma_start3A_674 = arith.constant 0 : i32
    %dma_start3A_675 = tpu.memref_slice %arg4[%add3A_663, %dma_start3A_673, %dma_start3A_674] : memref<16384x50x64xf32, #tpu.memory_space<hbm>> -> memref<1x50x64xf32, #tpu.memory_space<hbm>>
    %dma_start3A_676 = tpu.memref_squeeze %dma_start3A_675 : memref<1x50x64xf32, #tpu.memory_space<hbm>> -> memref<50x64xf32, #tpu.memory_space<hbm>>
    %dma_start3A_677 = arith.constant 0 : i32
    %dma_start3A_678 = arith.constant 0 : i32
    %dma_start3A_679 = tpu.memref_slice %arg8[%dma_start3A_664, %dma_start3A_677, %dma_start3A_678] : memref<4x50x64xf32, #tpu.memory_space<vmem>> -> memref<1x50x64xf32, #tpu.memory_space<vmem>>
    %dma_start3A_680 = tpu.memref_squeeze %dma_start3A_679 : memref<1x50x64xf32, #tpu.memory_space<vmem>> -> memref<50x64xf32, #tpu.memory_space<vmem>>
    tpu.enqueue_dma source(%dma_start3A_680 : memref<50x64xf32, #tpu.memory_space<vmem>>) target(%dma_start3A_676 : memref<50x64xf32, #tpu.memory_space<hbm>>) target_semaphore(%arg12 : memref<!tpu.dma_semaphore, #tpu.memory_space<semaphore_mem>>)
    %dma_wait3A_681 = arith.constant 0 : i32
    %dma_wait3A_682 = arith.constant 0 : i32
    %dma_wait3A_683 = arith.constant 0 : i32
    %dma_wait3A_684 = arith.constant 0 : i32
    %dma_wait3A_685 = tpu.memref_slice %arg7[%dma_wait3A_681, %dma_wait3A_683, %dma_wait3A_684] : memref<4x50x64xf32, #tpu.memory_space<vmem>> -> memref<1x50x64xf32, #tpu.memory_space<vmem>>
    %dma_wait3A_686 = tpu.memref_squeeze %dma_wait3A_685 : memref<1x50x64xf32, #tpu.memory_space<vmem>> -> memref<50x64xf32, #tpu.memory_space<vmem>>
    %dma_wait3A_687 = arith.constant 0 : i32
    %dma_wait3A_688 = arith.constant 0 : i32
    %dma_wait3A_689 = tpu.memref_slice %arg4[%dma_wait3A_682, %dma_wait3A_687, %dma_wait3A_688] : memref<16384x50x64xf32, #tpu.memory_space<hbm>> -> memref<1x50x64xf32, #tpu.memory_space<hbm>>
    %dma_wait3A_690 = tpu.memref_squeeze %dma_wait3A_689 : memref<1x50x64xf32, #tpu.memory_space<hbm>> -> memref<50x64xf32, #tpu.memory_space<hbm>>
    %dma_wait3A_691 = arith.constant 0 : i32
    %dma_wait3A_692 = arith.constant 0 : i32
    %dma_wait3A_693 = tpu.memref_slice %arg4[%dma_wait3A_682, %dma_wait3A_691, %dma_wait3A_692] : memref<16384x50x64xf32, #tpu.memory_space<hbm>> -> memref<1x50x64xf32, #tpu.memory_space<hbm>>
    %dma_wait3A_694 = tpu.memref_squeeze %dma_wait3A_693 : memref<1x50x64xf32, #tpu.memory_space<hbm>> -> memref<50x64xf32, #tpu.memory_space<hbm>>
    %dma_wait3A_695 = arith.constant 0 : i32
    %dma_wait3A_696 = arith.constant 0 : i32
    %dma_wait3A_697 = tpu.memref_slice %arg7[%dma_wait3A_681, %dma_wait3A_695, %dma_wait3A_696] : memref<4x50x64xf32, #tpu.memory_space<vmem>> -> memref<1x50x64xf32, #tpu.memory_space<vmem>>
    %dma_wait3A_698 = tpu.memref_squeeze %dma_wait3A_697 : memref<1x50x64xf32, #tpu.memory_space<vmem>> -> memref<50x64xf32, #tpu.memory_space<vmem>>
    tpu.wait_dma2 semaphore(%arg11 : memref<!tpu.dma_semaphore, #tpu.memory_space<semaphore_mem>>) src(%dma_wait3A_698 : memref<50x64xf32, #tpu.memory_space<vmem>>) dst(%dma_wait3A_694 : memref<50x64xf32, #tpu.memory_space<hbm>>)
    %dma_wait3A_699 = arith.constant 1 : i32
    %dma_wait3A_700 = arith.constant 0 : i32
    %dma_wait3A_701 = arith.constant 0 : i32
    %dma_wait3A_702 = arith.constant 0 : i32
    %dma_wait3A_703 = tpu.memref_slice %arg7[%dma_wait3A_699, %dma_wait3A_701, %dma_wait3A_702] : memref<4x50x64xf32, #tpu.memory_space<vmem>> -> memref<1x50x64xf32, #tpu.memory_space<vmem>>
    %dma_wait3A_704 = tpu.memref_squeeze %dma_wait3A_703 : memref<1x50x64xf32, #tpu.memory_space<vmem>> -> memref<50x64xf32, #tpu.memory_space<vmem>>
    %dma_wait3A_705 = arith.constant 0 : i32
    %dma_wait3A_706 = arith.constant 0 : i32
    %dma_wait3A_707 = tpu.memref_slice %arg4[%dma_wait3A_700, %dma_wait3A_705, %dma_wait3A_706] : memref<16384x50x64xf32, #tpu.memory_space<hbm>> -> memref<1x50x64xf32, #tpu.memory_space<hbm>>
    %dma_wait3A_708 = tpu.memref_squeeze %dma_wait3A_707 : memref<1x50x64xf32, #tpu.memory_space<hbm>> -> memref<50x64xf32, #tpu.memory_space<hbm>>
    %dma_wait3A_709 = arith.constant 0 : i32
    %dma_wait3A_710 = arith.constant 0 : i32
    %dma_wait3A_711 = tpu.memref_slice %arg4[%dma_wait3A_700, %dma_wait3A_709, %dma_wait3A_710] : memref<16384x50x64xf32, #tpu.memory_space<hbm>> -> memref<1x50x64xf32, #tpu.memory_space<hbm>>
    %dma_wait3A_712 = tpu.memref_squeeze %dma_wait3A_711 : memref<1x50x64xf32, #tpu.memory_space<hbm>> -> memref<50x64xf32, #tpu.memory_space<hbm>>
    %dma_wait3A_713 = arith.constant 0 : i32
    %dma_wait3A_714 = arith.constant 0 : i32
    %dma_wait3A_715 = tpu.memref_slice %arg7[%dma_wait3A_699, %dma_wait3A_713, %dma_wait3A_714] : memref<4x50x64xf32, #tpu.memory_space<vmem>> -> memref<1x50x64xf32, #tpu.memory_space<vmem>>
    %dma_wait3A_716 = tpu.memref_squeeze %dma_wait3A_715 : memref<1x50x64xf32, #tpu.memory_space<vmem>> -> memref<50x64xf32, #tpu.memory_space<vmem>>
    tpu.wait_dma2 semaphore(%arg11 : memref<!tpu.dma_semaphore, #tpu.memory_space<semaphore_mem>>) src(%dma_wait3A_716 : memref<50x64xf32, #tpu.memory_space<vmem>>) dst(%dma_wait3A_712 : memref<50x64xf32, #tpu.memory_space<hbm>>)
    %dma_wait3A_717 = arith.constant 2 : i32
    %dma_wait3A_718 = arith.constant 0 : i32
    %dma_wait3A_719 = arith.constant 0 : i32
    %dma_wait3A_720 = arith.constant 0 : i32
    %dma_wait3A_721 = tpu.memref_slice %arg7[%dma_wait3A_717, %dma_wait3A_719, %dma_wait3A_720] : memref<4x50x64xf32, #tpu.memory_space<vmem>> -> memref<1x50x64xf32, #tpu.memory_space<vmem>>
    %dma_wait3A_722 = tpu.memref_squeeze %dma_wait3A_721 : memref<1x50x64xf32, #tpu.memory_space<vmem>> -> memref<50x64xf32, #tpu.memory_space<vmem>>
    %dma_wait3A_723 = arith.constant 0 : i32
    %dma_wait3A_724 = arith.constant 0 : i32
    %dma_wait3A_725 = tpu.memref_slice %arg4[%dma_wait3A_718, %dma_wait3A_723, %dma_wait3A_724] : memref<16384x50x64xf32, #tpu.memory_space<hbm>> -> memref<1x50x64xf32, #tpu.memory_space<hbm>>
    %dma_wait3A_726 = tpu.memref_squeeze %dma_wait3A_725 : memref<1x50x64xf32, #tpu.memory_space<hbm>> -> memref<50x64xf32, #tpu.memory_space<hbm>>
    %dma_wait3A_727 = arith.constant 0 : i32
    %dma_wait3A_728 = arith.constant 0 : i32
    %dma_wait3A_729 = tpu.memref_slice %arg4[%dma_wait3A_718, %dma_wait3A_727, %dma_wait3A_728] : memref<16384x50x64xf32, #tpu.memory_space<hbm>> -> memref<1x50x64xf32, #tpu.memory_space<hbm>>
    %dma_wait3A_730 = tpu.memref_squeeze %dma_wait3A_729 : memref<1x50x64xf32, #tpu.memory_space<hbm>> -> memref<50x64xf32, #tpu.memory_space<hbm>>
    %dma_wait3A_731 = arith.constant 0 : i32
    %dma_wait3A_732 = arith.constant 0 : i32
    %dma_wait3A_733 = tpu.memref_slice %arg7[%dma_wait3A_717, %dma_wait3A_731, %dma_wait3A_732] : memref<4x50x64xf32, #tpu.memory_space<vmem>> -> memref<1x50x64xf32, #tpu.memory_space<vmem>>
    %dma_wait3A_734 = tpu.memref_squeeze %dma_wait3A_733 : memref<1x50x64xf32, #tpu.memory_space<vmem>> -> memref<50x64xf32, #tpu.memory_space<vmem>>
    tpu.wait_dma2 semaphore(%arg11 : memref<!tpu.dma_semaphore, #tpu.memory_space<semaphore_mem>>) src(%dma_wait3A_734 : memref<50x64xf32, #tpu.memory_space<vmem>>) dst(%dma_wait3A_730 : memref<50x64xf32, #tpu.memory_space<hbm>>)
    %dma_wait3A_735 = arith.constant 3 : i32
    %dma_wait3A_736 = arith.constant 0 : i32
    %dma_wait3A_737 = arith.constant 0 : i32
    %dma_wait3A_738 = arith.constant 0 : i32
    %dma_wait3A_739 = tpu.memref_slice %arg7[%dma_wait3A_735, %dma_wait3A_737, %dma_wait3A_738] : memref<4x50x64xf32, #tpu.memory_space<vmem>> -> memref<1x50x64xf32, #tpu.memory_space<vmem>>
    %dma_wait3A_740 = tpu.memref_squeeze %dma_wait3A_739 : memref<1x50x64xf32, #tpu.memory_space<vmem>> -> memref<50x64xf32, #tpu.memory_space<vmem>>
    %dma_wait3A_741 = arith.constant 0 : i32
    %dma_wait3A_742 = arith.constant 0 : i32
    %dma_wait3A_743 = tpu.memref_slice %arg4[%dma_wait3A_736, %dma_wait3A_741, %dma_wait3A_742] : memref<16384x50x64xf32, #tpu.memory_space<hbm>> -> memref<1x50x64xf32, #tpu.memory_space<hbm>>
    %dma_wait3A_744 = tpu.memref_squeeze %dma_wait3A_743 : memref<1x50x64xf32, #tpu.memory_space<hbm>> -> memref<50x64xf32, #tpu.memory_space<hbm>>
    %dma_wait3A_745 = arith.constant 0 : i32
    %dma_wait3A_746 = arith.constant 0 : i32
    %dma_wait3A_747 = tpu.memref_slice %arg4[%dma_wait3A_736, %dma_wait3A_745, %dma_wait3A_746] : memref<16384x50x64xf32, #tpu.memory_space<hbm>> -> memref<1x50x64xf32, #tpu.memory_space<hbm>>
    %dma_wait3A_748 = tpu.memref_squeeze %dma_wait3A_747 : memref<1x50x64xf32, #tpu.memory_space<hbm>> -> memref<50x64xf32, #tpu.memory_space<hbm>>
    %dma_wait3A_749 = arith.constant 0 : i32
    %dma_wait3A_750 = arith.constant 0 : i32
    %dma_wait3A_751 = tpu.memref_slice %arg7[%dma_wait3A_735, %dma_wait3A_749, %dma_wait3A_750] : memref<4x50x64xf32, #tpu.memory_space<vmem>> -> memref<1x50x64xf32, #tpu.memory_space<vmem>>
    %dma_wait3A_752 = tpu.memref_squeeze %dma_wait3A_751 : memref<1x50x64xf32, #tpu.memory_space<vmem>> -> memref<50x64xf32, #tpu.memory_space<vmem>>
    tpu.wait_dma2 semaphore(%arg11 : memref<!tpu.dma_semaphore, #tpu.memory_space<semaphore_mem>>) src(%dma_wait3A_752 : memref<50x64xf32, #tpu.memory_space<vmem>>) dst(%dma_wait3A_748 : memref<50x64xf32, #tpu.memory_space<hbm>>)
    %dma_wait3A_753 = arith.constant 0 : i32
    %dma_wait3A_754 = arith.constant 0 : i32
    %dma_wait3A_755 = arith.constant 0 : i32
    %dma_wait3A_756 = arith.constant 0 : i32
    %dma_wait3A_757 = tpu.memref_slice %arg8[%dma_wait3A_753, %dma_wait3A_755, %dma_wait3A_756] : memref<4x50x64xf32, #tpu.memory_space<vmem>> -> memref<1x50x64xf32, #tpu.memory_space<vmem>>
    %dma_wait3A_758 = tpu.memref_squeeze %dma_wait3A_757 : memref<1x50x64xf32, #tpu.memory_space<vmem>> -> memref<50x64xf32, #tpu.memory_space<vmem>>
    %dma_wait3A_759 = arith.constant 0 : i32
    %dma_wait3A_760 = arith.constant 0 : i32
    %dma_wait3A_761 = tpu.memref_slice %arg4[%dma_wait3A_754, %dma_wait3A_759, %dma_wait3A_760] : memref<16384x50x64xf32, #tpu.memory_space<hbm>> -> memref<1x50x64xf32, #tpu.memory_space<hbm>>
    %dma_wait3A_762 = tpu.memref_squeeze %dma_wait3A_761 : memref<1x50x64xf32, #tpu.memory_space<hbm>> -> memref<50x64xf32, #tpu.memory_space<hbm>>
    %dma_wait3A_763 = arith.constant 0 : i32
    %dma_wait3A_764 = arith.constant 0 : i32
    %dma_wait3A_765 = tpu.memref_slice %arg4[%dma_wait3A_754, %dma_wait3A_763, %dma_wait3A_764] : memref<16384x50x64xf32, #tpu.memory_space<hbm>> -> memref<1x50x64xf32, #tpu.memory_space<hbm>>
    %dma_wait3A_766 = tpu.memref_squeeze %dma_wait3A_765 : memref<1x50x64xf32, #tpu.memory_space<hbm>> -> memref<50x64xf32, #tpu.memory_space<hbm>>
    %dma_wait3A_767 = arith.constant 0 : i32
    %dma_wait3A_768 = arith.constant 0 : i32
    %dma_wait3A_769 = tpu.memref_slice %arg8[%dma_wait3A_753, %dma_wait3A_767, %dma_wait3A_768] : memref<4x50x64xf32, #tpu.memory_space<vmem>> -> memref<1x50x64xf32, #tpu.memory_space<vmem>>
    %dma_wait3A_770 = tpu.memref_squeeze %dma_wait3A_769 : memref<1x50x64xf32, #tpu.memory_space<vmem>> -> memref<50x64xf32, #tpu.memory_space<vmem>>
    tpu.wait_dma2 semaphore(%arg12 : memref<!tpu.dma_semaphore, #tpu.memory_space<semaphore_mem>>) src(%dma_wait3A_770 : memref<50x64xf32, #tpu.memory_space<vmem>>) dst(%dma_wait3A_766 : memref<50x64xf32, #tpu.memory_space<hbm>>)
    %dma_wait3A_771 = arith.constant 1 : i32
    %dma_wait3A_772 = arith.constant 0 : i32
    %dma_wait3A_773 = arith.constant 0 : i32
    %dma_wait3A_774 = arith.constant 0 : i32
    %dma_wait3A_775 = tpu.memref_slice %arg8[%dma_wait3A_771, %dma_wait3A_773, %dma_wait3A_774] : memref<4x50x64xf32, #tpu.memory_space<vmem>> -> memref<1x50x64xf32, #tpu.memory_space<vmem>>
    %dma_wait3A_776 = tpu.memref_squeeze %dma_wait3A_775 : memref<1x50x64xf32, #tpu.memory_space<vmem>> -> memref<50x64xf32, #tpu.memory_space<vmem>>
    %dma_wait3A_777 = arith.constant 0 : i32
    %dma_wait3A_778 = arith.constant 0 : i32
    %dma_wait3A_779 = tpu.memref_slice %arg4[%dma_wait3A_772, %dma_wait3A_777, %dma_wait3A_778] : memref<16384x50x64xf32, #tpu.memory_space<hbm>> -> memref<1x50x64xf32, #tpu.memory_space<hbm>>
    %dma_wait3A_780 = tpu.memref_squeeze %dma_wait3A_779 : memref<1x50x64xf32, #tpu.memory_space<hbm>> -> memref<50x64xf32, #tpu.memory_space<hbm>>
    %dma_wait3A_781 = arith.constant 0 : i32
    %dma_wait3A_782 = arith.constant 0 : i32
    %dma_wait3A_783 = tpu.memref_slice %arg4[%dma_wait3A_772, %dma_wait3A_781, %dma_wait3A_782] : memref<16384x50x64xf32, #tpu.memory_space<hbm>> -> memref<1x50x64xf32, #tpu.memory_space<hbm>>
    %dma_wait3A_784 = tpu.memref_squeeze %dma_wait3A_783 : memref<1x50x64xf32, #tpu.memory_space<hbm>> -> memref<50x64xf32, #tpu.memory_space<hbm>>
    %dma_wait3A_785 = arith.constant 0 : i32
    %dma_wait3A_786 = arith.constant 0 : i32
    %dma_wait3A_787 = tpu.memref_slice %arg8[%dma_wait3A_771, %dma_wait3A_785, %dma_wait3A_786] : memref<4x50x64xf32, #tpu.memory_space<vmem>> -> memref<1x50x64xf32, #tpu.memory_space<vmem>>
    %dma_wait3A_788 = tpu.memref_squeeze %dma_wait3A_787 : memref<1x50x64xf32, #tpu.memory_space<vmem>> -> memref<50x64xf32, #tpu.memory_space<vmem>>
    tpu.wait_dma2 semaphore(%arg12 : memref<!tpu.dma_semaphore, #tpu.memory_space<semaphore_mem>>) src(%dma_wait3A_788 : memref<50x64xf32, #tpu.memory_space<vmem>>) dst(%dma_wait3A_784 : memref<50x64xf32, #tpu.memory_space<hbm>>)
    %dma_wait3A_789 = arith.constant 2 : i32
    %dma_wait3A_790 = arith.constant 0 : i32
    %dma_wait3A_791 = arith.constant 0 : i32
    %dma_wait3A_792 = arith.constant 0 : i32
    %dma_wait3A_793 = tpu.memref_slice %arg8[%dma_wait3A_789, %dma_wait3A_791, %dma_wait3A_792] : memref<4x50x64xf32, #tpu.memory_space<vmem>> -> memref<1x50x64xf32, #tpu.memory_space<vmem>>
    %dma_wait3A_794 = tpu.memref_squeeze %dma_wait3A_793 : memref<1x50x64xf32, #tpu.memory_space<vmem>> -> memref<50x64xf32, #tpu.memory_space<vmem>>
    %dma_wait3A_795 = arith.constant 0 : i32
    %dma_wait3A_796 = arith.constant 0 : i32
    %dma_wait3A_797 = tpu.memref_slice %arg4[%dma_wait3A_790, %dma_wait3A_795, %dma_wait3A_796] : memref<16384x50x64xf32, #tpu.memory_space<hbm>> -> memref<1x50x64xf32, #tpu.memory_space<hbm>>
    %dma_wait3A_798 = tpu.memref_squeeze %dma_wait3A_797 : memref<1x50x64xf32, #tpu.memory_space<hbm>> -> memref<50x64xf32, #tpu.memory_space<hbm>>
    %dma_wait3A_799 = arith.constant 0 : i32
    %dma_wait3A_800 = arith.constant 0 : i32
    %dma_wait3A_801 = tpu.memref_slice %arg4[%dma_wait3A_790, %dma_wait3A_799, %dma_wait3A_800] : memref<16384x50x64xf32, #tpu.memory_space<hbm>> -> memref<1x50x64xf32, #tpu.memory_space<hbm>>
    %dma_wait3A_802 = tpu.memref_squeeze %dma_wait3A_801 : memref<1x50x64xf32, #tpu.memory_space<hbm>> -> memref<50x64xf32, #tpu.memory_space<hbm>>
    %dma_wait3A_803 = arith.constant 0 : i32
    %dma_wait3A_804 = arith.constant 0 : i32
    %dma_wait3A_805 = tpu.memref_slice %arg8[%dma_wait3A_789, %dma_wait3A_803, %dma_wait3A_804] : memref<4x50x64xf32, #tpu.memory_space<vmem>> -> memref<1x50x64xf32, #tpu.memory_space<vmem>>
    %dma_wait3A_806 = tpu.memref_squeeze %dma_wait3A_805 : memref<1x50x64xf32, #tpu.memory_space<vmem>> -> memref<50x64xf32, #tpu.memory_space<vmem>>
    tpu.wait_dma2 semaphore(%arg12 : memref<!tpu.dma_semaphore, #tpu.memory_space<semaphore_mem>>) src(%dma_wait3A_806 : memref<50x64xf32, #tpu.memory_space<vmem>>) dst(%dma_wait3A_802 : memref<50x64xf32, #tpu.memory_space<hbm>>)
    %dma_wait3A_807 = arith.constant 3 : i32
    %dma_wait3A_808 = arith.constant 0 : i32
    %dma_wait3A_809 = arith.constant 0 : i32
    %dma_wait3A_810 = arith.constant 0 : i32
    %dma_wait3A_811 = tpu.memref_slice %arg8[%dma_wait3A_807, %dma_wait3A_809, %dma_wait3A_810] : memref<4x50x64xf32, #tpu.memory_space<vmem>> -> memref<1x50x64xf32, #tpu.memory_space<vmem>>
    %dma_wait3A_812 = tpu.memref_squeeze %dma_wait3A_811 : memref<1x50x64xf32, #tpu.memory_space<vmem>> -> memref<50x64xf32, #tpu.memory_space<vmem>>
    %dma_wait3A_813 = arith.constant 0 : i32
    %dma_wait3A_814 = arith.constant 0 : i32
    %dma_wait3A_815 = tpu.memref_slice %arg4[%dma_wait3A_808, %dma_wait3A_813, %dma_wait3A_814] : memref<16384x50x64xf32, #tpu.memory_space<hbm>> -> memref<1x50x64xf32, #tpu.memory_space<hbm>>
    %dma_wait3A_816 = tpu.memref_squeeze %dma_wait3A_815 : memref<1x50x64xf32, #tpu.memory_space<hbm>> -> memref<50x64xf32, #tpu.memory_space<hbm>>
    %dma_wait3A_817 = arith.constant 0 : i32
    %dma_wait3A_818 = arith.constant 0 : i32
    %dma_wait3A_819 = tpu.memref_slice %arg4[%dma_wait3A_808, %dma_wait3A_817, %dma_wait3A_818] : memref<16384x50x64xf32, #tpu.memory_space<hbm>> -> memref<1x50x64xf32, #tpu.memory_space<hbm>>
    %dma_wait3A_820 = tpu.memref_squeeze %dma_wait3A_819 : memref<1x50x64xf32, #tpu.memory_space<hbm>> -> memref<50x64xf32, #tpu.memory_space<hbm>>
    %dma_wait3A_821 = arith.constant 0 : i32
    %dma_wait3A_822 = arith.constant 0 : i32
    %dma_wait3A_823 = tpu.memref_slice %arg8[%dma_wait3A_807, %dma_wait3A_821, %dma_wait3A_822] : memref<4x50x64xf32, #tpu.memory_space<vmem>> -> memref<1x50x64xf32, #tpu.memory_space<vmem>>
    %dma_wait3A_824 = tpu.memref_squeeze %dma_wait3A_823 : memref<1x50x64xf32, #tpu.memory_space<vmem>> -> memref<50x64xf32, #tpu.memory_space<vmem>>
    tpu.wait_dma2 semaphore(%arg12 : memref<!tpu.dma_semaphore, #tpu.memory_space<semaphore_mem>>) src(%dma_wait3A_824 : memref<50x64xf32, #tpu.memory_space<vmem>>) dst(%dma_wait3A_820 : memref<50x64xf32, #tpu.memory_space<hbm>>)
    return
  }
}

</mosaic_0001>

<sc_bundles>
// kernel: _call.3.cloned.1.call-start
scs
__scs_entry_jumppad:
0x0: {  	(pc) =	sbr.rel $0x88, $3  }
0x1: {  	(tag) =	ssettag $0x0;
	lr =	simm.s32 $0x1  }
0x2: {  	[smem:$0x3F9F] =	sst lr;
	_ =	strace $0xD0000000  }
0x3: {  	_ = 	snop  }
0x4: {  	_ = 	snop  }
0x5: {  	_ = 	snop  }
0x6: {  	_ = 	snop  }
0x7: {  	_ = 	snop  }
__scs_overlays_trampoline_lowered:
0x8: {  	[smem:$0x3FAE] =	sst s0  }
0x9: {  	[smem:$0x3FAF] =	sst s1  }
0xa: {  	[smem:$0x3FB0] =	sst s2  }
0xb: {  	[smem:$0x3FB1] =	sst s3  }
0xc: {  	[smem:$0x3FB2] =	sst s4  }
0xd: {  	[smem:$0x3FB3] =	sst s5  }
0xe: {  	[smem:$0x3FB4] =	sst s6  }
0xf: {  	[smem:$0x3FB5] =	sst s7  }
0x10: {  	[smem:$0x3FB6] =	sst s8  }
0x11: {  	[smem:$0x3FB7] =	sst s9;
	s0 =	simm.s32 @!p0 $0x0  }
0x12: {  	s1 =	sld [smem:$0x3F9D];
	s0 =	simm.s32 @p0 $0x1  }
0x13: {  	[smem:$0x3FB8] =	sst s0;
	s0 =	simm.s32 @!p1 $0x0  }
0x14: {  	s2 =	sld [smem:$0x3F9C];
	s0 =	simm.s32 @p1 $0x1  }
0x15: {  	[smem:$0x3FB9] =	sst s0;
	s0 =	simm.s32 @!p2 $0x0  }
0x16: {  	s3 =	sld [smem:$0x3FDB];
	s0 =	simm.s32 @p2 $0x1  }
0x17: {  	s4 =	simm.s32 $0x1BF5;
	[smem:$0x3FBB] =	sst s0  }
0x18: {  	s0 =	sld [smem:$0x3F9E];
	_ =	swait.ge [sflag:s4], $0x0  }
0x19: {  	s7 =	sld [smem:$0x3F9F]  }
0x1a: {  	s8 =	sadd.s32 $0xFFFFE003, lr  }
0x1b: {  	s9 =	sadd.s32 $0xFFFFFEF7, lr;
	s5 =	simm.s32 $0xFFFFFFFF;
	p2 =	slt.u32 s8, $0xFFFFF086  }
0x1c: {  	p1 =	slt.u32 s9, $0xF7A;
	s5 =	simm.s32 @!p2 $0x0  }
0x1d: {  	s5 =	simm.s32 @p1 $0x1;
	p0 =	seq.s32 s7, s2  }
0x1e: {  	s7 =	smul.u32 @!p0 $0xF7A, s2;
	p2 =	seq.s32 @!p0 s5, $0x0  }
0x1f: {  	s9 =	smul.u32 $0xF7A, s1;
	s8 =	simm.s32 @!p0 $0x1BF5;
	p2 =	por !p2, p0  }
0x20: {  	[sflag:s8] =	ssyncset.s32 @!p0 $0xFFFFF086;
	s6 =	sadd.s32 @!p0 s3, s7;
	s7 =	simm.s32 @!p0 $0x108  }
0x21: {  	s3 =	sadd.s32 s3, s9;
	s6 =	sadd.s32 @!p0 $0x88, s6;
	s7 =	simm.s32 @p2 $0x1082  }
0x22: {  	[simem:s7], [sflag:s8] =	dma.local @!p0 [hbm:s6], $0xF7A  }
0x23: {  	s9 =	sor.u32 $0xD0000000, s2;
	s6 =	simm.s32 $0x108;
	_ =	swait.ge @!p0 [sflag:s8], $0x0  }
0x24: {  	s3 =	sadd.s32 $0x88, s3;
	s6 =	simm.s32 @!p1 $0x1082;
	[sflag:s4] =	ssyncset.s32 $0xFFFFF086  }
0x25: {  	[simem:s6], [sflag:s4] =	dma.local [hbm:s3], $0xF7A  }
0x26: {  	[smem:$0x3F9F] =	sst s1;
	(tag) =	ssettag s2;
	_ =	strace s9  }
0x27: {  	s1 =	sld [smem:$0x3FAF]  }
0x28: {  	s2 =	sld [smem:$0x3FB0]  }
0x29: {  	s4 =	sld [smem:$0x3FB2]  }
0x2a: {  	p0 =	seq.s32 s5, $0x0;
	s5 =	sld [smem:$0x3FB3]  }
0x2b: {  	s6 =	sld [smem:$0x3FB4]  }
0x2c: {  	s7 =	sld [smem:$0x3FB5]  }
0x2d: {  	s3 =	simm.s32 $0x108;
	s8 =	sld [smem:$0x3FB6]  }
0x2e: {  	s3 =	simm.s32 @!p0 $0x1082;
	s9 =	sld [smem:$0x3FB7]  }
0x2f: {  	lr =	sadd.s32 s0, s3;
	s0 =	sld [smem:$0x3FAE]  }
0x30: {  	s3 =	sld [smem:$0x3FB1]  }
0x31: {  	[smem:$0x3FBA] =	sst s10  }
0x32: {  	s10 =	sld [smem:$0x3FB8];
	_ =	sdelay $0x3  }
0x33: {  	p0 =	seq.s32 s10, $0x1;
	s10 =	sld [smem:$0x3FBA];
	_ =	sdelay $0x3  }
0x34: {  	[smem:$0x3FBA] =	sst s10  }
0x35: {  	s10 =	sld [smem:$0x3FB9];
	_ =	sdelay $0x3  }
0x36: {  	p1 =	seq.s32 s10, $0x1;
	s10 =	sld [smem:$0x3FBA];
	_ =	sdelay $0x3  }
0x37: {  	[smem:$0x3FBA] =	sst s10  }
0x38: {  	s10 =	sld [smem:$0x3FBB]  }
0x39: {  	_ = 	snop;
	(pc) =	sbr.ind lr, $3  }
0x3a: {  	_ = 	snop  }
0x3b: {  	_ = 	snop  }
0x3c: {  	p2 =	seq.s32 s10, $0x1;
	s10 =	sld [smem:$0x3FBA]  }
0x3d: {  	_ =	shalt  }
0x3e: {  	_ =	shalt  }
0x3f: {  	_ =	shalt  }
0x40: {  	_ =	shalt  }
0x41: {  	_ =	shalt  }
0x42: {  	_ =	shalt  }
0x43: {  	_ =	shalt  }
0x44: {  	_ =	shalt  }
0x45: {  	_ =	shalt  }
0x46: {  	_ =	shalt  }
0x47: {  	_ =	shalt  }
0x48: {  	_ =	shalt  }
0x49: {  	_ =	shalt  }
0x4a: {  	_ =	shalt  }
0x4b: {  	_ =	shalt  }
0x4c: {  	_ =	shalt  }
0x4d: {  	_ =	shalt  }
0x4e: {  	_ =	shalt  }
0x4f: {  	_ =	shalt  }
0x50: {  	_ =	shalt  }
0x51: {  	_ =	shalt  }
0x52: {  	_ =	shalt  }
0x53: {  	_ =	shalt  }
0x54: {  	_ =	shalt  }
0x55: {  	_ =	shalt  }
0x56: {  	_ =	shalt  }
0x57: {  	_ =	shalt  }
0x58: {  	_ =	shalt  }
0x59: {  	_ =	shalt  }
0x5a: {  	_ =	shalt  }
0x5b: {  	_ =	shalt  }
0x5c: {  	_ =	shalt  }
0x5d: {  	_ =	shalt  }
0x5e: {  	_ =	shalt  }
0x5f: {  	_ =	shalt  }
0x60: {  	_ =	shalt  }
0x61: {  	_ =	shalt  }
0x62: {  	_ =	shalt  }
0x63: {  	_ =	shalt  }
0x64: {  	_ =	shalt  }
0x65: {  	_ =	shalt  }
0x66: {  	_ =	shalt  }
0x67: {  	_ =	shalt  }
0x68: {  	_ =	shalt  }
0x69: {  	_ =	shalt  }
0x6a: {  	_ =	shalt  }
0x6b: {  	_ =	shalt  }
0x6c: {  	_ =	shalt  }
0x6d: {  	_ =	shalt  }
0x6e: {  	_ =	shalt  }
0x6f: {  	_ =	shalt  }
0x70: {  	_ =	shalt  }
0x71: {  	_ =	shalt  }
0x72: {  	_ =	shalt  }
0x73: {  	_ =	shalt  }
0x74: {  	_ =	shalt  }
0x75: {  	_ =	shalt  }
0x76: {  	_ =	shalt  }
0x77: {  	_ =	shalt  }
0x78: {  	_ =	shalt  }
0x79: {  	_ =	shalt  }
0x7a: {  	_ =	shalt  }
0x7b: {  	_ =	shalt  }
0x7c: {  	_ =	shalt  }
0x7d: {  	_ =	shalt  }
0x7e: {  	_ =	shalt  }
0x7f: {  	_ =	shalt  }
0x80: {  	_ =	shalt  }
0x81: {  	_ =	shalt  }
0x82: {  	_ =	shalt  }
0x83: {  	_ =	shalt  }
0x84: {  	_ =	shalt  }
0x85: {  	_ =	shalt  }
0x86: {  	_ =	shalt  }
0x87: {  	_ =	shalt  }
.Lfunc_end0:
.L_simem_size_0:
called_computation.1_lowered:
.L_overlay_start_0:
0x88: {  	s2 =	sld [smem:$0x3FD9]  }
0x89: {  	s3 =	sld [smem:$0x3FFE];
	_ =	sdelay $0x1  }
0x8a: {  	s1 =	srdreg.scid  }
0x8b: {  	s0 =	sand.u32 $0x1, s1  }
0x8c: {  	s17 =	sshll.u32 s0, $0xA;
	s2 =	sadd.s32 s3, s2  }
0x8d: {  	s2 =	sadd.s32 s2, s17  }
0x8e: {  	[smem:$0x3FC6] =	sst s2  }
0x8f: {  	_ = 	snop  }
0x90: {  	s2 =	sld [smem:$0x3FD0];
	(tm) =	ssettm $0x1  }
0x91: {  	s18 =	sld [smem:$0x3FFB];
	_ =	sdelay $0x3  }
0x92: {  	_ =	strace s18  }
0x93: {  	s3 =	sld [smem:$0x3FFC];
	_ =	sdelay $0x3  }
0x94: {  	_ =	strace s3  }
0x95: {  	s3 =	sld [smem:$0x3FFD];
	_ =	sdelay $0x3  }
0x96: {  	_ =	strace s3  }
0x97: {  	_ =	strace $0x8FFFFFFF  }
0x98: {  	s19 =	sld [smem:$0x3FDB];
	_ =	sdelay $0x1  }
0x99: {  	s4 =	simm.s32 $_scs_section_size  }
0x9a: {  	s5 =	simm.s32 $_size__tile_overlayer_lowered;
	s6 =	simm.s32 $_tile_overlayer_lowered  }
0x9b: {  	s22 =	simm.s32 $0x1BFF;
	s21 =	sshll.u32 s6, $0x1;
	s3 =	sadd.s32 s4, s19  }
0x9c: {  	s7 =	simm.s32 $0x0;
	s20 =	sshll.u32 s5, $0x1;
	s5 =	sadd.s32 s21, s3  }
0x9d: {  	[timem:s7], [sflag:s22] =	dma.local [hbm:s5], s20  }
0x9e: {  	_ =	swait.ge [sflag:s22], s20  }
0x9f: {  	s4 =	ssub.s32 $0x0, s20;
	[sflag:s22] =	ssyncset.done $0x0  }
0xa0: {  	[sflag:s22] =	ssyncadd.s32 s4;
	_ =	sdelay $0x1  }
0xa1: {  	s23 =	simm.s32 $0x1B8B  }
0xa2: {  	_ =	swait.ge [sflag:s23], $0x1  }
0xa3: {  	[sflag:s23] =	ssyncset.done $0x0  }
0xa4: {  	s25 =	simm.s32 $0x1B8E;
	s24 =	sld [smem:$0x3FFE];
	[sflag:s23] =	ssyncadd.s32 $0xFFFFFFFF  }
0xa5: {  	s26 =	simm.s32 $execute0_lowered;
	[smem:$0x3FD2] =	sst s25  }
0xa6: {  	s5 =	sshll.u32 s26, $0x1;
	_ =	strace $0x80000046;
	[dreg:$0x1] =	wrdreg $0xFFFFFFFF  }
0xa7: {  	s28 =	simm.s32 $_size_execute0_lowered;
	s3 =	sadd.s32 s3, s5;
	[dreg:$0x0] =	wrdreg $0x0  }
0xa8: {  	s5 =	sshll.u32 s28, $0x1;
	[dreg:$0x2] =	wrdreg s3  }
0xa9: {  	[dreg:$0x3] =	wrdreg s5  }
0xaa: {  	[dreg:$0x4] =	wrdreg $0xC0  }
0xab: {  	_ =	task [dreg:s7], $0x5FFFF  }
0xac: {  	[dreg:$0x1] =	wrdreg $0xFFFFFFFF  }
0xad: {  	[dreg:$0x0] =	wrdreg $0x60  }
0xae: {  	[dreg:$0x2] =	wrdreg s24  }
0xaf: {  	[dreg:$0x3] =	wrdreg s2  }
0xb0: {  	[dreg:$0x4] =	wrdreg $0x9  }
0xb1: {  	_ =	task.clear_ibuf [dreg:s7], $0x5FFFF;
	_ =	strace $0x90000046  }
0xb2: {  	s29 =	simm.s32 $0x9;
	_ =	strace $0x80000048  }
0xb3: {  	_ =	swait.ge [sflag:s29], $0x1  }
0xb4: {  	[sflag:s29] =	ssyncadd.s32 $0xFFFFFFFF  }
0xb5: {  	_ =	strace $0x90000048  }
0xb6: {  	_ =	sfence  }
0xb7: {  	s30 =	sld [smem:$0x0];
	_ =	sdelay $0x2  }
0xb8: {  	s31 =	sshll.u32 s1, $0xD;
	s1 =	sshrl.u32 s1, $0x2  }
0xb9: {  	s3 =	sand.u32 $0x4000, s31;
	s1 =	sadd.s32 s1, s30  }
0xba: {  	s0 =	sor.u32 s3, s0;
	s1 =	sshll.u32 s1, $0x11  }
0xbb: {  	s0 =	sor.u32 s1, s0  }
0xbc: {  	s0 =	sadd.s32 $0x8F2B, s0  }
0xbd: {  	[sflag:s0] =	ssyncadd.remote.s32 $0x1  }
0xbe: {  	_ =	sfence.sel $0xFFFF  }
0xbf: {  	[dreg:$0x0] =	wrdreg $0xFFFFFFFF;
	(pc) =	sbr.abs _section_cstart, $3  }
0xc0: {  	[dreg:$0x1] =	wrdreg $0xFFFFFFFF  }
0xc1: {  	_ =	task.clear_ibuf [dreg:s7], $0x2FFFF;
	_ =	strace $0x9FFFFFFF  }
0xc2: {  	(tm) =	ssettm $0x7FFFFFFF  }
0xc3: {  	_ =	shalt  }
tec
execute0_lowered:
.L_overlay_start_1:
0x0: {  	(tag) =	ssettag $0x1  }
0x1: {  	s15 =	stileid.u32  }
0x2: {  	s0 =	srdreg.scid;
	s20 =	smul.u32 $0x1C00, s15  }
0x3: {  	s1 =	sand.u32 $0x1, s0;
	s24 =	smul.u32 $0xE000, s15  }
0x4: {  	s17 =	smul.u32 $0x190000, s1  }
0x5: {  	s4 =	rddreg [dreg:$0x0];
	s19 =	smul.u32 $0x32000, s1  }
0x6: {  	s26 =	sshll.u32 s15, $0xA;
	s2 =	sshll.u32 s1, $0x9;
	s22 =	smul.u32 $0xE00, s1  }
0x7: {  	s14 =	ssub.s32 $0x2, s1;
	s1 =	smul.u32 $0x7000, s1;
	s5 =	sor.u32 s2, s26  }
0x8: {  	s0 =	rddreg [dreg:$0x1];
	s3 =	sadd.s32 $0xF42E00, s4;
	s6 =	smul.u32 $0x7, s5  }
0x9: {  	s16 =	sadd.s32 $0xA00, s4;
	s7 =	sor.u32 $0x1, s5;
	s13 =	smul.u32 $0x190, s5  }
0xa: {  	s9 =	sor.u32 $0x2, s5;
	s11 =	sor.u32 $0x3, s5;
	s5 =	smul.u32 $0xC80, s5  }
0xb: {  	s2 =	simm.s32 $0x0;
	s28 =	sshrl.u32 s14, $0x1;
	s8 =	smul.u32 $0x7, s7  }
0xc: {  	[smem:$0x7FF] =	sst s2;
	s4 =	ssub.s32 s14, s28;
	s10 =	smul.u32 $0x7, s9  }
0xd: {  	s1 =	sadd.s32 s1, s24;
	s12 =	smul.u32 $0x7, s11;
	_ =	strace $0x80000047  }
0xe: {  	s7 =	smul.u32 $0x190, s7;
	[dreg:$0x3] =	wrdreg s16;
	s14 =	sadd.s32 s16, s6  }
0xf: {  	s9 =	smul.u32 $0x190, s9;
	s8 =	sadd.s32 s16, s8;
	[dreg:$0x4] =	wrdreg s14  }
0x10: {  	s29 =	smul.u32 $0x190, s11;
	s10 =	sadd.s32 s16, s10;
	[dreg:$0x5] =	wrdreg s8  }
0x11: {  	s5 =	sshrl.u32 s5, $0x3;
	s11 =	sadd.s32 s16, s12;
	[dreg:$0x6] =	wrdreg s10  }
0x12: {  	s12 =	sadd.s32 s0, s13;
	s13 =	smul.u32 $0x64000, s15;
	[dreg:$0x7] =	wrdreg s11  }
0x13: {  	s7 =	sadd.s32 s0, s7;
	s16 =	smul.u32 $0x320000, s15;
	[dreg:$0x8] =	wrdreg s12  }
0x14: {  	s9 =	sadd.s32 s0, s9;
	s5 =	sadd.s32 s0, s5;
	[dreg:$0x9] =	wrdreg s7  }
0x15: {  	s6 =	sadd.s32 s0, s29;
	s29 =	sadd.s32 s22, s20;
	[dreg:$0xa] =	wrdreg s9  }
0x16: {  	s15 =	smax.u32 s4, $0x1;
	s20 =	sor.u32 $0x310, s1;
	[dreg:$0xb] =	wrdreg s6  }
0x17: {  	s22 =	sadd.s32 $0x23, s14;
	s24 =	sadd.s32 $0x31, s14;
	[dreg:$0x11] =	wrdreg s29  }
0x18: {  	s4 =	simm.s32 $0xA8;
	s18 =	sadd.s32 $0x319C0, s5;
	[dreg:$0x18] =	wrdreg s15  }
0x19: {  	s11 =	sadd.s32 $0x31B50, s5;
	s12 =	sadd.s32 $0x31CE0, s5;
	[dreg:$0x1d] =	wrdreg s22  }
0x1a: {  	s30 =	sshrl.u32 s20, $0x3;
	[dreg:$0x1f] =	wrdreg s24;
	s29 =	sadd.s32 $0x4D, s14  }
0x1b: {  	s22 =	simm.s32 $0x5;
	s24 =	simm.s32 $0x1C0;
	[dreg:$0xc] =	wrdreg s18  }
0x1c: {  	s15 =	simm.s32 $0x4CC0;
	s20 =	simm.s32 $0x0;
	[dreg:$0x15] =	wrdreg s11  }
0x1d: {  	s8 =	sadd.s32 s13, s0;
	s7 =	sadd.s32 s17, s16;
	[dreg:$0x16] =	wrdreg s12  }
0x1e: {  	s13 =	sadd.s32 $0x31E70, s5;
	s16 =	sor.u32 $0x428, s1;
	s17 =	sor.u32 $0x3F0, s1  }
0x1f: {  	[smem:$0x7FD] =	sst s29;
	s12 =	simm.s32 $0x38;
	s11 =	simm.s32 $0x1  }
0x20: {  	s5 =	simm.s32 $0x33C0;
	s6 =	sadd.s32 s19, s8;
	s21 =	sor.u32 $0x5780, s7  }
0x21: {  	s23 =	sor.u32 $0x4B00, s7;
	s25 =	sor.u32 $0x3E80, s7;
	s8 =	sor.u32 $0x8980, s7  }
0x22: {  	s9 =	sor.u32 $0x7D00, s7;
	s7 =	sor.u32 $0x7080, s7;
	[dreg:$0x17] =	wrdreg s13  }
0x23: {  	s18 =	sshrl.u32 s17, $0x3;
	s19 =	sor.u32 $0x348, s1;
	s1 =	sor.u32 $0x2D8, s1  }
0x24: {  	s13 =	simm.s32 $0x70;
	s17 =	simm.s32 $0x2;
	[dreg:$0xd] =	wrdreg s6  }
0x25: {  	s6 =	sshrl.u32 s21, $0x3;
	s10 =	sshrl.u32 s23, $0x3;
	s28 =	sshrl.u32 s25, $0x3  }
0x26: {  	s7 =	sshrl.u32 s7, $0x3;
	[dreg:$0x1a] =	wrdreg s18;
	s21 =	sadd.s32 $0x1C, s14  }
0x27: {  	s31 =	sshrl.u32 s1, $0x3;
	s23 =	sadd.s32 $0x2A, s14;
	[dreg:$0x1c] =	wrdreg s21  }
0x28: {  	s25 =	sadd.s32 $0x38, s14;
	s1 =	simm.s32 $0x1AC0;
	[dreg:$0x1e] =	wrdreg s23  }
0x29: {  	s18 =	simm.s32 $0x3;
	s6 =	sadd.s32 s6, s0;
	[smem:$0x7FA] =	sst s25  }
0x2a: {  	s26 =	sadd.s32 s10, s0;
	s23 =	simm.s32 $0x32;
	[dreg:$0xe] =	wrdreg s6  }
0x2b: {  	s25 =	simm.s32 $0xE40;
	[dreg:$0xf] =	wrdreg s26;
	s6 =	sadd.s32 s28, s0  }
0x2c: {  	s26 =	sadd.s32 $0x3F, s14;
	s28 =	sadd.s32 $0x46, s14;
	[dreg:$0x10] =	wrdreg s6  }
0x2d: {  	s14 =	simm.s32 $0x4040;
	s6 =	sshrl.u32 s8, $0x3;
	[smem:$0x7FB] =	sst s26  }
0x2e: {  	s8 =	sshrl.u32 s9, $0x3;
	[smem:$0x7FC] =	sst s28;
	s9 =	simm.s32 $0x188  }
0x2f: {  	s26 =	simm.s32 $0x4;
	s6 =	sadd.s32 s6, s0;
	s10 =	sadd.s32 s8, s0  }
.Ltmp0:
0x30: {  	s0 =	sadd.s32 s7, s0;
	[dreg:$0x12] =	wrdreg s6;
	(pc) =	sbr.rel .LBB2_1-.Ltmp0, $4  }
0x31: {  	s7 =	simm.s32 $0x118;
	s8 =	simm.s32 $0x150;
	[dreg:$0x13] =	wrdreg s10  }
0x32: {  	[dreg:$0x14] =	wrdreg s0;
	s0 =	sshrl.u32 s16, $0x3;
	s6 =	simm.s32 $0xE0  }
0x33: {  	s10 =	simm.s32 $0x6;
	[dreg:$0x19] =	wrdreg s0;
	s0 =	sshrl.u32 s19, $0x3  }
0x34: {  	s16 =	simm.s32 $0x5940;
	[dreg:$0x1b] =	wrdreg s0;
	s0 =	simm.s32 $0x2740  }
.LBB2_4:
0x35: {  	_ =	swait.ge [sflag:s17], $0xC80  }
0x36: {  	[sflag:s17] =	ssyncset.done $0x0  }
0x37: {  	[sflag:s17] =	ssyncadd.s32 $0xFFFFF380  }
0x38: {  	_ =	swait.ge [sflag:s17], $0xC80  }
0x39: {  	[sflag:s17] =	ssyncset.done $0x0  }
0x3a: {  	[sflag:s17] =	ssyncadd.s32 $0xFFFFF380  }
0x3b: {  	_ =	swait.ge [sflag:s17], $0xC80  }
0x3c: {  	[sflag:s17] =	ssyncset.done $0x0  }
0x3d: {  	[sflag:s17] =	ssyncadd.s32 $0xFFFFF380  }
0x3e: {  	_ =	swait.ge [sflag:s17], $0xC80  }
0x3f: {  	[sflag:s17] =	ssyncset.done $0x0  }
0x40: {  	s19 =	rddreg [dreg:$0xc];
	[sflag:s17] =	ssyncadd.s32 $0xFFFFF380  }
0x41: {  	[hbm4b:s19+s2] =	stream.linear.scatter [tilespmem:s5], [sflag:$0x4], $0xC80, $0x38;
	[tilespmem:$0x65C0] =	vst v63  }
0x42: {  	s20 =	rddreg [dreg:$0x15]  }
0x43: {  	[hbm4b:s20+s2] =	stream.linear.scatter [tilespmem:s14], [sflag:$0x4], $0xC80, $0x38;
	[tilespmem:$0x65C0] =	vst v63  }
0x44: {  	s21 =	rddreg [dreg:$0x16]  }
0x45: {  	[hbm4b:s21+s2] =	stream.linear.scatter [tilespmem:s15], [sflag:$0x4], $0xC80, $0x38;
	[tilespmem:$0x65C0] =	vst v63  }
0x46: {  	s28 =	rddreg [dreg:$0x17]  }
0x47: {  	[hbm4b:s28+s2] =	stream.linear.scatter [tilespmem:s16], [sflag:$0x4], $0xC80, $0x38;
	[tilespmem:$0x65C0] =	vst v63  }
0x48: {  	_ =	swait.ge [sflag:s18], $0xC80  }
0x49: {  	[sflag:s18] =	ssyncset.done $0x0  }
0x4a: {  	[sflag:s18] =	ssyncadd.s32 $0xFFFFF380  }
0x4b: {  	_ =	swait.ge [sflag:s18], $0xC80  }
0x4c: {  	[sflag:s18] =	ssyncset.done $0x0  }
0x4d: {  	[sflag:s18] =	ssyncadd.s32 $0xFFFFF380  }
0x4e: {  	_ =	swait.ge [sflag:s18], $0xC80  }
0x4f: {  	[sflag:s18] =	ssyncset.done $0x0  }
0x50: {  	[sflag:s18] =	ssyncadd.s32 $0xFFFFF380  }
0x51: {  	_ =	swait.ge [sflag:s18], $0xC80  }
0x52: {  	[sflag:s18] =	ssyncset.done $0x0  }
0x53: {  	[sflag:s18] =	ssyncadd.s32 $0xFFFFF380  }
0x54: {  	_ =	swait.ge [sflag:s26], $0xC80  }
0x55: {  	[sflag:s26] =	ssyncset.done $0x0  }
0x56: {  	[sflag:s26] =	ssyncadd.s32 $0xFFFFF380  }
0x57: {  	_ =	swait.ge [sflag:s26], $0xC80  }
0x58: {  	[sflag:s26] =	ssyncset.done $0x0  }
0x59: {  	[sflag:s26] =	ssyncadd.s32 $0xFFFFF380  }
0x5a: {  	_ =	swait.ge [sflag:s26], $0xC80  }
0x5b: {  	[sflag:s26] =	ssyncset.done $0x0  }
0x5c: {  	[sflag:s26] =	ssyncadd.s32 $0xFFFFF380  }
0x5d: {  	_ =	swait.ge [sflag:s26], $0xC80  }
0x5e: {  	s20 =	sld [smem:$0x7F9];
	_ =	sdelay $0x2  }
0x5f: {  	s29 =	rddreg [dreg:$0x18];
	s20 =	sadd.s32 $0x1, s20  }
0x60: {  	p0 =	sne.s32 s20, s29  }
.Ltmp1:
0x61: {  	_ = 	snop;
	(pc) =	sbr.rel @!p0 .LBB2_5-.Ltmp1, $3  }
0x62: {  	_ =	sdelay $0x1  }
0x63: {  	[sflag:s26] =	ssyncset.done $0x0  }
0x64: {  	[sflag:s26] =	ssyncadd.s32 $0xFFFFF380  }
.LBB2_1:
0x65: {  	[smem:$0x7F9] =	sst s20  }
0x66: {  	s19 =	rddreg [dreg:$0x4]  }
0x67: {  	[tilespmem:s2], [sflag:$0x5] =	stream.linear.gather [hbm4b:s19+s2], $0x38, $0x38;
	[tilespmem:$0x65C0] =	vst v63  }
0x68: {  	s20 =	rddreg [dreg:$0x5]  }
0x69: {  	[tilespmem:s12], [sflag:$0x5] =	stream.linear.gather [hbm4b:s20+s2], $0x38, $0x38;
	[tilespmem:$0x65C0] =	vst v63  }
0x6a: {  	s21 =	rddreg [dreg:$0x6]  }
0x6b: {  	[tilespmem:s13], [sflag:$0x5] =	stream.linear.gather [hbm4b:s21+s2], $0x38, $0x38;
	[tilespmem:$0x65C0] =	vst v63  }
0x6c: {  	s29 =	rddreg [dreg:$0x7]  }
0x6d: {  	[tilespmem:s4], [sflag:$0x5] =	stream.linear.gather [hbm4b:s29+s2], $0x38, $0x38;
	[tilespmem:$0x65C0] =	vst v63  }
0x6e: {  	_ =	swait.ge [sflag:s22], $0x38  }
0x6f: {  	[sflag:s22] =	ssyncset.done $0x0  }
0x70: {  	[sflag:s22] =	ssyncadd.s32 $0xFFFFFFC8  }
0x71: {  	_ =	swait.ge [sflag:s22], $0x38  }
0x72: {  	[sflag:s22] =	ssyncset.done $0x0  }
0x73: {  	[sflag:s22] =	ssyncadd.s32 $0xFFFFFFC8  }
0x74: {  	_ =	swait.ge [sflag:s22], $0x38  }
0x75: {  	[sflag:s22] =	ssyncset.done $0x0  }
0x76: {  	[sflag:s22] =	ssyncadd.s32 $0xFFFFFFC8  }
0x77: {  	_ =	swait.ge [sflag:s22], $0x38  }
0x78: {  	[sflag:s22] =	ssyncset.done $0x0  }
0x79: {  	[sflag:s22] =	ssyncadd.s32 $0xFFFFFFC8  }
0x7a: {  	[tilespmem:s24], [sflag:$0x1] =	stream.indirect.gather [hbm4b:s3+s23], $0x40, s2, s23, $0xb8;
	[tilespmem:$0x65C0] =	vst v63  }
0x7b: {  	_ = 	snop  }
0x7c: {  	[tilespmem:s25], [sflag:$0x1] =	stream.indirect.gather [hbm4b:s3+s23], $0x40, s12, s23, $0xb8;
	[tilespmem:$0x65C0] =	vst v63  }
0x7d: {  	_ = 	snop  }
0x7e: {  	[tilespmem:s1], [sflag:$0x1] =	stream.indirect.gather [hbm4b:s3+s23], $0x40, s13, s23, $0xb8;
	[tilespmem:$0x65C0] =	vst v63  }
0x7f: {  	_ = 	snop  }
0x80: {  	[tilespmem:s0], [sflag:$0x1] =	stream.indirect.gather [hbm4b:s3+s23], $0x40, s4, s23, $0xb8;
	[tilespmem:$0x65C0] =	vst v63  }
0x81: {  	s20 =	rddreg [dreg:$0x1c]  }
0x82: {  	[tilespmem:s6], [sflag:$0x6] =	stream.linear.gather [hbm4b:s20+s2], $0x38, $0x38;
	[tilespmem:$0x65C0] =	vst v63  }
0x83: {  	s21 =	rddreg [dreg:$0x1d]  }
0x84: {  	[tilespmem:s7], [sflag:$0x6] =	stream.linear.gather [hbm4b:s21+s2], $0x38, $0x38;
	[tilespmem:$0x65C0] =	vst v63  }
0x85: {  	s29 =	rddreg [dreg:$0x1e]  }
0x86: {  	[tilespmem:s8], [sflag:$0x6] =	stream.linear.gather [hbm4b:s29+s2], $0x38, $0x38;
	[tilespmem:$0x65C0] =	vst v63  }
0x87: {  	s20 =	rddreg [dreg:$0x1f]  }
0x88: {  	[tilespmem:s9], [sflag:$0x6] =	stream.linear.gather [hbm4b:s20+s2], $0x38, $0x38;
	[tilespmem:$0x65C0] =	vst v63  }
0x89: {  	_ =	swait.ge [sflag:s10], $0x38  }
0x8a: {  	[sflag:s10] =	ssyncset.done $0x0  }
0x8b: {  	[sflag:s10] =	ssyncadd.s32 $0xFFFFFFC8  }
0x8c: {  	_ =	swait.ge [sflag:s10], $0x38  }
0x8d: {  	[sflag:s10] =	ssyncset.done $0x0  }
0x8e: {  	[sflag:s10] =	ssyncadd.s32 $0xFFFFFFC8  }
0x8f: {  	_ =	swait.ge [sflag:s10], $0x38  }
0x90: {  	[sflag:s10] =	ssyncset.done $0x0  }
0x91: {  	[sflag:s10] =	ssyncadd.s32 $0xFFFFFFC8  }
0x92: {  	_ =	swait.ge [sflag:s10], $0x38  }
0x93: {  	[sflag:s10] =	ssyncset.done $0x0  }
0x94: {  	[sflag:s10] =	ssyncadd.s32 $0xFFFFFFC8  }
0x95: {  	_ =	swait.ge [sflag:s11], $0xC80  }
0x96: {  	[sflag:s11] =	ssyncset.done $0x0  }
0x97: {  	[sflag:s11] =	ssyncadd.s32 $0xFFFFF380  }
0x98: {  	_ =	swait.ge [sflag:s11], $0xC80  }
0x99: {  	[sflag:s11] =	ssyncset.done $0x0  }
0x9a: {  	[sflag:s11] =	ssyncadd.s32 $0xFFFFF380  }
0x9b: {  	_ =	swait.ge [sflag:s11], $0xC80  }
0x9c: {  	[sflag:s11] =	ssyncset.done $0x0  }
0x9d: {  	[sflag:s11] =	ssyncadd.s32 $0xFFFFF380  }
0x9e: {  	_ =	swait.ge [sflag:s11], $0xC80  }
0x9f: {  	[sflag:s11] =	ssyncset.done $0x0  }
0xa0: {  	s21 =	rddreg [dreg:$0x8];
	[sflag:s11] =	ssyncadd.s32 $0xFFFFF380  }
0xa1: {  	[hbm4b:s21+s2] =	stream.linear.scatter [tilespmem:s24], [sflag:$0x3], $0xC80, $0x38;
	[tilespmem:$0x65C0] =	vst v63  }
0xa2: {  	s29 =	rddreg [dreg:$0x9]  }
0xa3: {  	[hbm4b:s29+s2] =	stream.linear.scatter [tilespmem:s25], [sflag:$0x3], $0xC80, $0x38;
	[tilespmem:$0x65C0] =	vst v63  }
0xa4: {  	s20 =	rddreg [dreg:$0xa]  }
0xa5: {  	[hbm4b:s20+s2] =	stream.linear.scatter [tilespmem:s1], [sflag:$0x3], $0xC80, $0x38;
	[tilespmem:$0x65C0] =	vst v63  }
0xa6: {  	s21 =	rddreg [dreg:$0xb]  }
0xa7: {  	[hbm4b:s21+s2] =	stream.linear.scatter [tilespmem:s0], [sflag:$0x3], $0xC80, $0x38;
	[tilespmem:$0x65C0] =	vst v63  }
0xa8: {  	_ = 	snop  }
0xa9: {  	[tilespmem:s5], [sflag:$0x2] =	stream.indirect.gather [hbm4b:s3+s23], $0x40, s6, s23, $0xb8;
	[tilespmem:$0x65C0] =	vst v63  }
0xaa: {  	_ = 	snop  }
0xab: {  	[tilespmem:s14], [sflag:$0x2] =	stream.indirect.gather [hbm4b:s3+s23], $0x40, s7, s23, $0xb8;
	[tilespmem:$0x65C0] =	vst v63  }
0xac: {  	_ = 	snop  }
0xad: {  	[tilespmem:s15], [sflag:$0x2] =	stream.indirect.gather [hbm4b:s3+s23], $0x40, s8, s23, $0xb8;
	[tilespmem:$0x65C0] =	vst v63  }
0xae: {  	s29 =	sld [smem:$0x7FA]  }
0xaf: {  	[tilespmem:s16], [sflag:$0x2] =	stream.indirect.gather [hbm4b:s3+s23], $0x40, s9, s23, $0xb8;
	[tilespmem:$0x65C0] =	vst v63  }
0xb0: {  	s20 =	sld [smem:$0x7FB]  }
0xb1: {  	[tilespmem:s2], [sflag:$0x5] =	stream.linear.gather [hbm4b:s29+s2], $0x38, $0x38;
	[tilespmem:$0x65C0] =	vst v63  }
0xb2: {  	s21 =	sld [smem:$0x7FC]  }
0xb3: {  	[tilespmem:s12], [sflag:$0x5] =	stream.linear.gather [hbm4b:s20+s2], $0x38, $0x38;
	[tilespmem:$0x65C0] =	vst v63  }
0xb4: {  	s29 =	sld [smem:$0x7FD]  }
0xb5: {  	[tilespmem:s13], [sflag:$0x5] =	stream.linear.gather [hbm4b:s21+s2], $0x38, $0x38;
	[tilespmem:$0x65C0] =	vst v63  }
0xb6: {  	s28 =	simm.s32 $0x0;
	s19 =	rddreg [dreg:$0x3]  }
0xb7: {  	[tilespmem:s4], [sflag:$0x5] =	stream.linear.gather [hbm4b:s29+s2], $0x38, $0x38;
	[tilespmem:$0x65C0] =	vst v63  }
.LBB2_2:
0xb8: {  	_ =	swait.ge [sflag:s22], $0x38  }
0xb9: {  	[sflag:s22] =	ssyncset.done $0x0  }
0xba: {  	[sflag:s22] =	ssyncadd.s32 $0xFFFFFFC8  }
0xbb: {  	_ =	swait.ge [sflag:s22], $0x38  }
0xbc: {  	[sflag:s22] =	ssyncset.done $0x0  }
0xbd: {  	[sflag:s22] =	ssyncadd.s32 $0xFFFFFFC8  }
0xbe: {  	_ =	swait.ge [sflag:s22], $0x38  }
0xbf: {  	[sflag:s22] =	ssyncset.done $0x0  }
0xc0: {  	[sflag:s22] =	ssyncadd.s32 $0xFFFFFFC8  }
0xc1: {  	_ =	swait.ge [sflag:s22], $0x38  }
0xc2: {  	[sflag:s22] =	ssyncset.done $0x0  }
0xc3: {  	[sflag:s22] =	ssyncadd.s32 $0xFFFFFFC8  }
0xc4: {  	_ =	swait.ge [sflag:s17], $0xC80  }
0xc5: {  	[sflag:s17] =	ssyncset.done $0x0  }
0xc6: {  	[sflag:s17] =	ssyncadd.s32 $0xFFFFF380  }
0xc7: {  	_ =	swait.ge [sflag:s17], $0xC80  }
0xc8: {  	[sflag:s17] =	ssyncset.done $0x0  }
0xc9: {  	[sflag:s17] =	ssyncadd.s32 $0xFFFFF380  }
0xca: {  	_ =	swait.ge [sflag:s17], $0xC80  }
0xcb: {  	[sflag:s17] =	ssyncset.done $0x0  }
0xcc: {  	[sflag:s17] =	ssyncadd.s32 $0xFFFFF380  }
0xcd: {  	_ =	swait.ge [sflag:s17], $0xC80  }
0xce: {  	s20 =	rddreg [dreg:$0xd]  }
0xcf: {  	[sflag:s17] =	ssyncset.done $0x0;
	s21 =	sadd.s32 s28, s20  }
0xd0: {  	s29 =	rddreg [dreg:$0x10];
	[sflag:s17] =	ssyncadd.s32 $0xFFFFF380;
	s20 =	sadd.s32 $0x640, s21  }
0xd1: {  	[hbm4b:s20+s2] =	stream.linear.scatter [tilespmem:s5], [sflag:$0x4], $0xC80, $0x38;
	[tilespmem:$0x65C0] =	vst v63  }
0xd2: {  	s20 =	sadd.s32 s28, s29;
	s29 =	rddreg [dreg:$0xf]  }
0xd3: {  	[hbm4b:s20+s2] =	stream.linear.scatter [tilespmem:s14], [sflag:$0x4], $0xC80, $0x38;
	[tilespmem:$0x65C0] =	vst v63  }
0xd4: {  	s20 =	sadd.s32 s28, s29;
	s29 =	rddreg [dreg:$0xe]  }
0xd5: {  	[hbm4b:s20+s2] =	stream.linear.scatter [tilespmem:s15], [sflag:$0x4], $0xC80, $0x38;
	[tilespmem:$0x65C0] =	vst v63  }
0xd6: {  	s20 =	sadd.s32 s28, s29  }
0xd7: {  	[hbm4b:s20+s2] =	stream.linear.scatter [tilespmem:s16], [sflag:$0x4], $0xC80, $0x38;
	[tilespmem:$0x65C0] =	vst v63  }
0xd8: {  	_ =	swait.ge [sflag:s18], $0xC80  }
0xd9: {  	[sflag:s18] =	ssyncset.done $0x0  }
0xda: {  	[sflag:s18] =	ssyncadd.s32 $0xFFFFF380  }
0xdb: {  	_ =	swait.ge [sflag:s18], $0xC80  }
0xdc: {  	[sflag:s18] =	ssyncset.done $0x0  }
0xdd: {  	[sflag:s18] =	ssyncadd.s32 $0xFFFFF380  }
0xde: {  	_ =	swait.ge [sflag:s18], $0xC80  }
0xdf: {  	[sflag:s18] =	ssyncset.done $0x0  }
0xe0: {  	[sflag:s18] =	ssyncadd.s32 $0xFFFFF380  }
0xe1: {  	_ =	swait.ge [sflag:s18], $0xC80  }
0xe2: {  	[sflag:s18] =	ssyncset.done $0x0  }
0xe3: {  	[sflag:s18] =	ssyncadd.s32 $0xFFFFF380  }
0xe4: {  	[tilespmem:s24], [sflag:$0x1] =	stream.indirect.gather [hbm4b:s3+s23], $0x40, s2, s23, $0xb8;
	[tilespmem:$0x65C0] =	vst v63  }
0xe5: {  	_ = 	snop  }
0xe6: {  	[tilespmem:s25], [sflag:$0x1] =	stream.indirect.gather [hbm4b:s3+s23], $0x40, s12, s23, $0xb8;
	[tilespmem:$0x65C0] =	vst v63  }
0xe7: {  	s29 =	rddreg [dreg:$0x11]  }
0xe8: {  	[tilespmem:s1], [sflag:$0x1] =	stream.indirect.gather [hbm4b:s3+s23], $0x40, s13, s23, $0xb8;
	[tilespmem:$0x65C0] =	vst v63  }
0xe9: {  	s20 =	sadd.s32 s19, s29  }
0xea: {  	[tilespmem:s0], [sflag:$0x1] =	stream.indirect.gather [hbm4b:s3+s23], $0x40, s4, s23, $0xb8;
	[tilespmem:$0x65C0] =	vst v63  }
0xeb: {  	s29 =	sadd.s32 $0x54, s20  }
0xec: {  	[tilespmem:s6], [sflag:$0x6] =	stream.linear.gather [hbm4b:s29+s2], $0x38, $0x38;
	[tilespmem:$0x65C0] =	vst v63  }
0xed: {  	s29 =	sadd.s32 s19, s31  }
0xee: {  	[tilespmem:s7], [sflag:$0x6] =	stream.linear.gather [hbm4b:s29+s2], $0x38, $0x38;
	[tilespmem:$0x65C0] =	vst v63  }
0xef: {  	s29 =	sadd.s32 s19, s30  }
0xf0: {  	[tilespmem:s8], [sflag:$0x6] =	stream.linear.gather [hbm4b:s29+s2], $0x38, $0x38;
	[tilespmem:$0x65C0] =	vst v63  }
0xf1: {  	s29 =	rddreg [dreg:$0x1b]  }
0xf2: {  	s29 =	sadd.s32 s19, s29  }
0xf3: {  	[tilespmem:s9], [sflag:$0x6] =	stream.linear.gather [hbm4b:s29+s2], $0x38, $0x38;
	[tilespmem:$0x65C0] =	vst v63  }
0xf4: {  	_ =	swait.ge [sflag:s10], $0x38  }
0xf5: {  	[sflag:s10] =	ssyncset.done $0x0  }
0xf6: {  	[sflag:s10] =	ssyncadd.s32 $0xFFFFFFC8  }
0xf7: {  	_ =	swait.ge [sflag:s10], $0x38  }
0xf8: {  	[sflag:s10] =	ssyncset.done $0x0  }
0xf9: {  	[sflag:s10] =	ssyncadd.s32 $0xFFFFFFC8  }
0xfa: {  	_ =	swait.ge [sflag:s10], $0x38  }
0xfb: {  	[sflag:s10] =	ssyncset.done $0x0  }
0xfc: {  	[sflag:s10] =	ssyncadd.s32 $0xFFFFFFC8  }
0xfd: {  	_ =	swait.ge [sflag:s10], $0x38  }
0xfe: {  	[sflag:s10] =	ssyncset.done $0x0  }
0xff: {  	[sflag:s10] =	ssyncadd.s32 $0xFFFFFFC8  }
0x100: {  	_ =	swait.ge [sflag:s11], $0xC80  }
0x101: {  	[sflag:s11] =	ssyncset.done $0x0  }
0x102: {  	[sflag:s11] =	ssyncadd.s32 $0xFFFFF380  }
0x103: {  	_ =	swait.ge [sflag:s11], $0xC80  }
0x104: {  	[sflag:s11] =	ssyncset.done $0x0  }
0x105: {  	[sflag:s11] =	ssyncadd.s32 $0xFFFFF380  }
0x106: {  	_ =	swait.ge [sflag:s11], $0xC80  }
0x107: {  	[sflag:s11] =	ssyncset.done $0x0  }
0x108: {  	[sflag:s11] =	ssyncadd.s32 $0xFFFFF380  }
0x109: {  	_ =	swait.ge [sflag:s11], $0xC80  }
0x10a: {  	[sflag:s11] =	ssyncset.done $0x0  }
0x10b: {  	s21 =	sadd.s32 $0xC80, s21;
	s29 =	rddreg [dreg:$0x14];
	[sflag:s11] =	ssyncadd.s32 $0xFFFFF380  }
0x10c: {  	[hbm4b:s21+s2] =	stream.linear.scatter [tilespmem:s24], [sflag:$0x3], $0xC80, $0x38;
	[tilespmem:$0x65C0] =	vst v63  }
0x10d: {  	s21 =	sadd.s32 s28, s29;
	s29 =	rddreg [dreg:$0x13]  }
0x10e: {  	[hbm4b:s21+s2] =	stream.linear.scatter [tilespmem:s25], [sflag:$0x3], $0xC80, $0x38;
	[tilespmem:$0x65C0] =	vst v63  }
0x10f: {  	s21 =	sadd.s32 s28, s29;
	s29 =	rddreg [dreg:$0x12]  }
0x110: {  	[hbm4b:s21+s2] =	stream.linear.scatter [tilespmem:s1], [sflag:$0x3], $0xC80, $0x38;
	[tilespmem:$0x65C0] =	vst v63  }
0x111: {  	s21 =	sadd.s32 s28, s29  }
0x112: {  	[hbm4b:s21+s2] =	stream.linear.scatter [tilespmem:s0], [sflag:$0x3], $0xC80, $0x38;
	[tilespmem:$0x65C0] =	vst v63  }
0x113: {  	_ =	swait.ge [sflag:s26], $0xC80  }
0x114: {  	[sflag:s26] =	ssyncset.done $0x0  }
0x115: {  	[sflag:s26] =	ssyncadd.s32 $0xFFFFF380  }
0x116: {  	_ =	swait.ge [sflag:s26], $0xC80  }
0x117: {  	[sflag:s26] =	ssyncset.done $0x0  }
0x118: {  	[sflag:s26] =	ssyncadd.s32 $0xFFFFF380  }
0x119: {  	_ =	swait.ge [sflag:s26], $0xC80  }
0x11a: {  	[sflag:s26] =	ssyncset.done $0x0  }
0x11b: {  	[sflag:s26] =	ssyncadd.s32 $0xFFFFF380  }
0x11c: {  	_ =	swait.ge [sflag:s26], $0xC80  }
0x11d: {  	[sflag:s26] =	ssyncset.done $0x0  }
0x11e: {  	[sflag:s26] =	ssyncadd.s32 $0xFFFFF380  }
0x11f: {  	[tilespmem:s5], [sflag:$0x2] =	stream.indirect.gather [hbm4b:s3+s23], $0x40, s6, s23, $0xb8;
	[tilespmem:$0x65C0] =	vst v63  }
0x120: {  	p0 =	seq.s32 s28, $0x30700  }
0x121: {  	[tilespmem:s14], [sflag:$0x2] =	stream.indirect.gather [hbm4b:s3+s23], $0x40, s7, s23, $0xb8;
	[tilespmem:$0x65C0] =	vst v63  }
.Ltmp2:
0x122: {  	_ = 	snop;
	(pc) =	sbr.rel @p0 .LBB2_4-.Ltmp2, $4  }
0x123: {  	_ = 	snop  }
0x124: {  	[tilespmem:s15], [sflag:$0x2] =	stream.indirect.gather [hbm4b:s3+s23], $0x40, s8, s23, $0xb8;
	[tilespmem:$0x65C0] =	vst v63  }
0x125: {  	_ = 	snop  }
0x126: {  	[tilespmem:s16], [sflag:$0x2] =	stream.indirect.gather [hbm4b:s3+s23], $0x40, s9, s23, $0xb8;
	[tilespmem:$0x65C0] =	vst v63  }
0x127: {  	s21 =	sadd.s32 $0x70, s20  }
0x128: {  	[tilespmem:s2], [sflag:$0x5] =	stream.linear.gather [hbm4b:s21+s2], $0x38, $0x38;
	[tilespmem:$0x65C0] =	vst v63  }
0x129: {  	s29 =	sadd.s32 $0x77, s20  }
0x12a: {  	[tilespmem:s12], [sflag:$0x5] =	stream.linear.gather [hbm4b:s29+s2], $0x38, $0x38;
	[tilespmem:$0x65C0] =	vst v63  }
.Ltmp3:
0x12b: {  	s21 =	rddreg [dreg:$0x1a];
	(pc) =	sbr.rel .LBB2_2-.Ltmp3, $4  }
0x12c: {  	s20 =	sadd.s32 s19, s21;
	s29 =	rddreg [dreg:$0x19]  }
0x12d: {  	[tilespmem:s13], [sflag:$0x5] =	stream.linear.gather [hbm4b:s20+s2], $0x38, $0x38;
	[tilespmem:$0x65C0] =	vst v63  }
0x12e: {  	s28 =	sadd.s32 $0xC80, s28;
	s20 =	sadd.s32 s19, s29;
	s19 =	sadd.s32 $0x38, s19  }
0x12f: {  	[tilespmem:s4], [sflag:$0x5] =	stream.linear.gather [hbm4b:s20+s2], $0x38, $0x38;
	[tilespmem:$0x65C0] =	vst v63  }
.LBB2_5:
0x130: {  	_ =	sfence.sel $0x180000  }
0x131: {  	[bflag:$0x0] =	sbarrier.arrive $0xFFFF  }
0x132: {  	_ =	strace $0x90000047  }
0x133: {  	s0 =	stileid.u32;
	[bflag:$0x2] =	sbarrier.arrive $0xFFFF  }
0x134: {  	p0 =	sne.s32 s0, $0x0;
	s0 =	rddreg [dreg:$0x2]  }
0x135: {  	s0 =	sadd.s32 @!p0 $0x100000, s0  }
0x136: {  	[sflag:s0] =	ssyncadd.tile.s32 @!p0 $0x1;
	_ =	shalt  }
.Lfunc_end2:
_tile_overlayer_lowered:
.L_overlay_start_2:
0x137: {  	(tag) =	ssettag $0x2  }
0x138: {  	s0 =	rddreg [dreg:$0x0];
	s2 =	stileid.u32  }
0x139: {  	s1 =	rddreg [dreg:$0x1];
	p0 =	sne.s32 s2, $0x0  }
0x13a: {  	s3 =	rddreg [dreg:$0x2];
	[bflag:$0x3] =	sbarrier.arrive $0xFFFF;
	s2 =	simm.s32 @!p0 $0x1C07  }
0x13b: {  	[timem:s3], [sflag:s2] =	dma.local @!p0 [hbm:s0], s1  }
0x13c: {  	s0 =	simm.s32 @!p0 $0x7  }
0x13d: {  	_ =	swait.ge @!p0 [sflag:s0], s1  }
0x13e: {  	s1 =	ssub.s32 @!p0 $0x0, s1;
	[sflag:s0] =	ssyncset.done @!p0 $0x0  }
0x13f: {  	[sflag:s0] =	ssyncadd.s32 @!p0 s1  }
0x140: {  	[bflag:$0x3] =	sbarrier.arrive $0xFFFF  }
0x141: {  	_ =	shalt  }

// kernel: sparse-core-data-format-call.cloned.1.call-start
scs
called_computation_lowered:
.L_overlay_start_0:
0x0: {  	s2 =	sld [smem:$0x3FD9]  }
0x1: {  	s3 =	sld [smem:$0x3FFE];
	_ =	sdelay $0x1  }
0x2: {  	s1 =	srdreg.scid  }
0x3: {  	s0 =	sand.u32 $0x1, s1  }
0x4: {  	s18 =	sshll.u32 s0, $0xA;
	s2 =	sadd.s32 s3, s2  }
0x5: {  	s2 =	sadd.s32 s2, s18  }
0x6: {  	[smem:$0x3FC6] =	sst s2  }
0x7: {  	_ = 	snop  }
0x8: {  	s2 =	sld [smem:$0x3FD0];
	(tm) =	ssettm $0x1  }
0x9: {  	s19 =	sld [smem:$0x3FFB];
	_ =	sdelay $0x3  }
0xa: {  	_ =	strace s19  }
0xb: {  	s3 =	sld [smem:$0x3FFC];
	_ =	sdelay $0x3  }
0xc: {  	_ =	strace s3  }
0xd: {  	s3 =	sld [smem:$0x3FFD];
	_ =	sdelay $0x3  }
0xe: {  	_ =	strace s3  }
0xf: {  	_ =	strace $0x8FFFFFFF  }
0x10: {  	s20 =	sld [smem:$0x3FDB];
	_ =	sdelay $0x1  }
0x11: {  	s4 =	simm.s32 $_scs_section_size  }
0x12: {  	s5 =	simm.s32 $_size__tile_overlayer_lowered;
	s6 =	simm.s32 $_tile_overlayer_lowered  }
0x13: {  	s23 =	simm.s32 $0x1BFF;
	s22 =	sshll.u32 s6, $0x1;
	s3 =	sadd.s32 s4, s20  }
0x14: {  	s7 =	simm.s32 $0x0;
	s21 =	sshll.u32 s5, $0x1;
	s5 =	sadd.s32 s22, s3  }
0x15: {  	[timem:s7], [sflag:s23] =	dma.local [hbm:s5], s21  }
0x16: {  	_ =	swait.ge [sflag:s23], s21  }
0x17: {  	s4 =	ssub.s32 $0x0, s21;
	[sflag:s23] =	ssyncset.done $0x0  }
0x18: {  	[sflag:s23] =	ssyncadd.s32 s4;
	_ =	sdelay $0x1  }
0x19: {  	s24 =	simm.s32 $0x1B8B  }
0x1a: {  	_ =	swait.ge [sflag:s24], $0x1  }
0x1b: {  	[sflag:s24] =	ssyncset.done $0x0  }
0x1c: {  	s26 =	simm.s32 $0x1B8E;
	s25 =	sld [smem:$0x3FFE];
	[sflag:s24] =	ssyncadd.s32 $0xFFFFFFFF  }
0x1d: {  	s27 =	simm.s32 $execute0_lowered;
	[smem:$0x3FD2] =	sst s26  }
0x1e: {  	s5 =	sshll.u32 s27, $0x1;
	_ =	strace $0x80000049;
	[dreg:$0x1] =	wrdreg $0xFFFFFFFF  }
0x1f: {  	s28 =	simm.s32 $_size_execute0_lowered;
	s3 =	sadd.s32 s3, s5;
	[dreg:$0x0] =	wrdreg $0x0  }
0x20: {  	s5 =	sshll.u32 s28, $0x1;
	[dreg:$0x2] =	wrdreg s3  }
0x21: {  	[dreg:$0x3] =	wrdreg s5  }
0x22: {  	[dreg:$0x4] =	wrdreg $0xC0  }
0x23: {  	_ =	task [dreg:s7], $0x5FFFF  }
0x24: {  	[dreg:$0x1] =	wrdreg $0xFFFFFFFF  }
0x25: {  	[dreg:$0x0] =	wrdreg $0x60  }
0x26: {  	[dreg:$0x2] =	wrdreg s25  }
0x27: {  	[dreg:$0x3] =	wrdreg s2  }
0x28: {  	[dreg:$0x4] =	wrdreg $0x9  }
0x29: {  	_ =	task.clear_ibuf [dreg:s7], $0x5FFFF;
	_ =	strace $0x90000049  }
0x2a: {  	s29 =	simm.s32 $0x9;
	_ =	strace $0x8000004B  }
0x2b: {  	_ =	swait.ge [sflag:s29], $0x1  }
0x2c: {  	[sflag:s29] =	ssyncadd.s32 $0xFFFFFFFF  }
0x2d: {  	_ =	strace $0x9000004B  }
0x2e: {  	_ =	sfence  }
0x2f: {  	s30 =	sld [smem:$0x0];
	_ =	sdelay $0x2  }
0x30: {  	s31 =	sshll.u32 s1, $0xD;
	s1 =	sshrl.u32 s1, $0x2  }
0x31: {  	s3 =	sand.u32 $0x4000, s31;
	s1 =	sadd.s32 s1, s30  }
0x32: {  	s0 =	sor.u32 s3, s0;
	s1 =	sshll.u32 s1, $0x11  }
0x33: {  	s0 =	sor.u32 s1, s0  }
0x34: {  	s0 =	sadd.s32 $0x8F2B, s0  }
0x35: {  	[sflag:s0] =	ssyncadd.remote.s32 $0x1  }
0x36: {  	_ =	sfence.sel $0xFFFF  }
0x37: {  	[dreg:$0x0] =	wrdreg $0xFFFFFFFF;
	(pc) =	sbr.abs _section_cstart, $3  }
0x38: {  	[dreg:$0x1] =	wrdreg $0xFFFFFFFF  }
0x39: {  	_ =	task.clear_ibuf [dreg:s7], $0x2FFFF;
	_ =	strace $0x9FFFFFFF  }
0x3a: {  	(tm) =	ssettm $0x7FFFFFFF  }
0x3b: {  	_ =	shalt  }
tec
execute0_lowered:
.L_overlay_start_1:
0x0: {  	(tag) =	ssettag $0x1  }
0x1: {  	s0 =	srdreg.scid  }
0x2: {  	s1 =	sshll.u32 s0, $0x4  }
0x3: {  	s0 =	stileid.u32;
	s1 =	sand.u32 $0x10, s1  }
0x4: {  	s1 =	sor.u32 s0, s1  }
0x5: {  	s6 =	rddreg [dreg:$0x0];
	s4 =	simm.s32 $0x1;
	s2 =	sshll.u32 s1, $0x7  }
0x6: {  	s7 =	simm.s32 $0x2;
	s12 =	simm.s32 $0x0;
	s1 =	ssub.s32 $0x4000, s2  }
0x7: {  	s8 =	simm.s32 $0x20000;
	s13 =	simm.s32 $0x0;
	s3 =	sand.u32 $0xF80, s1  }
0x8: {  	s9 =	simm.s32 $0x0;
	s5 =	sshrl.u32 s1, $0xC;
	p0 =	sne.s32 s3, $0x0  }
.Ltmp0:
0x9: {  	s1 =	rddreg [dreg:$0x2];
	s4 =	simm.s32 @!p0 $0x0;
	(pc) =	sbr.rel .LBB1_1-.Ltmp0, $4  }
0xa: {  	s11 =	simm.s32 $0x0;
	s3 =	rddreg [dreg:$0x1];
	s5 =	sadd.s32 s4, s5  }
0xb: {  	_ =	strace $0x8000004A;
	s4 =	simm.s32 $0x1;
	s5 =	smul.u32 $0x32, s5  }
0xc: {  	s6 =	sadd.s32 $0xA00, s6;
	s10 =	smov.u32 s2;
	[sflag:s4] =	ssyncpa.u1 $0x0  }
0xd: {  	p0 =	por $0x0, $0x0;
	[sflag:s7] =	ssyncpa.u1 $0x0;
	s7 =	sor.u32 $0x1, s5  }
.LBB1_4:
0xe: {  	s16 =	sshll.u32 s13, $0x3;
	s17 =	sand.u32 $0x78, s13  }
0xf: {  	s30 =	sand.u32 $0x1F800, s13;
	s12 =	sshll.u32 s12, $0x11;
	s16 =	sand.u32 $0x3C00, s16  }
0x10: {  	[tilespmem:s15+$0x810 ss:$0x81] =	vst.msk $0xffff, v2;
	s31 =	sand.u32 $0x7, s13;
	s16 =	sor.u32 s17, s16;
	s17 =	sadd.s32 s3, s30  }
0x11: {  	[tilespmem:s15+$0x1020 ss:$0x81] =	vst.msk $0xffff, v0;
	s13 =	sshll.u32 s31, $0x12;
	s12 =	sadd.s32 s12, s17;
	s16 =	sshrl.u32 s16, $0x3  }
0x12: {  	[tilespmem:s15+$0x0 ss:$0x81] =	vst.msk $0xffff, v1;
	s13 =	sor.u32 $0x400, s13;
	s12 =	sadd.s32 s16, s12  }
0x13: {  	[hbm4b:s12+s13] =	stream.strided.scatter [tilespmem:s14], [sflag:$0x2], $0x2000, s8, s13, $0x20;
	[tilespmem:$0x8080] =	vst v63  }
.LBB1_5:
0x14: {  	s14 =	sadd.s32 $0x1, s9  }
0x15: {  	s12 =	sadd.s32 $0x1000, s10;
	s16 =	smov.u32 s10;
	p2 =	sgt.s32 s14, $0x31  }
0x16: {  	s16 =	smov.u32 @p2 s12  }
0x17: {  	s14 =	simm.s32 @p2 $0x0;
	p2 =	sgt.s32 s16, $0x3FFF  }
0x18: {  	s16 =	smov.u32 @p2 s2;
	p2 =	sne.s32 s11, s7  }
.Ltmp1:
0x19: {  	p1 =	slt.u32 s11, $0x2;
	(pc) =	sbr.rel @!p2 .LBB1_6-.Ltmp1, $4  }
0x1a: {  	s15 =	simm.s32 @!p1 $0x2  }
0x1b: {  	s13 =	smov.u32 s10;
	p0 =	por !p0, !p0;
	_ =	swait.ge @!p1 [sflag:s15], $0x2000  }
0x1c: {  	s12 =	smov.u32 s9;
	[sflag:s15] =	ssyncset.done @!p1 $0x0;
	s9 =	smov.u32 s14  }
0x1d: {  	s11 =	sadd.s32 $0x1, s11;
	[sflag:s15] =	ssyncadd.s32 @!p1 $0xFFFFE000;
	s10 =	smov.u32 s16  }
.LBB1_1:
0x1e: {  	p1 =	sge.u32 s11, s5  }
0x1f: {  	s14 =	sand.u32 @!p1 $0x1FFFFFF, s9  }
0x20: {  	s15 =	smulhi.u32 @!p1 $0x4924925, s14;
	_ =	sdelay $0x1  }
0x21: {  	s15 =	smul.u32 @!p1 $0x38, s15  }
0x22: {  	s16 =	sxor.u32 @!p1 $0xFFFFFFFF, s11;
	s17 =	smul.u32 @!p1 $0x380, s10  }
0x23: {  	s31 =	sadd.s32 $0xFFFFFFFF, s11;
	s16 =	sshll.u32 @!p1 s16, $0xD;
	s14 =	ssub.s32 @!p1 s14, s15  }
0x24: {  	s15 =	sand.u32 @!p1 $0x2000, s16;
	s16 =	sadd.s32 @!p1 s6, s17;
	s14 =	sshll.u32 @!p1 s14, $0x4  }
0x25: {  	s17 =	simm.s32 @!p1 $0x1C00;
	s14 =	sadd.s32 @!p1 s14, s16;
	s16 =	simm.s32 @!p1 $0x40  }
0x26: {  	[tilespmem:s15], [sflag:$0x1] =	stream.strided.gather @!p1 [hbm4b:s14+s16], $0x2000, s17, s16, $0x38;
	[tilespmem:$0x8080] =	vst v63  }
0x27: {  	p1 =	sge.u32 s31, s5  }
.Ltmp2:
0x28: {  	_ = 	snop;
	(pc) =	sbr.rel @p1 .LBB1_5-.Ltmp2, $1  }
0x29: {  	_ =	sdelay $0x3  }
0x2a: {  	s14 =	simm.s32 $0x1  }
0x2b: {  	_ =	swait.ge [sflag:s4], $0x2000;
	s14 =	simm.s32 @!p0 $0x0  }
0x2c: {  	[sflag:s4] =	ssyncset.done $0x0;
	s15 =	sshll.u32 s14, $0xD  }
0x2d: {  	[sflag:s4] =	ssyncadd.s32 $0xFFFFE000;
	s18 =	sor.u32 $0x20, s15  }
0x2e: {  	s14 =	smul.u32 $0x8100, s14;
	v3 =	vld [tilespmem:s18+$0x10]  }
0x2f: {  	s30 =	sand.u32 $0x1, s11;
	v2 =	vld [tilespmem:s18+$0xFFFFFFF0]  }
0x30: {  	s15 =	smul.u32 $0x8100, s30;
	s14 =	sshrl.u32 s14, $0x2;
	v0 =	vld [tilespmem:s18+$0x0]  }
0x31: {  	v1 =	vld [tilespmem:s18+$0xFFFFFFE0];
	s16 =	sor.u32 $0x4000, s14  }
0x32: {  	s31 =	sshrl.u32 s15, $0x2;
	s15 =	sadd.s32 $0x0, s16  }
0x33: {  	s17 =	simm.s32 $0x4;
	s18 =	sadd.s32 $0x40, s18;
	s14 =	sor.u32 $0x4000, s31;
	[tilespmem:s15+$0x1830 ss:$0x81] =	vst.msk $0xffff, v3  }
.LBB1_3:
0x34: {  	v3 =	vld [tilespmem:s18+$0x10];
	p1 =	sne.s32 s17, $0x1FC;
	[tilespmem:s15+$0x810 ss:$0x81] =	vst.msk $0xffff, v2;
	s19 =	smov.u32 s17;
	s17 =	sadd.s32 $0x4, s17  }
.Ltmp3:
0x35: {  	v2 =	vld [tilespmem:s18+$0xFFFFFFF0];
	[tilespmem:s15+$0x1020 ss:$0x81] =	vst.msk $0xffff, v0;
	(pc) =	sbr.rel @p1 .LBB1_3-.Ltmp3, $4  }
0x36: {  	v0 =	vld [tilespmem:s18+$0x0];
	[tilespmem:s15+$0x0 ss:$0x81] =	vst.msk $0xffff, v1  }
0x37: {  	s15 =	sshra.s32 s19, $0x2;
	v1 =	vld [tilespmem:s18+$0xFFFFFFE0]  }
0x38: {  	s15 =	sadd.s32 s15, s16  }
0x39: {  	s18 =	sadd.s32 $0x40, s18;
	[tilespmem:s15+$0x1830 ss:$0x81] =	vst.msk $0xffff, v3  }
.Ltmp4:
0x3a: {  	_ = 	snop;
	(pc) =	sbr.rel .LBB1_4-.Ltmp4, $1  }
0x3b: {  	_ =	sdelay $0x3  }
.LBB1_6:
0x3c: {  	_ =	sfence.sel $0x180000  }
0x3d: {  	s2 =	simm.s32 $0x1;
	[bflag:$0x0] =	sbarrier.arrive $0xFFFF  }
0x3e: {  	s31 =	simm.s32 $0x2;
	[sflag:s2] =	ssyncpa.u1 $0x1  }
0x3f: {  	[sflag:s31] =	ssyncpa.u1 $0x1  }
0x40: {  	p0 =	sne.s32 s0, $0x0;
	_ =	strace $0x9000004A  }
0x41: {  	s0 =	sadd.s32 @!p0 $0x100000, s1;
	[bflag:$0x2] =	sbarrier.arrive $0xFFFF  }
0x42: {  	[sflag:s0] =	ssyncadd.tile.s32 @!p0 $0x1;
	_ =	shalt  }
.Lfunc_end1:
_tile_overlayer_lowered:
.L_overlay_start_2:
0x43: {  	(tag) =	ssettag $0x2  }
0x44: {  	s0 =	rddreg [dreg:$0x0];
	s2 =	stileid.u32  }
0x45: {  	s1 =	rddreg [dreg:$0x1];
	p0 =	sne.s32 s2, $0x0  }
0x46: {  	s3 =	rddreg [dreg:$0x2];
	[bflag:$0x3] =	sbarrier.arrive $0xFFFF;
	s2 =	simm.s32 @!p0 $0x1C01  }
0x47: {  	[timem:s3], [sflag:s2] =	dma.local @!p0 [hbm:s0], s1  }
0x48: {  	s0 =	simm.s32 @!p0 $0x1  }
0x49: {  	_ =	swait.ge @!p0 [sflag:s0], s1  }
0x4a: {  	s1 =	ssub.s32 @!p0 $0x0, s1;
	[sflag:s0] =	ssyncset.done @!p0 $0x0  }
0x4b: {  	[sflag:s0] =	ssyncadd.s32 @!p0 s1  }
0x4c: {  	[bflag:$0x3] =	sbarrier.arrive $0xFFFF  }
0x4d: {  	_ =	shalt  }

</sc_bundles>
